<compile_context>
chip_gen: v7x
topology: tpu7x:2x2x1
jax: 0.10.2.dev20260603
libtpu: 0.0.44.dev20260713+nightly
codegen_flags: <defaults>
</compile_context>

<pallas_src>
import jax
import jax.numpy as jnp
from jax import lax
from jax.experimental import pallas as pl
from jax.experimental.pallas import tpu as pltpu
from jax.experimental.pallas import tpu_sc as plsc

_N = 10000
_E = 320000
_D = 128
_R = 8

_NC = 2
_NS = 16
_C = 128
_CPT = 158
_EPAD = _NS * _CPT * _C
_DH = _D // _NC

_ACC_ROWS = 10240
_ZB = 64
_ORPS = _ACC_ROWS // _NS
_OC = 128



_BN = 1000


def _proj_body(x_ref, w_ref, loop_ref, b_ref, proj_ref, sl_ref):
    x = x_ref[...]
    for r in range(_R):
        proj_ref[r] = jnp.dot(x, w_ref[r], preferred_element_type=jnp.float32)
    sl_ref[...] = jnp.dot(x, loop_ref[...],
                          preferred_element_type=jnp.float32) + b_ref[...]


def _combine_proj_body(p_ref, sl_ref, w_ref, loop_ref, b_ref,
                       proj_ref, sl2_ref):
    agg = jnp.concatenate([p_ref[0], p_ref[1]], axis=-1)
    h = jnp.maximum(agg + sl_ref[...], 0.0)
    for r in range(_R):
        proj_ref[r] = jnp.dot(h, w_ref[r], preferred_element_type=jnp.float32)
    sl2_ref[...] = jnp.dot(h, loop_ref[...],
                           preferred_element_type=jnp.float32) + b_ref[...]


def _final_body(p_ref, sl_ref, out_ref):
    agg = jnp.concatenate([p_ref[0], p_ref[1]], axis=-1)
    out_ref[...] = jnp.maximum(agg + sl_ref[...], 0.0)


def _x_spec():
    return pl.BlockSpec((_BN, _D), lambda i: (i, 0))


def _parts_spec():
    return pl.BlockSpec((_NC, _BN, _DH), lambda i: (0, i, 0))


def _w_spec():
    return pl.BlockSpec((_R, _D, _D), lambda i: (0, 0, 0))


def _loop_spec():
    return pl.BlockSpec((_D, _D), lambda i: (0, 0))


def _b_spec():
    return pl.BlockSpec((1, _D), lambda i: (0, 0))


def _proj_spec():
    return pl.BlockSpec((_R, _BN, _D), lambda i: (0, i, 0))


_GRID = (_N // _BN,)


def _proj_call(x, w, loop_w, b2d):
    return pl.pallas_call(
        _proj_body,
        grid=_GRID,
        in_specs=[_x_spec(), _w_spec(), _loop_spec(), _b_spec()],
        out_specs=[_proj_spec(), _x_spec()],
        out_shape=[jax.ShapeDtypeStruct((_R, _N, _D), jnp.float32),
                   jax.ShapeDtypeStruct((_N, _D), jnp.float32)],
    )(x, w, loop_w, b2d)


def _combine_proj_call(parts, sl, w, loop_w, b2d):
    return pl.pallas_call(
        _combine_proj_body,
        grid=_GRID,
        in_specs=[_parts_spec(), _x_spec(), _w_spec(), _loop_spec(), _b_spec()],
        out_specs=[_proj_spec(), _x_spec()],
        out_shape=[jax.ShapeDtypeStruct((_R, _N, _D), jnp.float32),
                   jax.ShapeDtypeStruct((_N, _D), jnp.float32)],
    )(parts, sl, w, loop_w, b2d)


def _final_call(parts, sl):
    return pl.pallas_call(
        _final_body,
        grid=_GRID,
        in_specs=[_parts_spec(), _x_spec()],
        out_specs=_x_spec(),
        out_shape=jax.ShapeDtypeStruct((_N, _D), jnp.float32),
    )(parts, sl)




def _edge_body(flat_h, dst_h, proj_h, parts_h,
               gidx_v, dst_v, rows0_v, rows1_v, acc_sh, sem0, sem1):
    cid = lax.axis_index("c")
    sid = lax.axis_index("s")

    zvec = jnp.zeros((16,), jnp.float32)

    def zrow(t, carry):
        rows0_v[t // 4, pl.ds((t % 4) * 16, 16)] = zvec
        return carry

    lax.fori_loop(0, _C * _DH // 16, zrow, 0)
    for k in range(_ORPS // _C):
        base = sid * _ORPS + k * _C
        pltpu.sync_copy(rows0_v, acc_sh.at[pl.ds(base, _C)])
    plsc.subcore_barrier()

    pltpu.sync_copy(flat_h.at[sid], gidx_v.at[pl.ds(0, _CPT)])
    pltpu.sync_copy(dst_h.at[sid], dst_v)

    def cidx(j):
        for i in range(_C // 16):
            sl = pl.ds(i * 16, 16)
            gidx_v[j, sl] = gidx_v[j, sl] * _NC + cid

    cidx(0)
    cidx(1)
    pltpu.async_copy(proj_h.at[gidx_v.at[0]], rows0_v, sem0)

    def chunk2(jj, carry):
        j0 = 2 * jj
        j1 = j0 + 1
        pltpu.async_copy(proj_h.at[gidx_v.at[j1]], rows1_v, sem1)
        cidx(j0 + 2)
        cidx(j1 + 2)
        pltpu.make_async_copy(proj_h.at[pl.ds(0, _C)], rows0_v, sem0).wait()
        pltpu.sync_copy(rows0_v, acc_sh.at[dst_v.at[j0]], add=True)

        @pl.when(jj < _CPT // 2 - 1)
        def _():
            pltpu.async_copy(proj_h.at[gidx_v.at[j0 + 2]], rows0_v, sem0)

        pltpu.make_async_copy(proj_h.at[pl.ds(0, _C)], rows1_v, sem1).wait()
        pltpu.sync_copy(rows1_v, acc_sh.at[dst_v.at[j1]], add=True)
        return carry

    lax.fori_loop(0, _CPT // 2, chunk2, 0)
    plsc.subcore_barrier()

    for k in range(_ORPS // _OC):
        base = sid * _ORPS + k * _OC
        pltpu.sync_copy(acc_sh.at[pl.ds(base, _OC)], rows0_v.at[pl.ds(0, _OC)])
        pltpu.sync_copy(rows0_v.at[pl.ds(0, _OC)],
                        parts_h.at[cid, pl.ds(base, _OC)])


_edge_call = pl.kernel(
    _edge_body,
    out_type=jax.ShapeDtypeStruct((_NC, _ACC_ROWS, _DH), jnp.float32),
    mesh=plsc.VectorSubcoreMesh(core_axis_name="c", subcore_axis_name="s"),
    scratch_types=[
        pltpu.VMEM((_CPT + 2, _C), jnp.int32),
        pltpu.VMEM((_CPT, _C), jnp.int32),
        pltpu.VMEM((_C, _DH), jnp.float32),
        pltpu.VMEM((_C, _DH), jnp.float32),
        pltpu.VMEM_SHARED((_ACC_ROWS, _DH), jnp.float32),
        pltpu.SemaphoreType.DMA,
        pltpu.SemaphoreType.DMA,
    ],
    compiler_params=pltpu.CompilerParams(use_tc_tiling_on_sc=False),
)




def kernel(feat, edge_index, etype, W1, loop1, b1, W2, loop2, b2):
    src = edge_index[0]
    dst = edge_index[1]
    pad = _EPAD - _E
    flat = etype * _N + src
    flat3 = jnp.concatenate([flat, jnp.zeros((pad,), jnp.int32)]
                            ).reshape(_NS, _CPT, _C)
    dst3 = jnp.concatenate([dst, jnp.full((pad,), _N, jnp.int32)]
                           ).reshape(_NS, _CPT, _C)

    proj1, sl1 = _proj_call(feat, W1, loop1, b1.reshape(1, _D))
    parts1 = _edge_call(flat3, dst3, proj1.reshape(_R * _N * _NC, _DH))
    proj2, sl2 = _combine_proj_call(parts1, sl1, W2, loop2, b2.reshape(1, _D))
    parts2 = _edge_call(flat3, dst3, proj2.reshape(_R * _N * _NC, _DH))
    return _final_call(parts2, sl2)

# --- scband reference (transcript-rebuilt; emitter-appended) ---
"""Pipeline reference for scband-subgraph-gnn-39891656245357 (READ-ONLY COPY).

The authoritative reference and input builder live on the scoring server;
editing this copy changes nothing except your own understanding.
"""

import jax, jax.numpy as jnp
import numpy as np

N = 10000
E = 320000
D = 128
R = 8


def setup_inputs(seed: int = 0) -> dict:
    key = jax.random.key(seed)
    ks = jax.random.split(key, 10)
    feat = jax.random.normal(ks[0], (N, D), dtype=jnp.float32)
    edge_index = jax.random.randint(ks[1], (2, E), 0, N, dtype=jnp.int32)
    etype = jax.random.randint(ks[2], (E,), 0, R, dtype=jnp.int32)
    s = 1.0 / np.sqrt(D)
    W1 = jax.random.uniform(ks[3], (R, D, D), jnp.float32, -s, s)
    loop1 = jax.random.uniform(ks[4], (D, D), jnp.float32, -s, s)
    b1 = jnp.zeros((D,), jnp.float32)
    W2 = jax.random.uniform(ks[5], (R, D, D), jnp.float32, -s, s)
    loop2 = jax.random.uniform(ks[6], (D, D), jnp.float32, -s, s)
    b2 = jnp.zeros((D,), jnp.float32)
    return {"feat": feat, "edge_index": edge_index, "etype": etype,
            "W1": W1, "loop1": loop1, "b1": b1,
            "W2": W2, "loop2": loop2, "b2": b2}


def _rel_graph_conv(h, src, dst, etype, W, loop_w, b):
    # DGL RelGraphConv (regularizer=None, self_loop=True, bias=True):
    # per-edge message m_e = W_{etype_e} @ h_{src_e}, aggregated by sum over dst,
    # then + h @ loop_weight + bias.
    # Equivalent formulation: precompute per-relation projections of all nodes,
    # then gather (etype_e, src_e) -- same math, avoids materializing per-edge W.
    proj = jnp.einsum('ni,rio->rno', h, W)          # [R, N, D]
    msg = proj[etype, src]                           # [E, D] gather
    agg = jax.ops.segment_sum(msg, dst, num_segments=N)  # [N, D] scatter-add
    return agg + h @ loop_w + b


def reference(feat, edge_index, etype, W1, loop1, b1, W2, loop2, b2):
    src = edge_index[0]
    dst = edge_index[1]
    h = _rel_graph_conv(feat, src, dst, etype, W1, loop1, b1)
    h = jax.nn.relu(h)
    h = _rel_graph_conv(h, src, dst, etype, W2, loop2, b2)
    h = jax.nn.relu(h)
    return h

if __name__ == "__main__":
    import jax
    _d = setup_inputs()
    print(jax.jit(kernel)(*tuple(_d.values())))

</pallas_src>

<mosaic_0001>
#map = affine_map<(d0, d1) -> (0, 0, 0)>
#map1 = affine_map<(d0, d1) -> (0, 0)>
module attributes {stable_mosaic.version = 14 : i64} {
  func.func @_edge_body(%arg0: i32, %arg1: i32, %arg2: memref<16x158x128xi32, #tpu.memory_space<hbm>>, %arg3: memref<16x158x128xi32, #tpu.memory_space<hbm>>, %arg4: memref<160000x64xf32, #tpu.memory_space<hbm>>, %arg5: memref<2x10240x64xf32, #tpu.memory_space<hbm>>, %arg6: memref<160x128xi32, #tpu.memory_space<vmem>>, %arg7: memref<158x128xi32, #tpu.memory_space<vmem>>, %arg8: memref<128x64xf32, #tpu.memory_space<vmem>>, %arg9: memref<128x64xf32, #tpu.memory_space<vmem>>, %arg10: memref<10240x64xf32, #tpu.memory_space<vmem_shared>>, %arg11: memref<!tpu.dma_semaphore, #tpu.memory_space<semaphore_mem>>, %arg12: memref<!tpu.dma_semaphore, #tpu.memory_space<semaphore_mem>>) attributes {dimension_semantics = [#tpu.dimension_semantics<core_parallel>, #tpu.dimension_semantics<subcore_parallel>], iteration_bounds = array<i64: 2, 16>, scalar_prefetch = 0 : i64, scratch_operands = 7 : i64, tpu.core_type = #tpu.core_type<sc_vector_subcore>, window_params = [{transform_indices = #map}, {transform_indices = #map}, {transform_indices = #map1}, {transform_indices = #map}]} {
    %broadcast_in_dim3A = arith.constant 0.000000e+00 : f32
    %broadcast_in_dim3A_0 = vector.broadcast %broadcast_in_dim3A : f32 to vector<16xf32>
    %scan3A = arith.constant 0 : i32
    %scan3A_1 = arith.constant 0 : i32
    %scan3A_2 = arith.constant 512 : i32
    %scan3A_3 = arith.addi %scan3A_1, %scan3A_2 : i32
    %scan3A_4 = arith.constant 1 : i32
    scf.for %scan3A_311 = %scan3A_1 to %scan3A_3 step %scan3A_4  : i32 {
      %jit3A = arith.constant 4 : i32
      %div3A = arith.divsi %scan3A_311, %jit3A : i32
      %sign3A = arith.constant 0 : i32
      %sign3A_312 = arith.cmpi sgt, %scan3A_311, %sign3A : i32
      %sign3A_313 = arith.extui %sign3A_312 : i1 to i32
      %sign3A_314 = arith.constant 0 : i32
      %sign3A_315 = arith.cmpi slt, %scan3A_311, %sign3A_314 : i32
      %sign3A_316 = arith.extui %sign3A_315 : i1 to i32
      %sign3A_317 = arith.subi %sign3A_313, %sign3A_316 : i32
      %sign3A_318 = arith.constant 0 : i32
      %sign3A_319 = arith.cmpi sgt, %jit3A, %sign3A_318 : i32
      %sign3A_320 = arith.extui %sign3A_319 : i1 to i32
      %sign3A_321 = arith.constant 0 : i32
      %sign3A_322 = arith.cmpi slt, %jit3A, %sign3A_321 : i32
      %sign3A_323 = arith.extui %sign3A_322 : i1 to i32
      %sign3A_324 = arith.subi %sign3A_320, %sign3A_323 : i32
      %ne3A = arith.cmpi ne, %sign3A_317, %sign3A_324 : i32
      %rem3A = arith.remsi %scan3A_311, %jit3A : i32
      %ne3A_325 = arith.constant 0 : i32
      %ne3A_326 = arith.cmpi ne, %rem3A, %ne3A_325 : i32
      %and3A = arith.andi %ne3A, %ne3A_326 : i1
      %sub3A = arith.constant 1 : i32
      %sub3A_327 = arith.subi %div3A, %sub3A : i32
      %select_n3A = arith.select %and3A, %sub3A_327, %div3A : i32
      %jit3A_328 = arith.constant 4 : i32
      %eq3A = arith.constant 0 : i32
      %eq3A_329 = arith.cmpi eq, %jit3A_328, %eq3A : i32
      %jit3A_330 = arith.constant 1 : i32
      %select_n3A_331 = arith.select %eq3A_329, %jit3A_330, %jit3A_328 : i32
      %rem3A_332 = arith.remsi %scan3A_311, %select_n3A_331 : i32
      %ne3A_333 = arith.constant 0 : i32
      %ne3A_334 = arith.cmpi ne, %rem3A_332, %ne3A_333 : i32
      %lt3A = arith.constant 0 : i32
      %lt3A_335 = arith.cmpi slt, %rem3A_332, %lt3A : i32
      %lt3A_336 = arith.constant 0 : i32
      %lt3A_337 = arith.cmpi slt, %select_n3A_331, %lt3A_336 : i32
      %ne3A_338 = arith.xori %lt3A_335, %lt3A_337 : i1
      %and3A_339 = arith.andi %ne3A_338, %ne3A_334 : i1
      %add3A_340 = arith.addi %rem3A_332, %select_n3A_331 : i32
      %select_n3A_341 = arith.select %and3A_339, %add3A_340, %rem3A_332 : i32
      %mul3A_342 = arith.constant 16 : i32
      %mul3A_343 = arith.muli %select_n3A_341, %mul3A_342 : i32
      %swap3A_344 = arith.index_cast %select_n3A : i32 to index
      %swap3A_345 = arith.index_cast %mul3A_343 : i32 to index
      %swap3A_346 = tpu.vector_load %arg8[%swap3A_344, %swap3A_345] {strides = array<i32>} : memref<128x64xf32, #tpu.memory_space<vmem>>, vector<1x16xf32>,
      %swap3A_347 = vector.shape_cast %swap3A_346 : vector<1x16xf32> to vector<16xf32>
      %swap3A_348 = vector.shape_cast %broadcast_in_dim3A_0 : vector<16xf32> to vector<1x16xf32>
      tpu.vector_store %arg8[%swap3A_344, %swap3A_345], %swap3A_348 {strides = array<i32>} : memref<128x64xf32, #tpu.memory_space<vmem>>, vector<1x16xf32>,
    }
    %scan3A_5 = arith.constant 512 : i32
    %mul3A = arith.constant 640 : i32
    %mul3A_6 = arith.muli %arg1, %mul3A : i32
    %add3A = arith.constant 0 : i32
    %add3A_7 = arith.addi %mul3A_6, %add3A : i32
    "tpu.region"() ({
      %run_scoped3A = tpu.sem_alloc : memref<!tpu.dma_semaphore, #tpu.memory_space<semaphore_mem>>
      %dma_start3A_311 = arith.constant 0 : i32
      %dma_start3A_312 = tpu.memref_slice %arg10[%add3A_7, %dma_start3A_311] : memref<10240x64xf32, #tpu.memory_space<vmem_shared>> -> memref<128x64xf32, #tpu.memory_space<vmem_shared>>
      %dma_start3A_313 = arith.constant 0 : i32
      %dma_start3A_314 = tpu.memref_slice %arg10[%add3A_7, %dma_start3A_313] : memref<10240x64xf32, #tpu.memory_space<vmem_shared>> -> memref<128x64xf32, #tpu.memory_space<vmem_shared>>
      tpu.enqueue_dma source(%arg8 : memref<128x64xf32, #tpu.memory_space<vmem>>) target(%dma_start3A_314 : memref<128x64xf32, #tpu.memory_space<vmem_shared>>) target_semaphore(%run_scoped3A : memref<!tpu.dma_semaphore, #tpu.memory_space<semaphore_mem>>)
      %dma_wait3A = arith.constant 0 : i32
      %dma_wait3A_315 = tpu.memref_slice %arg10[%add3A_7, %dma_wait3A] : memref<10240x64xf32, #tpu.memory_space<vmem_shared>> -> memref<128x64xf32, #tpu.memory_space<vmem_shared>>
      %dma_wait3A_316 = arith.constant 0 : i32
      %dma_wait3A_317 = tpu.memref_slice %arg10[%add3A_7, %dma_wait3A_316] : memref<10240x64xf32, #tpu.memory_space<vmem_shared>> -> memref<128x64xf32, #tpu.memory_space<vmem_shared>>
      tpu.wait_dma2 semaphore(%run_scoped3A : memref<!tpu.dma_semaphore, #tpu.memory_space<semaphore_mem>>) src(%arg8 : memref<128x64xf32, #tpu.memory_space<vmem>>) dst(%dma_wait3A_317 : memref<128x64xf32, #tpu.memory_space<vmem_shared>>)
      tpu.yield
    }) : () -> ()
    %mul3A_8 = arith.constant 640 : i32
    %mul3A_9 = arith.muli %arg1, %mul3A_8 : i32
    %add3A_10 = arith.constant 128 : i32
    %add3A_11 = arith.addi %mul3A_9, %add3A_10 : i32
    "tpu.region"() ({
      %run_scoped3A = tpu.sem_alloc : memref<!tpu.dma_semaphore, #tpu.memory_space<semaphore_mem>>
      %dma_start3A_311 = arith.constant 0 : i32
      %dma_start3A_312 = tpu.memref_slice %arg10[%add3A_11, %dma_start3A_311] : memref<10240x64xf32, #tpu.memory_space<vmem_shared>> -> memref<128x64xf32, #tpu.memory_space<vmem_shared>>
      %dma_start3A_313 = arith.constant 0 : i32
      %dma_start3A_314 = tpu.memref_slice %arg10[%add3A_11, %dma_start3A_313] : memref<10240x64xf32, #tpu.memory_space<vmem_shared>> -> memref<128x64xf32, #tpu.memory_space<vmem_shared>>
      tpu.enqueue_dma source(%arg8 : memref<128x64xf32, #tpu.memory_space<vmem>>) target(%dma_start3A_314 : memref<128x64xf32, #tpu.memory_space<vmem_shared>>) target_semaphore(%run_scoped3A : memref<!tpu.dma_semaphore, #tpu.memory_space<semaphore_mem>>)
      %dma_wait3A = arith.constant 0 : i32
      %dma_wait3A_315 = tpu.memref_slice %arg10[%add3A_11, %dma_wait3A] : memref<10240x64xf32, #tpu.memory_space<vmem_shared>> -> memref<128x64xf32, #tpu.memory_space<vmem_shared>>
      %dma_wait3A_316 = arith.constant 0 : i32
      %dma_wait3A_317 = tpu.memref_slice %arg10[%add3A_11, %dma_wait3A_316] : memref<10240x64xf32, #tpu.memory_space<vmem_shared>> -> memref<128x64xf32, #tpu.memory_space<vmem_shared>>
      tpu.wait_dma2 semaphore(%run_scoped3A : memref<!tpu.dma_semaphore, #tpu.memory_space<semaphore_mem>>) src(%arg8 : memref<128x64xf32, #tpu.memory_space<vmem>>) dst(%dma_wait3A_317 : memref<128x64xf32, #tpu.memory_space<vmem_shared>>)
      tpu.yield
    }) : () -> ()
    %mul3A_12 = arith.constant 640 : i32
    %mul3A_13 = arith.muli %arg1, %mul3A_12 : i32
    %add3A_14 = arith.constant 256 : i32
    %add3A_15 = arith.addi %mul3A_13, %add3A_14 : i32
    "tpu.region"() ({
      %run_scoped3A = tpu.sem_alloc : memref<!tpu.dma_semaphore, #tpu.memory_space<semaphore_mem>>
      %dma_start3A_311 = arith.constant 0 : i32
      %dma_start3A_312 = tpu.memref_slice %arg10[%add3A_15, %dma_start3A_311] : memref<10240x64xf32, #tpu.memory_space<vmem_shared>> -> memref<128x64xf32, #tpu.memory_space<vmem_shared>>
      %dma_start3A_313 = arith.constant 0 : i32
      %dma_start3A_314 = tpu.memref_slice %arg10[%add3A_15, %dma_start3A_313] : memref<10240x64xf32, #tpu.memory_space<vmem_shared>> -> memref<128x64xf32, #tpu.memory_space<vmem_shared>>
      tpu.enqueue_dma source(%arg8 : memref<128x64xf32, #tpu.memory_space<vmem>>) target(%dma_start3A_314 : memref<128x64xf32, #tpu.memory_space<vmem_shared>>) target_semaphore(%run_scoped3A : memref<!tpu.dma_semaphore, #tpu.memory_space<semaphore_mem>>)
      %dma_wait3A = arith.constant 0 : i32
      %dma_wait3A_315 = tpu.memref_slice %arg10[%add3A_15, %dma_wait3A] : memref<10240x64xf32, #tpu.memory_space<vmem_shared>> -> memref<128x64xf32, #tpu.memory_space<vmem_shared>>
      %dma_wait3A_316 = arith.constant 0 : i32
      %dma_wait3A_317 = tpu.memref_slice %arg10[%add3A_15, %dma_wait3A_316] : memref<10240x64xf32, #tpu.memory_space<vmem_shared>> -> memref<128x64xf32, #tpu.memory_space<vmem_shared>>
      tpu.wait_dma2 semaphore(%run_scoped3A : memref<!tpu.dma_semaphore, #tpu.memory_space<semaphore_mem>>) src(%arg8 : memref<128x64xf32, #tpu.memory_space<vmem>>) dst(%dma_wait3A_317 : memref<128x64xf32, #tpu.memory_space<vmem_shared>>)
      tpu.yield
    }) : () -> ()
    %mul3A_16 = arith.constant 640 : i32
    %mul3A_17 = arith.muli %arg1, %mul3A_16 : i32
    %add3A_18 = arith.constant 384 : i32
    %add3A_19 = arith.addi %mul3A_17, %add3A_18 : i32
    "tpu.region"() ({
      %run_scoped3A = tpu.sem_alloc : memref<!tpu.dma_semaphore, #tpu.memory_space<semaphore_mem>>
      %dma_start3A_311 = arith.constant 0 : i32
      %dma_start3A_312 = tpu.memref_slice %arg10[%add3A_19, %dma_start3A_311] : memref<10240x64xf32, #tpu.memory_space<vmem_shared>> -> memref<128x64xf32, #tpu.memory_space<vmem_shared>>
      %dma_start3A_313 = arith.constant 0 : i32
      %dma_start3A_314 = tpu.memref_slice %arg10[%add3A_19, %dma_start3A_313] : memref<10240x64xf32, #tpu.memory_space<vmem_shared>> -> memref<128x64xf32, #tpu.memory_space<vmem_shared>>
      tpu.enqueue_dma source(%arg8 : memref<128x64xf32, #tpu.memory_space<vmem>>) target(%dma_start3A_314 : memref<128x64xf32, #tpu.memory_space<vmem_shared>>) target_semaphore(%run_scoped3A : memref<!tpu.dma_semaphore, #tpu.memory_space<semaphore_mem>>)
      %dma_wait3A = arith.constant 0 : i32
      %dma_wait3A_315 = tpu.memref_slice %arg10[%add3A_19, %dma_wait3A] : memref<10240x64xf32, #tpu.memory_space<vmem_shared>> -> memref<128x64xf32, #tpu.memory_space<vmem_shared>>
      %dma_wait3A_316 = arith.constant 0 : i32
      %dma_wait3A_317 = tpu.memref_slice %arg10[%add3A_19, %dma_wait3A_316] : memref<10240x64xf32, #tpu.memory_space<vmem_shared>> -> memref<128x64xf32, #tpu.memory_space<vmem_shared>>
      tpu.wait_dma2 semaphore(%run_scoped3A : memref<!tpu.dma_semaphore, #tpu.memory_space<semaphore_mem>>) src(%arg8 : memref<128x64xf32, #tpu.memory_space<vmem>>) dst(%dma_wait3A_317 : memref<128x64xf32, #tpu.memory_space<vmem_shared>>)
      tpu.yield
    }) : () -> ()
    %mul3A_20 = arith.constant 640 : i32
    %mul3A_21 = arith.muli %arg1, %mul3A_20 : i32
    %add3A_22 = arith.constant 512 : i32
    %add3A_23 = arith.addi %mul3A_21, %add3A_22 : i32
    "tpu.region"() ({
      %run_scoped3A = tpu.sem_alloc : memref<!tpu.dma_semaphore, #tpu.memory_space<semaphore_mem>>
      %dma_start3A_311 = arith.constant 0 : i32
      %dma_start3A_312 = tpu.memref_slice %arg10[%add3A_23, %dma_start3A_311] : memref<10240x64xf32, #tpu.memory_space<vmem_shared>> -> memref<128x64xf32, #tpu.memory_space<vmem_shared>>
      %dma_start3A_313 = arith.constant 0 : i32
      %dma_start3A_314 = tpu.memref_slice %arg10[%add3A_23, %dma_start3A_313] : memref<10240x64xf32, #tpu.memory_space<vmem_shared>> -> memref<128x64xf32, #tpu.memory_space<vmem_shared>>
      tpu.enqueue_dma source(%arg8 : memref<128x64xf32, #tpu.memory_space<vmem>>) target(%dma_start3A_314 : memref<128x64xf32, #tpu.memory_space<vmem_shared>>) target_semaphore(%run_scoped3A : memref<!tpu.dma_semaphore, #tpu.memory_space<semaphore_mem>>)
      %dma_wait3A = arith.constant 0 : i32
      %dma_wait3A_315 = tpu.memref_slice %arg10[%add3A_23, %dma_wait3A] : memref<10240x64xf32, #tpu.memory_space<vmem_shared>> -> memref<128x64xf32, #tpu.memory_space<vmem_shared>>
      %dma_wait3A_316 = arith.constant 0 : i32
      %dma_wait3A_317 = tpu.memref_slice %arg10[%add3A_23, %dma_wait3A_316] : memref<10240x64xf32, #tpu.memory_space<vmem_shared>> -> memref<128x64xf32, #tpu.memory_space<vmem_shared>>
      tpu.wait_dma2 semaphore(%run_scoped3A : memref<!tpu.dma_semaphore, #tpu.memory_space<semaphore_mem>>) src(%arg8 : memref<128x64xf32, #tpu.memory_space<vmem>>) dst(%dma_wait3A_317 : memref<128x64xf32, #tpu.memory_space<vmem_shared>>)
      tpu.yield
    }) : () -> ()
    %barrier3A = arith.constant 0 : index
    tpu.barrier barrier_id(%barrier3A)
    "tpu.region"() ({
      %run_scoped3A = tpu.sem_alloc : memref<!tpu.dma_semaphore, #tpu.memory_space<semaphore_mem>>
      %dma_start3A_311 = arith.constant 0 : i32
      %dma_start3A_312 = arith.constant 0 : i32
      %dma_start3A_313 = tpu.memref_slice %arg6[%dma_start3A_311, %dma_start3A_312] : memref<160x128xi32, #tpu.memory_space<vmem>> -> memref<158x128xi32, #tpu.memory_space<vmem>>
      %dma_start3A_314 = arith.constant 0 : i32
      %dma_start3A_315 = arith.constant 0 : i32
      %dma_start3A_316 = tpu.memref_slice %arg2[%arg1, %dma_start3A_314, %dma_start3A_315] : memref<16x158x128xi32, #tpu.memory_space<hbm>> -> memref<1x158x128xi32, #tpu.memory_space<hbm>>
      %dma_start3A_317 = tpu.memref_squeeze %dma_start3A_316 : memref<1x158x128xi32, #tpu.memory_space<hbm>> -> memref<158x128xi32, #tpu.memory_space<hbm>>
      %dma_start3A_318 = arith.constant 0 : i32
      %dma_start3A_319 = arith.constant 0 : i32
      %dma_start3A_320 = tpu.memref_slice %arg6[%dma_start3A_318, %dma_start3A_319] : memref<160x128xi32, #tpu.memory_space<vmem>> -> memref<158x128xi32, #tpu.memory_space<vmem>>
      %dma_start3A_321 = arith.constant 0 : i32
      %dma_start3A_322 = arith.constant 0 : i32
      %dma_start3A_323 = tpu.memref_slice %arg2[%arg1, %dma_start3A_321, %dma_start3A_322] : memref<16x158x128xi32, #tpu.memory_space<hbm>> -> memref<1x158x128xi32, #tpu.memory_space<hbm>>
      %dma_start3A_324 = tpu.memref_squeeze %dma_start3A_323 : memref<1x158x128xi32, #tpu.memory_space<hbm>> -> memref<158x128xi32, #tpu.memory_space<hbm>>
      tpu.enqueue_dma source(%dma_start3A_324 : memref<158x128xi32, #tpu.memory_space<hbm>>) target(%dma_start3A_320 : memref<158x128xi32, #tpu.memory_space<vmem>>) target_semaphore(%run_scoped3A : memref<!tpu.dma_semaphore, #tpu.memory_space<semaphore_mem>>)
      %dma_wait3A = arith.constant 0 : i32
      %dma_wait3A_325 = arith.constant 0 : i32
      %dma_wait3A_326 = tpu.memref_slice %arg6[%dma_wait3A, %dma_wait3A_325] : memref<160x128xi32, #tpu.memory_space<vmem>> -> memref<158x128xi32, #tpu.memory_space<vmem>>
      %dma_wait3A_327 = arith.constant 0 : i32
      %dma_wait3A_328 = arith.constant 0 : i32
      %dma_wait3A_329 = tpu.memref_slice %arg2[%arg1, %dma_wait3A_327, %dma_wait3A_328] : memref<16x158x128xi32, #tpu.memory_space<hbm>> -> memref<1x158x128xi32, #tpu.memory_space<hbm>>
      %dma_wait3A_330 = tpu.memref_squeeze %dma_wait3A_329 : memref<1x158x128xi32, #tpu.memory_space<hbm>> -> memref<158x128xi32, #tpu.memory_space<hbm>>
      %dma_wait3A_331 = arith.constant 0 : i32
      %dma_wait3A_332 = arith.constant 0 : i32
      %dma_wait3A_333 = tpu.memref_slice %arg6[%dma_wait3A_331, %dma_wait3A_332] : memref<160x128xi32, #tpu.memory_space<vmem>> -> memref<158x128xi32, #tpu.memory_space<vmem>>
      %dma_wait3A_334 = arith.constant 0 : i32
      %dma_wait3A_335 = arith.constant 0 : i32
      %dma_wait3A_336 = tpu.memref_slice %arg2[%arg1, %dma_wait3A_334, %dma_wait3A_335] : memref<16x158x128xi32, #tpu.memory_space<hbm>> -> memref<1x158x128xi32, #tpu.memory_space<hbm>>
      %dma_wait3A_337 = tpu.memref_squeeze %dma_wait3A_336 : memref<1x158x128xi32, #tpu.memory_space<hbm>> -> memref<158x128xi32, #tpu.memory_space<hbm>>
      tpu.wait_dma2 semaphore(%run_scoped3A : memref<!tpu.dma_semaphore, #tpu.memory_space<semaphore_mem>>) src(%dma_wait3A_337 : memref<158x128xi32, #tpu.memory_space<hbm>>) dst(%dma_wait3A_333 : memref<158x128xi32, #tpu.memory_space<vmem>>)
      tpu.yield
    }) : () -> ()
    "tpu.region"() ({
      %run_scoped3A = tpu.sem_alloc : memref<!tpu.dma_semaphore, #tpu.memory_space<semaphore_mem>>
      %dma_start3A_311 = arith.constant 0 : i32
      %dma_start3A_312 = arith.constant 0 : i32
      %dma_start3A_313 = tpu.memref_slice %arg3[%arg1, %dma_start3A_311, %dma_start3A_312] : memref<16x158x128xi32, #tpu.memory_space<hbm>> -> memref<1x158x128xi32, #tpu.memory_space<hbm>>
      %dma_start3A_314 = tpu.memref_squeeze %dma_start3A_313 : memref<1x158x128xi32, #tpu.memory_space<hbm>> -> memref<158x128xi32, #tpu.memory_space<hbm>>
      %dma_start3A_315 = arith.constant 0 : i32
      %dma_start3A_316 = arith.constant 0 : i32
      %dma_start3A_317 = tpu.memref_slice %arg3[%arg1, %dma_start3A_315, %dma_start3A_316] : memref<16x158x128xi32, #tpu.memory_space<hbm>> -> memref<1x158x128xi32, #tpu.memory_space<hbm>>
      %dma_start3A_318 = tpu.memref_squeeze %dma_start3A_317 : memref<1x158x128xi32, #tpu.memory_space<hbm>> -> memref<158x128xi32, #tpu.memory_space<hbm>>
      tpu.enqueue_dma source(%dma_start3A_318 : memref<158x128xi32, #tpu.memory_space<hbm>>) target(%arg7 : memref<158x128xi32, #tpu.memory_space<vmem>>) target_semaphore(%run_scoped3A : memref<!tpu.dma_semaphore, #tpu.memory_space<semaphore_mem>>)
      %dma_wait3A = arith.constant 0 : i32
      %dma_wait3A_319 = arith.constant 0 : i32
      %dma_wait3A_320 = tpu.memref_slice %arg3[%arg1, %dma_wait3A, %dma_wait3A_319] : memref<16x158x128xi32, #tpu.memory_space<hbm>> -> memref<1x158x128xi32, #tpu.memory_space<hbm>>
      %dma_wait3A_321 = tpu.memref_squeeze %dma_wait3A_320 : memref<1x158x128xi32, #tpu.memory_space<hbm>> -> memref<158x128xi32, #tpu.memory_space<hbm>>
      %dma_wait3A_322 = arith.constant 0 : i32
      %dma_wait3A_323 = arith.constant 0 : i32
      %dma_wait3A_324 = tpu.memref_slice %arg3[%arg1, %dma_wait3A_322, %dma_wait3A_323] : memref<16x158x128xi32, #tpu.memory_space<hbm>> -> memref<1x158x128xi32, #tpu.memory_space<hbm>>
      %dma_wait3A_325 = tpu.memref_squeeze %dma_wait3A_324 : memref<1x158x128xi32, #tpu.memory_space<hbm>> -> memref<158x128xi32, #tpu.memory_space<hbm>>
      tpu.wait_dma2 semaphore(%run_scoped3A : memref<!tpu.dma_semaphore, #tpu.memory_space<semaphore_mem>>) src(%dma_wait3A_325 : memref<158x128xi32, #tpu.memory_space<hbm>>) dst(%arg7 : memref<158x128xi32, #tpu.memory_space<vmem>>)
      tpu.yield
    }) : () -> ()
    %get3A = arith.constant 0 : i32
    %get3A_24 = arith.index_cast %get3A : i32 to index
    %get3A_25 = arith.constant 0 : index
    %get3A_26 = tpu.vector_load %arg6[%get3A_24, %get3A_25] {strides = array<i32>} : memref<160x128xi32, #tpu.memory_space<vmem>>, vector<1x16xi32>,
    %get3A_27 = vector.shape_cast %get3A_26 : vector<1x16xi32> to vector<16xi32>
    %mul3A_28 = arith.constant 2 : i32
    %mul3A_29 = vector.broadcast %mul3A_28 : i32 to vector<16xi32>
    %mul3A_30 = arith.muli %get3A_27, %mul3A_29 : vector<16xi32>
    %add3A_31 = vector.broadcast %arg0 : i32 to vector<16xi32>
    %add3A_32 = arith.addi %mul3A_30, %add3A_31 : vector<16xi32>
    %swap3A = arith.constant 0 : i32
    %swap3A_33 = arith.index_cast %swap3A : i32 to index
    %swap3A_34 = arith.constant 0 : index
    %swap3A_35 = tpu.vector_load %arg6[%swap3A_33, %swap3A_34] {strides = array<i32>} : memref<160x128xi32, #tpu.memory_space<vmem>>, vector<1x16xi32>,
    %swap3A_36 = vector.shape_cast %swap3A_35 : vector<1x16xi32> to vector<16xi32>
    %swap3A_37 = vector.shape_cast %add3A_32 : vector<16xi32> to vector<1x16xi32>
    tpu.vector_store %arg6[%swap3A_33, %swap3A_34], %swap3A_37 {strides = array<i32>} : memref<160x128xi32, #tpu.memory_space<vmem>>, vector<1x16xi32>,
    %get3A_38 = arith.constant 0 : i32
    %get3A_39 = arith.index_cast %get3A_38 : i32 to index
    %get3A_40 = arith.constant 16 : index
    %get3A_41 = tpu.vector_load %arg6[%get3A_39, %get3A_40] {strides = array<i32>} : memref<160x128xi32, #tpu.memory_space<vmem>>, vector<1x16xi32>,
    %get3A_42 = vector.shape_cast %get3A_41 : vector<1x16xi32> to vector<16xi32>
    %mul3A_43 = arith.constant 2 : i32
    %mul3A_44 = vector.broadcast %mul3A_43 : i32 to vector<16xi32>
    %mul3A_45 = arith.muli %get3A_42, %mul3A_44 : vector<16xi32>
    %add3A_46 = vector.broadcast %arg0 : i32 to vector<16xi32>
    %add3A_47 = arith.addi %mul3A_45, %add3A_46 : vector<16xi32>
    %swap3A_48 = arith.constant 0 : i32
    %swap3A_49 = arith.index_cast %swap3A_48 : i32 to index
    %swap3A_50 = arith.constant 16 : index
    %swap3A_51 = tpu.vector_load %arg6[%swap3A_49, %swap3A_50] {strides = array<i32>} : memref<160x128xi32, #tpu.memory_space<vmem>>, vector<1x16xi32>,
    %swap3A_52 = vector.shape_cast %swap3A_51 : vector<1x16xi32> to vector<16xi32>
    %swap3A_53 = vector.shape_cast %add3A_47 : vector<16xi32> to vector<1x16xi32>
    tpu.vector_store %arg6[%swap3A_49, %swap3A_50], %swap3A_53 {strides = array<i32>} : memref<160x128xi32, #tpu.memory_space<vmem>>, vector<1x16xi32>,
    %get3A_54 = arith.constant 0 : i32
    %get3A_55 = arith.index_cast %get3A_54 : i32 to index
    %get3A_56 = arith.constant 32 : index
    %get3A_57 = tpu.vector_load %arg6[%get3A_55, %get3A_56] {strides = array<i32>} : memref<160x128xi32, #tpu.memory_space<vmem>>, vector<1x16xi32>,
    %get3A_58 = vector.shape_cast %get3A_57 : vector<1x16xi32> to vector<16xi32>
    %mul3A_59 = arith.constant 2 : i32
    %mul3A_60 = vector.broadcast %mul3A_59 : i32 to vector<16xi32>
    %mul3A_61 = arith.muli %get3A_58, %mul3A_60 : vector<16xi32>
    %add3A_62 = vector.broadcast %arg0 : i32 to vector<16xi32>
    %add3A_63 = arith.addi %mul3A_61, %add3A_62 : vector<16xi32>
    %swap3A_64 = arith.constant 0 : i32
    %swap3A_65 = arith.index_cast %swap3A_64 : i32 to index
    %swap3A_66 = arith.constant 32 : index
    %swap3A_67 = tpu.vector_load %arg6[%swap3A_65, %swap3A_66] {strides = array<i32>} : memref<160x128xi32, #tpu.memory_space<vmem>>, vector<1x16xi32>,
    %swap3A_68 = vector.shape_cast %swap3A_67 : vector<1x16xi32> to vector<16xi32>
    %swap3A_69 = vector.shape_cast %add3A_63 : vector<16xi32> to vector<1x16xi32>
    tpu.vector_store %arg6[%swap3A_65, %swap3A_66], %swap3A_69 {strides = array<i32>} : memref<160x128xi32, #tpu.memory_space<vmem>>, vector<1x16xi32>,
    %get3A_70 = arith.constant 0 : i32
    %get3A_71 = arith.index_cast %get3A_70 : i32 to index
    %get3A_72 = arith.constant 48 : index
    %get3A_73 = tpu.vector_load %arg6[%get3A_71, %get3A_72] {strides = array<i32>} : memref<160x128xi32, #tpu.memory_space<vmem>>, vector<1x16xi32>,
    %get3A_74 = vector.shape_cast %get3A_73 : vector<1x16xi32> to vector<16xi32>
    %mul3A_75 = arith.constant 2 : i32
    %mul3A_76 = vector.broadcast %mul3A_75 : i32 to vector<16xi32>
    %mul3A_77 = arith.muli %get3A_74, %mul3A_76 : vector<16xi32>
    %add3A_78 = vector.broadcast %arg0 : i32 to vector<16xi32>
    %add3A_79 = arith.addi %mul3A_77, %add3A_78 : vector<16xi32>
    %swap3A_80 = arith.constant 0 : i32
    %swap3A_81 = arith.index_cast %swap3A_80 : i32 to index
    %swap3A_82 = arith.constant 48 : index
    %swap3A_83 = tpu.vector_load %arg6[%swap3A_81, %swap3A_82] {strides = array<i32>} : memref<160x128xi32, #tpu.memory_space<vmem>>, vector<1x16xi32>,
    %swap3A_84 = vector.shape_cast %swap3A_83 : vector<1x16xi32> to vector<16xi32>
    %swap3A_85 = vector.shape_cast %add3A_79 : vector<16xi32> to vector<1x16xi32>
    tpu.vector_store %arg6[%swap3A_81, %swap3A_82], %swap3A_85 {strides = array<i32>} : memref<160x128xi32, #tpu.memory_space<vmem>>, vector<1x16xi32>,
    %get3A_86 = arith.constant 0 : i32
    %get3A_87 = arith.index_cast %get3A_86 : i32 to index
    %get3A_88 = arith.constant 64 : index
    %get3A_89 = tpu.vector_load %arg6[%get3A_87, %get3A_88] {strides = array<i32>} : memref<160x128xi32, #tpu.memory_space<vmem>>, vector<1x16xi32>,
    %get3A_90 = vector.shape_cast %get3A_89 : vector<1x16xi32> to vector<16xi32>
    %mul3A_91 = arith.constant 2 : i32
    %mul3A_92 = vector.broadcast %mul3A_91 : i32 to vector<16xi32>
    %mul3A_93 = arith.muli %get3A_90, %mul3A_92 : vector<16xi32>
    %add3A_94 = vector.broadcast %arg0 : i32 to vector<16xi32>
    %add3A_95 = arith.addi %mul3A_93, %add3A_94 : vector<16xi32>
    %swap3A_96 = arith.constant 0 : i32
    %swap3A_97 = arith.index_cast %swap3A_96 : i32 to index
    %swap3A_98 = arith.constant 64 : index
    %swap3A_99 = tpu.vector_load %arg6[%swap3A_97, %swap3A_98] {strides = array<i32>} : memref<160x128xi32, #tpu.memory_space<vmem>>, vector<1x16xi32>,
    %swap3A_100 = vector.shape_cast %swap3A_99 : vector<1x16xi32> to vector<16xi32>
    %swap3A_101 = vector.shape_cast %add3A_95 : vector<16xi32> to vector<1x16xi32>
    tpu.vector_store %arg6[%swap3A_97, %swap3A_98], %swap3A_101 {strides = array<i32>} : memref<160x128xi32, #tpu.memory_space<vmem>>, vector<1x16xi32>,
    %get3A_102 = arith.constant 0 : i32
    %get3A_103 = arith.index_cast %get3A_102 : i32 to index
    %get3A_104 = arith.constant 80 : index
    %get3A_105 = tpu.vector_load %arg6[%get3A_103, %get3A_104] {strides = array<i32>} : memref<160x128xi32, #tpu.memory_space<vmem>>, vector<1x16xi32>,
    %get3A_106 = vector.shape_cast %get3A_105 : vector<1x16xi32> to vector<16xi32>
    %mul3A_107 = arith.constant 2 : i32
    %mul3A_108 = vector.broadcast %mul3A_107 : i32 to vector<16xi32>
    %mul3A_109 = arith.muli %get3A_106, %mul3A_108 : vector<16xi32>
    %add3A_110 = vector.broadcast %arg0 : i32 to vector<16xi32>
    %add3A_111 = arith.addi %mul3A_109, %add3A_110 : vector<16xi32>
    %swap3A_112 = arith.constant 0 : i32
    %swap3A_113 = arith.index_cast %swap3A_112 : i32 to index
    %swap3A_114 = arith.constant 80 : index
    %swap3A_115 = tpu.vector_load %arg6[%swap3A_113, %swap3A_114] {strides = array<i32>} : memref<160x128xi32, #tpu.memory_space<vmem>>, vector<1x16xi32>,
    %swap3A_116 = vector.shape_cast %swap3A_115 : vector<1x16xi32> to vector<16xi32>
    %swap3A_117 = vector.shape_cast %add3A_111 : vector<16xi32> to vector<1x16xi32>
    tpu.vector_store %arg6[%swap3A_113, %swap3A_114], %swap3A_117 {strides = array<i32>} : memref<160x128xi32, #tpu.memory_space<vmem>>, vector<1x16xi32>,
    %get3A_118 = arith.constant 0 : i32
    %get3A_119 = arith.index_cast %get3A_118 : i32 to index
    %get3A_120 = arith.constant 96 : index
    %get3A_121 = tpu.vector_load %arg6[%get3A_119, %get3A_120] {strides = array<i32>} : memref<160x128xi32, #tpu.memory_space<vmem>>, vector<1x16xi32>,
    %get3A_122 = vector.shape_cast %get3A_121 : vector<1x16xi32> to vector<16xi32>
    %mul3A_123 = arith.constant 2 : i32
    %mul3A_124 = vector.broadcast %mul3A_123 : i32 to vector<16xi32>
    %mul3A_125 = arith.muli %get3A_122, %mul3A_124 : vector<16xi32>
    %add3A_126 = vector.broadcast %arg0 : i32 to vector<16xi32>
    %add3A_127 = arith.addi %mul3A_125, %add3A_126 : vector<16xi32>
    %swap3A_128 = arith.constant 0 : i32
    %swap3A_129 = arith.index_cast %swap3A_128 : i32 to index
    %swap3A_130 = arith.constant 96 : index
    %swap3A_131 = tpu.vector_load %arg6[%swap3A_129, %swap3A_130] {strides = array<i32>} : memref<160x128xi32, #tpu.memory_space<vmem>>, vector<1x16xi32>,
    %swap3A_132 = vector.shape_cast %swap3A_131 : vector<1x16xi32> to vector<16xi32>
    %swap3A_133 = vector.shape_cast %add3A_127 : vector<16xi32> to vector<1x16xi32>
    tpu.vector_store %arg6[%swap3A_129, %swap3A_130], %swap3A_133 {strides = array<i32>} : memref<160x128xi32, #tpu.memory_space<vmem>>, vector<1x16xi32>,
    %get3A_134 = arith.constant 0 : i32
    %get3A_135 = arith.index_cast %get3A_134 : i32 to index
    %get3A_136 = arith.constant 112 : index
    %get3A_137 = tpu.vector_load %arg6[%get3A_135, %get3A_136] {strides = array<i32>} : memref<160x128xi32, #tpu.memory_space<vmem>>, vector<1x16xi32>,
    %get3A_138 = vector.shape_cast %get3A_137 : vector<1x16xi32> to vector<16xi32>
    %mul3A_139 = arith.constant 2 : i32
    %mul3A_140 = vector.broadcast %mul3A_139 : i32 to vector<16xi32>
    %mul3A_141 = arith.muli %get3A_138, %mul3A_140 : vector<16xi32>
    %add3A_142 = vector.broadcast %arg0 : i32 to vector<16xi32>
    %add3A_143 = arith.addi %mul3A_141, %add3A_142 : vector<16xi32>
    %swap3A_144 = arith.constant 0 : i32
    %swap3A_145 = arith.index_cast %swap3A_144 : i32 to index
    %swap3A_146 = arith.constant 112 : index
    %swap3A_147 = tpu.vector_load %arg6[%swap3A_145, %swap3A_146] {strides = array<i32>} : memref<160x128xi32, #tpu.memory_space<vmem>>, vector<1x16xi32>,
    %swap3A_148 = vector.shape_cast %swap3A_147 : vector<1x16xi32> to vector<16xi32>
    %swap3A_149 = vector.shape_cast %add3A_143 : vector<16xi32> to vector<1x16xi32>
    tpu.vector_store %arg6[%swap3A_145, %swap3A_146], %swap3A_149 {strides = array<i32>} : memref<160x128xi32, #tpu.memory_space<vmem>>, vector<1x16xi32>,
    %get3A_150 = arith.constant 1 : i32
    %get3A_151 = arith.index_cast %get3A_150 : i32 to index
    %get3A_152 = arith.constant 0 : index
    %get3A_153 = tpu.vector_load %arg6[%get3A_151, %get3A_152] {strides = array<i32>} : memref<160x128xi32, #tpu.memory_space<vmem>>, vector<1x16xi32>,
    %get3A_154 = vector.shape_cast %get3A_153 : vector<1x16xi32> to vector<16xi32>
    %mul3A_155 = arith.constant 2 : i32
    %mul3A_156 = vector.broadcast %mul3A_155 : i32 to vector<16xi32>
    %mul3A_157 = arith.muli %get3A_154, %mul3A_156 : vector<16xi32>
    %add3A_158 = vector.broadcast %arg0 : i32 to vector<16xi32>
    %add3A_159 = arith.addi %mul3A_157, %add3A_158 : vector<16xi32>
    %swap3A_160 = arith.constant 1 : i32
    %swap3A_161 = arith.index_cast %swap3A_160 : i32 to index
    %swap3A_162 = arith.constant 0 : index
    %swap3A_163 = tpu.vector_load %arg6[%swap3A_161, %swap3A_162] {strides = array<i32>} : memref<160x128xi32, #tpu.memory_space<vmem>>, vector<1x16xi32>,
    %swap3A_164 = vector.shape_cast %swap3A_163 : vector<1x16xi32> to vector<16xi32>
    %swap3A_165 = vector.shape_cast %add3A_159 : vector<16xi32> to vector<1x16xi32>
    tpu.vector_store %arg6[%swap3A_161, %swap3A_162], %swap3A_165 {strides = array<i32>} : memref<160x128xi32, #tpu.memory_space<vmem>>, vector<1x16xi32>,
    %get3A_166 = arith.constant 1 : i32
    %get3A_167 = arith.index_cast %get3A_166 : i32 to index
    %get3A_168 = arith.constant 16 : index
    %get3A_169 = tpu.vector_load %arg6[%get3A_167, %get3A_168] {strides = array<i32>} : memref<160x128xi32, #tpu.memory_space<vmem>>, vector<1x16xi32>,
    %get3A_170 = vector.shape_cast %get3A_169 : vector<1x16xi32> to vector<16xi32>
    %mul3A_171 = arith.constant 2 : i32
    %mul3A_172 = vector.broadcast %mul3A_171 : i32 to vector<16xi32>
    %mul3A_173 = arith.muli %get3A_170, %mul3A_172 : vector<16xi32>
    %add3A_174 = vector.broadcast %arg0 : i32 to vector<16xi32>
    %add3A_175 = arith.addi %mul3A_173, %add3A_174 : vector<16xi32>
    %swap3A_176 = arith.constant 1 : i32
    %swap3A_177 = arith.index_cast %swap3A_176 : i32 to index
    %swap3A_178 = arith.constant 16 : index
    %swap3A_179 = tpu.vector_load %arg6[%swap3A_177, %swap3A_178] {strides = array<i32>} : memref<160x128xi32, #tpu.memory_space<vmem>>, vector<1x16xi32>,
    %swap3A_180 = vector.shape_cast %swap3A_179 : vector<1x16xi32> to vector<16xi32>
    %swap3A_181 = vector.shape_cast %add3A_175 : vector<16xi32> to vector<1x16xi32>
    tpu.vector_store %arg6[%swap3A_177, %swap3A_178], %swap3A_181 {strides = array<i32>} : memref<160x128xi32, #tpu.memory_space<vmem>>, vector<1x16xi32>,
    %get3A_182 = arith.constant 1 : i32
    %get3A_183 = arith.index_cast %get3A_182 : i32 to index
    %get3A_184 = arith.constant 32 : index
    %get3A_185 = tpu.vector_load %arg6[%get3A_183, %get3A_184] {strides = array<i32>} : memref<160x128xi32, #tpu.memory_space<vmem>>, vector<1x16xi32>,
    %get3A_186 = vector.shape_cast %get3A_185 : vector<1x16xi32> to vector<16xi32>
    %mul3A_187 = arith.constant 2 : i32
    %mul3A_188 = vector.broadcast %mul3A_187 : i32 to vector<16xi32>
    %mul3A_189 = arith.muli %get3A_186, %mul3A_188 : vector<16xi32>
    %add3A_190 = vector.broadcast %arg0 : i32 to vector<16xi32>
    %add3A_191 = arith.addi %mul3A_189, %add3A_190 : vector<16xi32>
    %swap3A_192 = arith.constant 1 : i32
    %swap3A_193 = arith.index_cast %swap3A_192 : i32 to index
    %swap3A_194 = arith.constant 32 : index
    %swap3A_195 = tpu.vector_load %arg6[%swap3A_193, %swap3A_194] {strides = array<i32>} : memref<160x128xi32, #tpu.memory_space<vmem>>, vector<1x16xi32>,
    %swap3A_196 = vector.shape_cast %swap3A_195 : vector<1x16xi32> to vector<16xi32>
    %swap3A_197 = vector.shape_cast %add3A_191 : vector<16xi32> to vector<1x16xi32>
    tpu.vector_store %arg6[%swap3A_193, %swap3A_194], %swap3A_197 {strides = array<i32>} : memref<160x128xi32, #tpu.memory_space<vmem>>, vector<1x16xi32>,
    %get3A_198 = arith.constant 1 : i32
    %get3A_199 = arith.index_cast %get3A_198 : i32 to index
    %get3A_200 = arith.constant 48 : index
    %get3A_201 = tpu.vector_load %arg6[%get3A_199, %get3A_200] {strides = array<i32>} : memref<160x128xi32, #tpu.memory_space<vmem>>, vector<1x16xi32>,
    %get3A_202 = vector.shape_cast %get3A_201 : vector<1x16xi32> to vector<16xi32>
    %mul3A_203 = arith.constant 2 : i32
    %mul3A_204 = vector.broadcast %mul3A_203 : i32 to vector<16xi32>
    %mul3A_205 = arith.muli %get3A_202, %mul3A_204 : vector<16xi32>
    %add3A_206 = vector.broadcast %arg0 : i32 to vector<16xi32>
    %add3A_207 = arith.addi %mul3A_205, %add3A_206 : vector<16xi32>
    %swap3A_208 = arith.constant 1 : i32
    %swap3A_209 = arith.index_cast %swap3A_208 : i32 to index
    %swap3A_210 = arith.constant 48 : index
    %swap3A_211 = tpu.vector_load %arg6[%swap3A_209, %swap3A_210] {strides = array<i32>} : memref<160x128xi32, #tpu.memory_space<vmem>>, vector<1x16xi32>,
    %swap3A_212 = vector.shape_cast %swap3A_211 : vector<1x16xi32> to vector<16xi32>
    %swap3A_213 = vector.shape_cast %add3A_207 : vector<16xi32> to vector<1x16xi32>
    tpu.vector_store %arg6[%swap3A_209, %swap3A_210], %swap3A_213 {strides = array<i32>} : memref<160x128xi32, #tpu.memory_space<vmem>>, vector<1x16xi32>,
    %get3A_214 = arith.constant 1 : i32
    %get3A_215 = arith.index_cast %get3A_214 : i32 to index
    %get3A_216 = arith.constant 64 : index
    %get3A_217 = tpu.vector_load %arg6[%get3A_215, %get3A_216] {strides = array<i32>} : memref<160x128xi32, #tpu.memory_space<vmem>>, vector<1x16xi32>,
    %get3A_218 = vector.shape_cast %get3A_217 : vector<1x16xi32> to vector<16xi32>
    %mul3A_219 = arith.constant 2 : i32
    %mul3A_220 = vector.broadcast %mul3A_219 : i32 to vector<16xi32>
    %mul3A_221 = arith.muli %get3A_218, %mul3A_220 : vector<16xi32>
    %add3A_222 = vector.broadcast %arg0 : i32 to vector<16xi32>
    %add3A_223 = arith.addi %mul3A_221, %add3A_222 : vector<16xi32>
    %swap3A_224 = arith.constant 1 : i32
    %swap3A_225 = arith.index_cast %swap3A_224 : i32 to index
    %swap3A_226 = arith.constant 64 : index
    %swap3A_227 = tpu.vector_load %arg6[%swap3A_225, %swap3A_226] {strides = array<i32>} : memref<160x128xi32, #tpu.memory_space<vmem>>, vector<1x16xi32>,
    %swap3A_228 = vector.shape_cast %swap3A_227 : vector<1x16xi32> to vector<16xi32>
    %swap3A_229 = vector.shape_cast %add3A_223 : vector<16xi32> to vector<1x16xi32>
    tpu.vector_store %arg6[%swap3A_225, %swap3A_226], %swap3A_229 {strides = array<i32>} : memref<160x128xi32, #tpu.memory_space<vmem>>, vector<1x16xi32>,
    %get3A_230 = arith.constant 1 : i32
    %get3A_231 = arith.index_cast %get3A_230 : i32 to index
    %get3A_232 = arith.constant 80 : index
    %get3A_233 = tpu.vector_load %arg6[%get3A_231, %get3A_232] {strides = array<i32>} : memref<160x128xi32, #tpu.memory_space<vmem>>, vector<1x16xi32>,
    %get3A_234 = vector.shape_cast %get3A_233 : vector<1x16xi32> to vector<16xi32>
    %mul3A_235 = arith.constant 2 : i32
    %mul3A_236 = vector.broadcast %mul3A_235 : i32 to vector<16xi32>
    %mul3A_237 = arith.muli %get3A_234, %mul3A_236 : vector<16xi32>
    %add3A_238 = vector.broadcast %arg0 : i32 to vector<16xi32>
    %add3A_239 = arith.addi %mul3A_237, %add3A_238 : vector<16xi32>
    %swap3A_240 = arith.constant 1 : i32
    %swap3A_241 = arith.index_cast %swap3A_240 : i32 to index
    %swap3A_242 = arith.constant 80 : index
    %swap3A_243 = tpu.vector_load %arg6[%swap3A_241, %swap3A_242] {strides = array<i32>} : memref<160x128xi32, #tpu.memory_space<vmem>>, vector<1x16xi32>,
    %swap3A_244 = vector.shape_cast %swap3A_243 : vector<1x16xi32> to vector<16xi32>
    %swap3A_245 = vector.shape_cast %add3A_239 : vector<16xi32> to vector<1x16xi32>
    tpu.vector_store %arg6[%swap3A_241, %swap3A_242], %swap3A_245 {strides = array<i32>} : memref<160x128xi32, #tpu.memory_space<vmem>>, vector<1x16xi32>,
    %get3A_246 = arith.constant 1 : i32
    %get3A_247 = arith.index_cast %get3A_246 : i32 to index
    %get3A_248 = arith.constant 96 : index
    %get3A_249 = tpu.vector_load %arg6[%get3A_247, %get3A_248] {strides = array<i32>} : memref<160x128xi32, #tpu.memory_space<vmem>>, vector<1x16xi32>,
    %get3A_250 = vector.shape_cast %get3A_249 : vector<1x16xi32> to vector<16xi32>
    %mul3A_251 = arith.constant 2 : i32
    %mul3A_252 = vector.broadcast %mul3A_251 : i32 to vector<16xi32>
    %mul3A_253 = arith.muli %get3A_250, %mul3A_252 : vector<16xi32>
    %add3A_254 = vector.broadcast %arg0 : i32 to vector<16xi32>
    %add3A_255 = arith.addi %mul3A_253, %add3A_254 : vector<16xi32>
    %swap3A_256 = arith.constant 1 : i32
    %swap3A_257 = arith.index_cast %swap3A_256 : i32 to index
    %swap3A_258 = arith.constant 96 : index
    %swap3A_259 = tpu.vector_load %arg6[%swap3A_257, %swap3A_258] {strides = array<i32>} : memref<160x128xi32, #tpu.memory_space<vmem>>, vector<1x16xi32>,
    %swap3A_260 = vector.shape_cast %swap3A_259 : vector<1x16xi32> to vector<16xi32>
    %swap3A_261 = vector.shape_cast %add3A_255 : vector<16xi32> to vector<1x16xi32>
    tpu.vector_store %arg6[%swap3A_257, %swap3A_258], %swap3A_261 {strides = array<i32>} : memref<160x128xi32, #tpu.memory_space<vmem>>, vector<1x16xi32>,
    %get3A_262 = arith.constant 1 : i32
    %get3A_263 = arith.index_cast %get3A_262 : i32 to index
    %get3A_264 = arith.constant 112 : index
    %get3A_265 = tpu.vector_load %arg6[%get3A_263, %get3A_264] {strides = array<i32>} : memref<160x128xi32, #tpu.memory_space<vmem>>, vector<1x16xi32>,
    %get3A_266 = vector.shape_cast %get3A_265 : vector<1x16xi32> to vector<16xi32>
    %mul3A_267 = arith.constant 2 : i32
    %mul3A_268 = vector.broadcast %mul3A_267 : i32 to vector<16xi32>
    %mul3A_269 = arith.muli %get3A_266, %mul3A_268 : vector<16xi32>
    %add3A_270 = vector.broadcast %arg0 : i32 to vector<16xi32>
    %add3A_271 = arith.addi %mul3A_269, %add3A_270 : vector<16xi32>
    %swap3A_272 = arith.constant 1 : i32
    %swap3A_273 = arith.index_cast %swap3A_272 : i32 to index
    %swap3A_274 = arith.constant 112 : index
    %swap3A_275 = tpu.vector_load %arg6[%swap3A_273, %swap3A_274] {strides = array<i32>} : memref<160x128xi32, #tpu.memory_space<vmem>>, vector<1x16xi32>,
    %swap3A_276 = vector.shape_cast %swap3A_275 : vector<1x16xi32> to vector<16xi32>
    %swap3A_277 = vector.shape_cast %add3A_271 : vector<16xi32> to vector<1x16xi32>
    tpu.vector_store %arg6[%swap3A_273, %swap3A_274], %swap3A_277 {strides = array<i32>} : memref<160x128xi32, #tpu.memory_space<vmem>>, vector<1x16xi32>,
    %dma_start3A = arith.constant 0 : i32
    %dma_start3A_278 = arith.constant 0 : i32
    %dma_start3A_279 = tpu.memref_slice %arg6[%dma_start3A, %dma_start3A_278] : memref<160x128xi32, #tpu.memory_space<vmem>> -> memref<1x128xi32, #tpu.memory_space<vmem>>
    %dma_start3A_280 = tpu.memref_squeeze %dma_start3A_279 : memref<1x128xi32, #tpu.memory_space<vmem>> -> memref<128xi32, #tpu.memory_space<vmem>>
    %dma_start3A_281 = arith.constant 0 : i32
    %dma_start3A_282 = arith.constant 0 : i32
    %dma_start3A_283 = tpu.memref_slice %arg4[%dma_start3A_281, %dma_start3A_282] : memref<160000x64xf32, #tpu.memory_space<hbm>> -> memref<160000x64xf32, #tpu.memory_space<hbm>>
    tpu.enqueue_indirect_dma source(%dma_start3A_283 : memref<160000x64xf32, #tpu.memory_space<hbm>>) target(%arg8 : memref<128x64xf32, #tpu.memory_space<vmem>>) offsets(%dma_start3A_280 : memref<128xi32, #tpu.memory_space<vmem>>) semaphore(%arg11 : memref<!tpu.dma_semaphore, #tpu.memory_space<semaphore_mem>>)
    %scan3A_284 = arith.constant 0 : i32
    %scan3A_285 = arith.constant 0 : i32
    %scan3A_286 = arith.constant 79 : i32
    %scan3A_287 = arith.addi %scan3A_285, %scan3A_286 : i32
    %scan3A_288 = arith.constant 1 : i32
    scf.for %scan3A_311 = %scan3A_285 to %scan3A_287 step %scan3A_288  : i32 {
      %mul3A_312 = arith.constant 2 : i32
      %mul3A_313 = arith.muli %mul3A_312, %scan3A_311 : i32
      %add3A_314 = arith.constant 1 : i32
      %add3A_315 = arith.addi %mul3A_313, %add3A_314 : i32
      %dma_start3A_316 = arith.constant 0 : i32
      %dma_start3A_317 = tpu.memref_slice %arg6[%add3A_315, %dma_start3A_316] : memref<160x128xi32, #tpu.memory_space<vmem>> -> memref<1x128xi32, #tpu.memory_space<vmem>>
      %dma_start3A_318 = tpu.memref_squeeze %dma_start3A_317 : memref<1x128xi32, #tpu.memory_space<vmem>> -> memref<128xi32, #tpu.memory_space<vmem>>
      %dma_start3A_319 = arith.constant 0 : i32
      %dma_start3A_320 = arith.constant 0 : i32
      %dma_start3A_321 = tpu.memref_slice %arg4[%dma_start3A_319, %dma_start3A_320] : memref<160000x64xf32, #tpu.memory_space<hbm>> -> memref<160000x64xf32, #tpu.memory_space<hbm>>
      tpu.enqueue_indirect_dma source(%dma_start3A_321 : memref<160000x64xf32, #tpu.memory_space<hbm>>) target(%arg9 : memref<128x64xf32, #tpu.memory_space<vmem>>) offsets(%dma_start3A_318 : memref<128xi32, #tpu.memory_space<vmem>>) semaphore(%arg12 : memref<!tpu.dma_semaphore, #tpu.memory_space<semaphore_mem>>)
      %add3A_322 = arith.constant 2 : i32
      %add3A_323 = arith.addi %mul3A_313, %add3A_322 : i32
      %get3A_324 = arith.index_cast %add3A_323 : i32 to index
      %get3A_325 = arith.constant 0 : index
      %get3A_326 = tpu.vector_load %arg6[%get3A_324, %get3A_325] {strides = array<i32>} : memref<160x128xi32, #tpu.memory_space<vmem>>, vector<1x16xi32>,
      %get3A_327 = vector.shape_cast %get3A_326 : vector<1x16xi32> to vector<16xi32>
      %mul3A_328 = arith.constant 2 : i32
      %mul3A_329 = vector.broadcast %mul3A_328 : i32 to vector<16xi32>
      %mul3A_330 = arith.muli %get3A_327, %mul3A_329 : vector<16xi32>
      %add3A_331 = vector.broadcast %arg0 : i32 to vector<16xi32>
      %add3A_332 = arith.addi %mul3A_330, %add3A_331 : vector<16xi32>
      %swap3A_333 = arith.index_cast %add3A_323 : i32 to index
      %swap3A_334 = arith.constant 0 : index
      %swap3A_335 = tpu.vector_load %arg6[%swap3A_333, %swap3A_334] {strides = array<i32>} : memref<160x128xi32, #tpu.memory_space<vmem>>, vector<1x16xi32>,
      %swap3A_336 = vector.shape_cast %swap3A_335 : vector<1x16xi32> to vector<16xi32>
      %swap3A_337 = vector.shape_cast %add3A_332 : vector<16xi32> to vector<1x16xi32>
      tpu.vector_store %arg6[%swap3A_333, %swap3A_334], %swap3A_337 {strides = array<i32>} : memref<160x128xi32, #tpu.memory_space<vmem>>, vector<1x16xi32>,
      %get3A_338 = arith.index_cast %add3A_323 : i32 to index
      %get3A_339 = arith.constant 16 : index
      %get3A_340 = tpu.vector_load %arg6[%get3A_338, %get3A_339] {strides = array<i32>} : memref<160x128xi32, #tpu.memory_space<vmem>>, vector<1x16xi32>,
      %get3A_341 = vector.shape_cast %get3A_340 : vector<1x16xi32> to vector<16xi32>
      %mul3A_342 = arith.constant 2 : i32
      %mul3A_343 = vector.broadcast %mul3A_342 : i32 to vector<16xi32>
      %mul3A_344 = arith.muli %get3A_341, %mul3A_343 : vector<16xi32>
      %add3A_345 = vector.broadcast %arg0 : i32 to vector<16xi32>
      %add3A_346 = arith.addi %mul3A_344, %add3A_345 : vector<16xi32>
      %swap3A_347 = arith.index_cast %add3A_323 : i32 to index
      %swap3A_348 = arith.constant 16 : index
      %swap3A_349 = tpu.vector_load %arg6[%swap3A_347, %swap3A_348] {strides = array<i32>} : memref<160x128xi32, #tpu.memory_space<vmem>>, vector<1x16xi32>,
      %swap3A_350 = vector.shape_cast %swap3A_349 : vector<1x16xi32> to vector<16xi32>
      %swap3A_351 = vector.shape_cast %add3A_346 : vector<16xi32> to vector<1x16xi32>
      tpu.vector_store %arg6[%swap3A_347, %swap3A_348], %swap3A_351 {strides = array<i32>} : memref<160x128xi32, #tpu.memory_space<vmem>>, vector<1x16xi32>,
      %get3A_352 = arith.index_cast %add3A_323 : i32 to index
      %get3A_353 = arith.constant 32 : index
      %get3A_354 = tpu.vector_load %arg6[%get3A_352, %get3A_353] {strides = array<i32>} : memref<160x128xi32, #tpu.memory_space<vmem>>, vector<1x16xi32>,
      %get3A_355 = vector.shape_cast %get3A_354 : vector<1x16xi32> to vector<16xi32>
      %mul3A_356 = arith.constant 2 : i32
      %mul3A_357 = vector.broadcast %mul3A_356 : i32 to vector<16xi32>
      %mul3A_358 = arith.muli %get3A_355, %mul3A_357 : vector<16xi32>
      %add3A_359 = vector.broadcast %arg0 : i32 to vector<16xi32>
      %add3A_360 = arith.addi %mul3A_358, %add3A_359 : vector<16xi32>
      %swap3A_361 = arith.index_cast %add3A_323 : i32 to index
      %swap3A_362 = arith.constant 32 : index
      %swap3A_363 = tpu.vector_load %arg6[%swap3A_361, %swap3A_362] {strides = array<i32>} : memref<160x128xi32, #tpu.memory_space<vmem>>, vector<1x16xi32>,
      %swap3A_364 = vector.shape_cast %swap3A_363 : vector<1x16xi32> to vector<16xi32>
      %swap3A_365 = vector.shape_cast %add3A_360 : vector<16xi32> to vector<1x16xi32>
      tpu.vector_store %arg6[%swap3A_361, %swap3A_362], %swap3A_365 {strides = array<i32>} : memref<160x128xi32, #tpu.memory_space<vmem>>, vector<1x16xi32>,
      %get3A_366 = arith.index_cast %add3A_323 : i32 to index
      %get3A_367 = arith.constant 48 : index
      %get3A_368 = tpu.vector_load %arg6[%get3A_366, %get3A_367] {strides = array<i32>} : memref<160x128xi32, #tpu.memory_space<vmem>>, vector<1x16xi32>,
      %get3A_369 = vector.shape_cast %get3A_368 : vector<1x16xi32> to vector<16xi32>
      %mul3A_370 = arith.constant 2 : i32
      %mul3A_371 = vector.broadcast %mul3A_370 : i32 to vector<16xi32>
      %mul3A_372 = arith.muli %get3A_369, %mul3A_371 : vector<16xi32>
      %add3A_373 = vector.broadcast %arg0 : i32 to vector<16xi32>
      %add3A_374 = arith.addi %mul3A_372, %add3A_373 : vector<16xi32>
      %swap3A_375 = arith.index_cast %add3A_323 : i32 to index
      %swap3A_376 = arith.constant 48 : index
      %swap3A_377 = tpu.vector_load %arg6[%swap3A_375, %swap3A_376] {strides = array<i32>} : memref<160x128xi32, #tpu.memory_space<vmem>>, vector<1x16xi32>,
      %swap3A_378 = vector.shape_cast %swap3A_377 : vector<1x16xi32> to vector<16xi32>
      %swap3A_379 = vector.shape_cast %add3A_374 : vector<16xi32> to vector<1x16xi32>
      tpu.vector_store %arg6[%swap3A_375, %swap3A_376], %swap3A_379 {strides = array<i32>} : memref<160x128xi32, #tpu.memory_space<vmem>>, vector<1x16xi32>,
      %get3A_380 = arith.index_cast %add3A_323 : i32 to index
      %get3A_381 = arith.constant 64 : index
      %get3A_382 = tpu.vector_load %arg6[%get3A_380, %get3A_381] {strides = array<i32>} : memref<160x128xi32, #tpu.memory_space<vmem>>, vector<1x16xi32>,
      %get3A_383 = vector.shape_cast %get3A_382 : vector<1x16xi32> to vector<16xi32>
      %mul3A_384 = arith.constant 2 : i32
      %mul3A_385 = vector.broadcast %mul3A_384 : i32 to vector<16xi32>
      %mul3A_386 = arith.muli %get3A_383, %mul3A_385 : vector<16xi32>
      %add3A_387 = vector.broadcast %arg0 : i32 to vector<16xi32>
      %add3A_388 = arith.addi %mul3A_386, %add3A_387 : vector<16xi32>
      %swap3A_389 = arith.index_cast %add3A_323 : i32 to index
      %swap3A_390 = arith.constant 64 : index
      %swap3A_391 = tpu.vector_load %arg6[%swap3A_389, %swap3A_390] {strides = array<i32>} : memref<160x128xi32, #tpu.memory_space<vmem>>, vector<1x16xi32>,
      %swap3A_392 = vector.shape_cast %swap3A_391 : vector<1x16xi32> to vector<16xi32>
      %swap3A_393 = vector.shape_cast %add3A_388 : vector<16xi32> to vector<1x16xi32>
      tpu.vector_store %arg6[%swap3A_389, %swap3A_390], %swap3A_393 {strides = array<i32>} : memref<160x128xi32, #tpu.memory_space<vmem>>, vector<1x16xi32>,
      %get3A_394 = arith.index_cast %add3A_323 : i32 to index
      %get3A_395 = arith.constant 80 : index
      %get3A_396 = tpu.vector_load %arg6[%get3A_394, %get3A_395] {strides = array<i32>} : memref<160x128xi32, #tpu.memory_space<vmem>>, vector<1x16xi32>,
      %get3A_397 = vector.shape_cast %get3A_396 : vector<1x16xi32> to vector<16xi32>
      %mul3A_398 = arith.constant 2 : i32
      %mul3A_399 = vector.broadcast %mul3A_398 : i32 to vector<16xi32>
      %mul3A_400 = arith.muli %get3A_397, %mul3A_399 : vector<16xi32>
      %add3A_401 = vector.broadcast %arg0 : i32 to vector<16xi32>
      %add3A_402 = arith.addi %mul3A_400, %add3A_401 : vector<16xi32>
      %swap3A_403 = arith.index_cast %add3A_323 : i32 to index
      %swap3A_404 = arith.constant 80 : index
      %swap3A_405 = tpu.vector_load %arg6[%swap3A_403, %swap3A_404] {strides = array<i32>} : memref<160x128xi32, #tpu.memory_space<vmem>>, vector<1x16xi32>,
      %swap3A_406 = vector.shape_cast %swap3A_405 : vector<1x16xi32> to vector<16xi32>
      %swap3A_407 = vector.shape_cast %add3A_402 : vector<16xi32> to vector<1x16xi32>
      tpu.vector_store %arg6[%swap3A_403, %swap3A_404], %swap3A_407 {strides = array<i32>} : memref<160x128xi32, #tpu.memory_space<vmem>>, vector<1x16xi32>,
      %get3A_408 = arith.index_cast %add3A_323 : i32 to index
      %get3A_409 = arith.constant 96 : index
      %get3A_410 = tpu.vector_load %arg6[%get3A_408, %get3A_409] {strides = array<i32>} : memref<160x128xi32, #tpu.memory_space<vmem>>, vector<1x16xi32>,
      %get3A_411 = vector.shape_cast %get3A_410 : vector<1x16xi32> to vector<16xi32>
      %mul3A_412 = arith.constant 2 : i32
      %mul3A_413 = vector.broadcast %mul3A_412 : i32 to vector<16xi32>
      %mul3A_414 = arith.muli %get3A_411, %mul3A_413 : vector<16xi32>
      %add3A_415 = vector.broadcast %arg0 : i32 to vector<16xi32>
      %add3A_416 = arith.addi %mul3A_414, %add3A_415 : vector<16xi32>
      %swap3A_417 = arith.index_cast %add3A_323 : i32 to index
      %swap3A_418 = arith.constant 96 : index
      %swap3A_419 = tpu.vector_load %arg6[%swap3A_417, %swap3A_418] {strides = array<i32>} : memref<160x128xi32, #tpu.memory_space<vmem>>, vector<1x16xi32>,
      %swap3A_420 = vector.shape_cast %swap3A_419 : vector<1x16xi32> to vector<16xi32>
      %swap3A_421 = vector.shape_cast %add3A_416 : vector<16xi32> to vector<1x16xi32>
      tpu.vector_store %arg6[%swap3A_417, %swap3A_418], %swap3A_421 {strides = array<i32>} : memref<160x128xi32, #tpu.memory_space<vmem>>, vector<1x16xi32>,
      %get3A_422 = arith.index_cast %add3A_323 : i32 to index
      %get3A_423 = arith.constant 112 : index
      %get3A_424 = tpu.vector_load %arg6[%get3A_422, %get3A_423] {strides = array<i32>} : memref<160x128xi32, #tpu.memory_space<vmem>>, vector<1x16xi32>,
      %get3A_425 = vector.shape_cast %get3A_424 : vector<1x16xi32> to vector<16xi32>
      %mul3A_426 = arith.constant 2 : i32
      %mul3A_427 = vector.broadcast %mul3A_426 : i32 to vector<16xi32>
      %mul3A_428 = arith.muli %get3A_425, %mul3A_427 : vector<16xi32>
      %add3A_429 = vector.broadcast %arg0 : i32 to vector<16xi32>
      %add3A_430 = arith.addi %mul3A_428, %add3A_429 : vector<16xi32>
      %swap3A_431 = arith.index_cast %add3A_323 : i32 to index
      %swap3A_432 = arith.constant 112 : index
      %swap3A_433 = tpu.vector_load %arg6[%swap3A_431, %swap3A_432] {strides = array<i32>} : memref<160x128xi32, #tpu.memory_space<vmem>>, vector<1x16xi32>,
      %swap3A_434 = vector.shape_cast %swap3A_433 : vector<1x16xi32> to vector<16xi32>
      %swap3A_435 = vector.shape_cast %add3A_430 : vector<16xi32> to vector<1x16xi32>
      tpu.vector_store %arg6[%swap3A_431, %swap3A_432], %swap3A_435 {strides = array<i32>} : memref<160x128xi32, #tpu.memory_space<vmem>>, vector<1x16xi32>,
      %add3A_436 = arith.constant 2 : i32
      %add3A_437 = arith.addi %add3A_315, %add3A_436 : i32
      %get3A_438 = arith.index_cast %add3A_437 : i32 to index
      %get3A_439 = arith.constant 0 : index
      %get3A_440 = tpu.vector_load %arg6[%get3A_438, %get3A_439] {strides = array<i32>} : memref<160x128xi32, #tpu.memory_space<vmem>>, vector<1x16xi32>,
      %get3A_441 = vector.shape_cast %get3A_440 : vector<1x16xi32> to vector<16xi32>
      %mul3A_442 = arith.constant 2 : i32
      %mul3A_443 = vector.broadcast %mul3A_442 : i32 to vector<16xi32>
      %mul3A_444 = arith.muli %get3A_441, %mul3A_443 : vector<16xi32>
      %add3A_445 = vector.broadcast %arg0 : i32 to vector<16xi32>
      %add3A_446 = arith.addi %mul3A_444, %add3A_445 : vector<16xi32>
      %swap3A_447 = arith.index_cast %add3A_437 : i32 to index
      %swap3A_448 = arith.constant 0 : index
      %swap3A_449 = tpu.vector_load %arg6[%swap3A_447, %swap3A_448] {strides = array<i32>} : memref<160x128xi32, #tpu.memory_space<vmem>>, vector<1x16xi32>,
      %swap3A_450 = vector.shape_cast %swap3A_449 : vector<1x16xi32> to vector<16xi32>
      %swap3A_451 = vector.shape_cast %add3A_446 : vector<16xi32> to vector<1x16xi32>
      tpu.vector_store %arg6[%swap3A_447, %swap3A_448], %swap3A_451 {strides = array<i32>} : memref<160x128xi32, #tpu.memory_space<vmem>>, vector<1x16xi32>,
      %get3A_452 = arith.index_cast %add3A_437 : i32 to index
      %get3A_453 = arith.constant 16 : index
      %get3A_454 = tpu.vector_load %arg6[%get3A_452, %get3A_453] {strides = array<i32>} : memref<160x128xi32, #tpu.memory_space<vmem>>, vector<1x16xi32>,
      %get3A_455 = vector.shape_cast %get3A_454 : vector<1x16xi32> to vector<16xi32>
      %mul3A_456 = arith.constant 2 : i32
      %mul3A_457 = vector.broadcast %mul3A_456 : i32 to vector<16xi32>
      %mul3A_458 = arith.muli %get3A_455, %mul3A_457 : vector<16xi32>
      %add3A_459 = vector.broadcast %arg0 : i32 to vector<16xi32>
      %add3A_460 = arith.addi %mul3A_458, %add3A_459 : vector<16xi32>
      %swap3A_461 = arith.index_cast %add3A_437 : i32 to index
      %swap3A_462 = arith.constant 16 : index
      %swap3A_463 = tpu.vector_load %arg6[%swap3A_461, %swap3A_462] {strides = array<i32>} : memref<160x128xi32, #tpu.memory_space<vmem>>, vector<1x16xi32>,
      %swap3A_464 = vector.shape_cast %swap3A_463 : vector<1x16xi32> to vector<16xi32>
      %swap3A_465 = vector.shape_cast %add3A_460 : vector<16xi32> to vector<1x16xi32>
      tpu.vector_store %arg6[%swap3A_461, %swap3A_462], %swap3A_465 {strides = array<i32>} : memref<160x128xi32, #tpu.memory_space<vmem>>, vector<1x16xi32>,
      %get3A_466 = arith.index_cast %add3A_437 : i32 to index
      %get3A_467 = arith.constant 32 : index
      %get3A_468 = tpu.vector_load %arg6[%get3A_466, %get3A_467] {strides = array<i32>} : memref<160x128xi32, #tpu.memory_space<vmem>>, vector<1x16xi32>,
      %get3A_469 = vector.shape_cast %get3A_468 : vector<1x16xi32> to vector<16xi32>
      %mul3A_470 = arith.constant 2 : i32
      %mul3A_471 = vector.broadcast %mul3A_470 : i32 to vector<16xi32>
      %mul3A_472 = arith.muli %get3A_469, %mul3A_471 : vector<16xi32>
      %add3A_473 = vector.broadcast %arg0 : i32 to vector<16xi32>
      %add3A_474 = arith.addi %mul3A_472, %add3A_473 : vector<16xi32>
      %swap3A_475 = arith.index_cast %add3A_437 : i32 to index
      %swap3A_476 = arith.constant 32 : index
      %swap3A_477 = tpu.vector_load %arg6[%swap3A_475, %swap3A_476] {strides = array<i32>} : memref<160x128xi32, #tpu.memory_space<vmem>>, vector<1x16xi32>,
      %swap3A_478 = vector.shape_cast %swap3A_477 : vector<1x16xi32> to vector<16xi32>
      %swap3A_479 = vector.shape_cast %add3A_474 : vector<16xi32> to vector<1x16xi32>
      tpu.vector_store %arg6[%swap3A_475, %swap3A_476], %swap3A_479 {strides = array<i32>} : memref<160x128xi32, #tpu.memory_space<vmem>>, vector<1x16xi32>,
      %get3A_480 = arith.index_cast %add3A_437 : i32 to index
      %get3A_481 = arith.constant 48 : index
      %get3A_482 = tpu.vector_load %arg6[%get3A_480, %get3A_481] {strides = array<i32>} : memref<160x128xi32, #tpu.memory_space<vmem>>, vector<1x16xi32>,
      %get3A_483 = vector.shape_cast %get3A_482 : vector<1x16xi32> to vector<16xi32>
      %mul3A_484 = arith.constant 2 : i32
      %mul3A_485 = vector.broadcast %mul3A_484 : i32 to vector<16xi32>
      %mul3A_486 = arith.muli %get3A_483, %mul3A_485 : vector<16xi32>
      %add3A_487 = vector.broadcast %arg0 : i32 to vector<16xi32>
      %add3A_488 = arith.addi %mul3A_486, %add3A_487 : vector<16xi32>
      %swap3A_489 = arith.index_cast %add3A_437 : i32 to index
      %swap3A_490 = arith.constant 48 : index
      %swap3A_491 = tpu.vector_load %arg6[%swap3A_489, %swap3A_490] {strides = array<i32>} : memref<160x128xi32, #tpu.memory_space<vmem>>, vector<1x16xi32>,
      %swap3A_492 = vector.shape_cast %swap3A_491 : vector<1x16xi32> to vector<16xi32>
      %swap3A_493 = vector.shape_cast %add3A_488 : vector<16xi32> to vector<1x16xi32>
      tpu.vector_store %arg6[%swap3A_489, %swap3A_490], %swap3A_493 {strides = array<i32>} : memref<160x128xi32, #tpu.memory_space<vmem>>, vector<1x16xi32>,
      %get3A_494 = arith.index_cast %add3A_437 : i32 to index
      %get3A_495 = arith.constant 64 : index
      %get3A_496 = tpu.vector_load %arg6[%get3A_494, %get3A_495] {strides = array<i32>} : memref<160x128xi32, #tpu.memory_space<vmem>>, vector<1x16xi32>,
      %get3A_497 = vector.shape_cast %get3A_496 : vector<1x16xi32> to vector<16xi32>
      %mul3A_498 = arith.constant 2 : i32
      %mul3A_499 = vector.broadcast %mul3A_498 : i32 to vector<16xi32>
      %mul3A_500 = arith.muli %get3A_497, %mul3A_499 : vector<16xi32>
      %add3A_501 = vector.broadcast %arg0 : i32 to vector<16xi32>
      %add3A_502 = arith.addi %mul3A_500, %add3A_501 : vector<16xi32>
      %swap3A_503 = arith.index_cast %add3A_437 : i32 to index
      %swap3A_504 = arith.constant 64 : index
      %swap3A_505 = tpu.vector_load %arg6[%swap3A_503, %swap3A_504] {strides = array<i32>} : memref<160x128xi32, #tpu.memory_space<vmem>>, vector<1x16xi32>,
      %swap3A_506 = vector.shape_cast %swap3A_505 : vector<1x16xi32> to vector<16xi32>
      %swap3A_507 = vector.shape_cast %add3A_502 : vector<16xi32> to vector<1x16xi32>
      tpu.vector_store %arg6[%swap3A_503, %swap3A_504], %swap3A_507 {strides = array<i32>} : memref<160x128xi32, #tpu.memory_space<vmem>>, vector<1x16xi32>,
      %get3A_508 = arith.index_cast %add3A_437 : i32 to index
      %get3A_509 = arith.constant 80 : index
      %get3A_510 = tpu.vector_load %arg6[%get3A_508, %get3A_509] {strides = array<i32>} : memref<160x128xi32, #tpu.memory_space<vmem>>, vector<1x16xi32>,
      %get3A_511 = vector.shape_cast %get3A_510 : vector<1x16xi32> to vector<16xi32>
      %mul3A_512 = arith.constant 2 : i32
      %mul3A_513 = vector.broadcast %mul3A_512 : i32 to vector<16xi32>
      %mul3A_514 = arith.muli %get3A_511, %mul3A_513 : vector<16xi32>
      %add3A_515 = vector.broadcast %arg0 : i32 to vector<16xi32>
      %add3A_516 = arith.addi %mul3A_514, %add3A_515 : vector<16xi32>
      %swap3A_517 = arith.index_cast %add3A_437 : i32 to index
      %swap3A_518 = arith.constant 80 : index
      %swap3A_519 = tpu.vector_load %arg6[%swap3A_517, %swap3A_518] {strides = array<i32>} : memref<160x128xi32, #tpu.memory_space<vmem>>, vector<1x16xi32>,
      %swap3A_520 = vector.shape_cast %swap3A_519 : vector<1x16xi32> to vector<16xi32>
      %swap3A_521 = vector.shape_cast %add3A_516 : vector<16xi32> to vector<1x16xi32>
      tpu.vector_store %arg6[%swap3A_517, %swap3A_518], %swap3A_521 {strides = array<i32>} : memref<160x128xi32, #tpu.memory_space<vmem>>, vector<1x16xi32>,
      %get3A_522 = arith.index_cast %add3A_437 : i32 to index
      %get3A_523 = arith.constant 96 : index
      %get3A_524 = tpu.vector_load %arg6[%get3A_522, %get3A_523] {strides = array<i32>} : memref<160x128xi32, #tpu.memory_space<vmem>>, vector<1x16xi32>,
      %get3A_525 = vector.shape_cast %get3A_524 : vector<1x16xi32> to vector<16xi32>
      %mul3A_526 = arith.constant 2 : i32
      %mul3A_527 = vector.broadcast %mul3A_526 : i32 to vector<16xi32>
      %mul3A_528 = arith.muli %get3A_525, %mul3A_527 : vector<16xi32>
      %add3A_529 = vector.broadcast %arg0 : i32 to vector<16xi32>
      %add3A_530 = arith.addi %mul3A_528, %add3A_529 : vector<16xi32>
      %swap3A_531 = arith.index_cast %add3A_437 : i32 to index
      %swap3A_532 = arith.constant 96 : index
      %swap3A_533 = tpu.vector_load %arg6[%swap3A_531, %swap3A_532] {strides = array<i32>} : memref<160x128xi32, #tpu.memory_space<vmem>>, vector<1x16xi32>,
      %swap3A_534 = vector.shape_cast %swap3A_533 : vector<1x16xi32> to vector<16xi32>
      %swap3A_535 = vector.shape_cast %add3A_530 : vector<16xi32> to vector<1x16xi32>
      tpu.vector_store %arg6[%swap3A_531, %swap3A_532], %swap3A_535 {strides = array<i32>} : memref<160x128xi32, #tpu.memory_space<vmem>>, vector<1x16xi32>,
      %get3A_536 = arith.index_cast %add3A_437 : i32 to index
      %get3A_537 = arith.constant 112 : index
      %get3A_538 = tpu.vector_load %arg6[%get3A_536, %get3A_537] {strides = array<i32>} : memref<160x128xi32, #tpu.memory_space<vmem>>, vector<1x16xi32>,
      %get3A_539 = vector.shape_cast %get3A_538 : vector<1x16xi32> to vector<16xi32>
      %mul3A_540 = arith.constant 2 : i32
      %mul3A_541 = vector.broadcast %mul3A_540 : i32 to vector<16xi32>
      %mul3A_542 = arith.muli %get3A_539, %mul3A_541 : vector<16xi32>
      %add3A_543 = vector.broadcast %arg0 : i32 to vector<16xi32>
      %add3A_544 = arith.addi %mul3A_542, %add3A_543 : vector<16xi32>
      %swap3A_545 = arith.index_cast %add3A_437 : i32 to index
      %swap3A_546 = arith.constant 112 : index
      %swap3A_547 = tpu.vector_load %arg6[%swap3A_545, %swap3A_546] {strides = array<i32>} : memref<160x128xi32, #tpu.memory_space<vmem>>, vector<1x16xi32>,
      %swap3A_548 = vector.shape_cast %swap3A_547 : vector<1x16xi32> to vector<16xi32>
      %swap3A_549 = vector.shape_cast %add3A_544 : vector<16xi32> to vector<1x16xi32>
      tpu.vector_store %arg6[%swap3A_545, %swap3A_546], %swap3A_549 {strides = array<i32>} : memref<160x128xi32, #tpu.memory_space<vmem>>, vector<1x16xi32>,
      %dma_wait3A = arith.constant 0 : i32
      %dma_wait3A_550 = arith.constant 0 : i32
      %dma_wait3A_551 = tpu.memref_slice %arg4[%dma_wait3A, %dma_wait3A_550] : memref<160000x64xf32, #tpu.memory_space<hbm>> -> memref<128x64xf32, #tpu.memory_space<hbm>>
      %dma_wait3A_552 = arith.constant 0 : i32
      %dma_wait3A_553 = arith.constant 0 : i32
      %dma_wait3A_554 = tpu.memref_slice %arg4[%dma_wait3A_552, %dma_wait3A_553] : memref<160000x64xf32, #tpu.memory_space<hbm>> -> memref<128x64xf32, #tpu.memory_space<hbm>>
      tpu.wait_dma2 semaphore(%arg11 : memref<!tpu.dma_semaphore, #tpu.memory_space<semaphore_mem>>) src(%dma_wait3A_554 : memref<128x64xf32, #tpu.memory_space<hbm>>) dst(%arg8 : memref<128x64xf32, #tpu.memory_space<vmem>>)
      "tpu.region"() ({
        %run_scoped3A = tpu.sem_alloc : memref<!tpu.dma_semaphore, #tpu.memory_space<semaphore_mem>>
        %dma_start3A_563 = arith.constant 0 : i32
        %dma_start3A_564 = tpu.memref_slice %arg7[%mul3A_313, %dma_start3A_563] : memref<158x128xi32, #tpu.memory_space<vmem>> -> memref<1x128xi32, #tpu.memory_space<vmem>>
        %dma_start3A_565 = tpu.memref_squeeze %dma_start3A_564 : memref<1x128xi32, #tpu.memory_space<vmem>> -> memref<128xi32, #tpu.memory_space<vmem>>
        %dma_start3A_566 = arith.constant 0 : i32
        %dma_start3A_567 = arith.constant 0 : i32
        %dma_start3A_568 = tpu.memref_slice %arg10[%dma_start3A_566, %dma_start3A_567] : memref<10240x64xf32, #tpu.memory_space<vmem_shared>> -> memref<10240x64xf32, #tpu.memory_space<vmem_shared>>
        tpu.enqueue_indirect_dma source(%arg8 : memref<128x64xf32, #tpu.memory_space<vmem>>) target(%dma_start3A_568 : memref<10240x64xf32, #tpu.memory_space<vmem_shared>>) offsets(%dma_start3A_565 : memref<128xi32, #tpu.memory_space<vmem>>) semaphore(%run_scoped3A : memref<!tpu.dma_semaphore, #tpu.memory_space<semaphore_mem>>) {add = true}
        %dma_wait3A_569 = arith.constant 0 : i32
        %dma_wait3A_570 = tpu.memref_slice %arg7[%mul3A_313, %dma_wait3A_569] : memref<158x128xi32, #tpu.memory_space<vmem>> -> memref<1x128xi32, #tpu.memory_space<vmem>>
        %dma_wait3A_571 = tpu.memref_squeeze %dma_wait3A_570 : memref<1x128xi32, #tpu.memory_space<vmem>> -> memref<128xi32, #tpu.memory_space<vmem>>
        %dma_wait3A_572 = arith.constant 0 : i32
        %dma_wait3A_573 = arith.constant 0 : i32
        %dma_wait3A_574 = tpu.memref_slice %arg10[%dma_wait3A_572, %dma_wait3A_573] : memref<10240x64xf32, #tpu.memory_space<vmem_shared>> -> memref<10240x64xf32, #tpu.memory_space<vmem_shared>>
        tpu.wait_indirect_dma semaphore(%run_scoped3A : memref<!tpu.dma_semaphore, #tpu.memory_space<semaphore_mem>>) src(%arg8 : memref<128x64xf32, #tpu.memory_space<vmem>>) dst(%dma_wait3A_574 : memref<10240x64xf32, #tpu.memory_space<vmem_shared>>)
        tpu.yield
      }) : () -> ()
      %lt3A = arith.constant 78 : i32
      %lt3A_555 = arith.cmpi slt, %scan3A_311, %lt3A : i32
      %convert_element_type3A = arith.extui %lt3A_555 : i1 to i32
      %cond3A = arith.constant 0 : i32
      %cond3A_556 = arith.cmpi ne, %convert_element_type3A, %cond3A : i32
      scf.if %cond3A_556 {
        %add3A_563 = arith.constant 2 : i32
        %add3A_564 = arith.addi %mul3A_313, %add3A_563 : i32
        %dma_start3A_565 = arith.constant 0 : i32
        %dma_start3A_566 = tpu.memref_slice %arg6[%add3A_564, %dma_start3A_565] : memref<160x128xi32, #tpu.memory_space<vmem>> -> memref<1x128xi32, #tpu.memory_space<vmem>>
        %dma_start3A_567 = tpu.memref_squeeze %dma_start3A_566 : memref<1x128xi32, #tpu.memory_space<vmem>> -> memref<128xi32, #tpu.memory_space<vmem>>
        %dma_start3A_568 = arith.constant 0 : i32
        %dma_start3A_569 = arith.constant 0 : i32
        %dma_start3A_570 = tpu.memref_slice %arg4[%dma_start3A_568, %dma_start3A_569] : memref<160000x64xf32, #tpu.memory_space<hbm>> -> memref<160000x64xf32, #tpu.memory_space<hbm>>
        tpu.enqueue_indirect_dma source(%dma_start3A_570 : memref<160000x64xf32, #tpu.memory_space<hbm>>) target(%arg8 : memref<128x64xf32, #tpu.memory_space<vmem>>) offsets(%dma_start3A_567 : memref<128xi32, #tpu.memory_space<vmem>>) semaphore(%arg11 : memref<!tpu.dma_semaphore, #tpu.memory_space<semaphore_mem>>)
      } else {
      }
      %dma_wait3A_557 = arith.constant 0 : i32
      %dma_wait3A_558 = arith.constant 0 : i32
      %dma_wait3A_559 = tpu.memref_slice %arg4[%dma_wait3A_557, %dma_wait3A_558] : memref<160000x64xf32, #tpu.memory_space<hbm>> -> memref<128x64xf32, #tpu.memory_space<hbm>>
      %dma_wait3A_560 = arith.constant 0 : i32
      %dma_wait3A_561 = arith.constant 0 : i32
      %dma_wait3A_562 = tpu.memref_slice %arg4[%dma_wait3A_560, %dma_wait3A_561] : memref<160000x64xf32, #tpu.memory_space<hbm>> -> memref<128x64xf32, #tpu.memory_space<hbm>>
      tpu.wait_dma2 semaphore(%arg12 : memref<!tpu.dma_semaphore, #tpu.memory_space<semaphore_mem>>) src(%dma_wait3A_562 : memref<128x64xf32, #tpu.memory_space<hbm>>) dst(%arg9 : memref<128x64xf32, #tpu.memory_space<vmem>>)
      "tpu.region"() ({
        %run_scoped3A = tpu.sem_alloc : memref<!tpu.dma_semaphore, #tpu.memory_space<semaphore_mem>>
        %dma_start3A_563 = arith.constant 0 : i32
        %dma_start3A_564 = tpu.memref_slice %arg7[%add3A_315, %dma_start3A_563] : memref<158x128xi32, #tpu.memory_space<vmem>> -> memref<1x128xi32, #tpu.memory_space<vmem>>
        %dma_start3A_565 = tpu.memref_squeeze %dma_start3A_564 : memref<1x128xi32, #tpu.memory_space<vmem>> -> memref<128xi32, #tpu.memory_space<vmem>>
        %dma_start3A_566 = arith.constant 0 : i32
        %dma_start3A_567 = arith.constant 0 : i32
        %dma_start3A_568 = tpu.memref_slice %arg10[%dma_start3A_566, %dma_start3A_567] : memref<10240x64xf32, #tpu.memory_space<vmem_shared>> -> memref<10240x64xf32, #tpu.memory_space<vmem_shared>>
        tpu.enqueue_indirect_dma source(%arg9 : memref<128x64xf32, #tpu.memory_space<vmem>>) target(%dma_start3A_568 : memref<10240x64xf32, #tpu.memory_space<vmem_shared>>) offsets(%dma_start3A_565 : memref<128xi32, #tpu.memory_space<vmem>>) semaphore(%run_scoped3A : memref<!tpu.dma_semaphore, #tpu.memory_space<semaphore_mem>>) {add = true}
        %dma_wait3A_569 = arith.constant 0 : i32
        %dma_wait3A_570 = tpu.memref_slice %arg7[%add3A_315, %dma_wait3A_569] : memref<158x128xi32, #tpu.memory_space<vmem>> -> memref<1x128xi32, #tpu.memory_space<vmem>>
        %dma_wait3A_571 = tpu.memref_squeeze %dma_wait3A_570 : memref<1x128xi32, #tpu.memory_space<vmem>> -> memref<128xi32, #tpu.memory_space<vmem>>
        %dma_wait3A_572 = arith.constant 0 : i32
        %dma_wait3A_573 = arith.constant 0 : i32
        %dma_wait3A_574 = tpu.memref_slice %arg10[%dma_wait3A_572, %dma_wait3A_573] : memref<10240x64xf32, #tpu.memory_space<vmem_shared>> -> memref<10240x64xf32, #tpu.memory_space<vmem_shared>>
        tpu.wait_indirect_dma semaphore(%run_scoped3A : memref<!tpu.dma_semaphore, #tpu.memory_space<semaphore_mem>>) src(%arg9 : memref<128x64xf32, #tpu.memory_space<vmem>>) dst(%dma_wait3A_574 : memref<10240x64xf32, #tpu.memory_space<vmem_shared>>)
        tpu.yield
      }) : () -> ()
    }
    %scan3A_289 = arith.constant 79 : i32
    %barrier3A_290 = arith.constant 0 : index
    tpu.barrier barrier_id(%barrier3A_290)
    %mul3A_291 = arith.constant 640 : i32
    %mul3A_292 = arith.muli %arg1, %mul3A_291 : i32
    %add3A_293 = arith.constant 0 : i32
    %add3A_294 = arith.addi %mul3A_292, %add3A_293 : i32
    "tpu.region"() ({
      %run_scoped3A = tpu.sem_alloc : memref<!tpu.dma_semaphore, #tpu.memory_space<semaphore_mem>>
      %dma_start3A_311 = arith.constant 0 : i32
      %dma_start3A_312 = arith.constant 0 : i32
      %dma_start3A_313 = tpu.memref_slice %arg8[%dma_start3A_311, %dma_start3A_312] : memref<128x64xf32, #tpu.memory_space<vmem>> -> memref<128x64xf32, #tpu.memory_space<vmem>>
      %dma_start3A_314 = arith.constant 0 : i32
      %dma_start3A_315 = tpu.memref_slice %arg10[%add3A_294, %dma_start3A_314] : memref<10240x64xf32, #tpu.memory_space<vmem_shared>> -> memref<128x64xf32, #tpu.memory_space<vmem_shared>>
      %dma_start3A_316 = arith.constant 0 : i32
      %dma_start3A_317 = arith.constant 0 : i32
      %dma_start3A_318 = tpu.memref_slice %arg8[%dma_start3A_316, %dma_start3A_317] : memref<128x64xf32, #tpu.memory_space<vmem>> -> memref<128x64xf32, #tpu.memory_space<vmem>>
      %dma_start3A_319 = arith.constant 0 : i32
      %dma_start3A_320 = tpu.memref_slice %arg10[%add3A_294, %dma_start3A_319] : memref<10240x64xf32, #tpu.memory_space<vmem_shared>> -> memref<128x64xf32, #tpu.memory_space<vmem_shared>>
      tpu.enqueue_dma source(%dma_start3A_320 : memref<128x64xf32, #tpu.memory_space<vmem_shared>>) target(%dma_start3A_318 : memref<128x64xf32, #tpu.memory_space<vmem>>) target_semaphore(%run_scoped3A : memref<!tpu.dma_semaphore, #tpu.memory_space<semaphore_mem>>)
      %dma_wait3A = arith.constant 0 : i32
      %dma_wait3A_321 = arith.constant 0 : i32
      %dma_wait3A_322 = tpu.memref_slice %arg8[%dma_wait3A, %dma_wait3A_321] : memref<128x64xf32, #tpu.memory_space<vmem>> -> memref<128x64xf32, #tpu.memory_space<vmem>>
      %dma_wait3A_323 = arith.constant 0 : i32
      %dma_wait3A_324 = tpu.memref_slice %arg10[%add3A_294, %dma_wait3A_323] : memref<10240x64xf32, #tpu.memory_space<vmem_shared>> -> memref<128x64xf32, #tpu.memory_space<vmem_shared>>
      %dma_wait3A_325 = arith.constant 0 : i32
      %dma_wait3A_326 = arith.constant 0 : i32
      %dma_wait3A_327 = tpu.memref_slice %arg8[%dma_wait3A_325, %dma_wait3A_326] : memref<128x64xf32, #tpu.memory_space<vmem>> -> memref<128x64xf32, #tpu.memory_space<vmem>>
      %dma_wait3A_328 = arith.constant 0 : i32
      %dma_wait3A_329 = tpu.memref_slice %arg10[%add3A_294, %dma_wait3A_328] : memref<10240x64xf32, #tpu.memory_space<vmem_shared>> -> memref<128x64xf32, #tpu.memory_space<vmem_shared>>
      tpu.wait_dma2 semaphore(%run_scoped3A : memref<!tpu.dma_semaphore, #tpu.memory_space<semaphore_mem>>) src(%dma_wait3A_329 : memref<128x64xf32, #tpu.memory_space<vmem_shared>>) dst(%dma_wait3A_327 : memref<128x64xf32, #tpu.memory_space<vmem>>)
      tpu.yield
    }) : () -> ()
    "tpu.region"() ({
      %run_scoped3A = tpu.sem_alloc : memref<!tpu.dma_semaphore, #tpu.memory_space<semaphore_mem>>
      %dma_start3A_311 = arith.constant 0 : i32
      %dma_start3A_312 = arith.constant 0 : i32
      %dma_start3A_313 = tpu.memref_slice %arg8[%dma_start3A_311, %dma_start3A_312] : memref<128x64xf32, #tpu.memory_space<vmem>> -> memref<128x64xf32, #tpu.memory_space<vmem>>
      %dma_start3A_314 = arith.constant 0 : i32
      %dma_start3A_315 = tpu.memref_slice %arg5[%arg0, %add3A_294, %dma_start3A_314] : memref<2x10240x64xf32, #tpu.memory_space<hbm>> -> memref<1x128x64xf32, #tpu.memory_space<hbm>>
      %dma_start3A_316 = tpu.memref_squeeze %dma_start3A_315 : memref<1x128x64xf32, #tpu.memory_space<hbm>> -> memref<128x64xf32, #tpu.memory_space<hbm>>
      %dma_start3A_317 = arith.constant 0 : i32
      %dma_start3A_318 = tpu.memref_slice %arg5[%arg0, %add3A_294, %dma_start3A_317] : memref<2x10240x64xf32, #tpu.memory_space<hbm>> -> memref<1x128x64xf32, #tpu.memory_space<hbm>>
      %dma_start3A_319 = tpu.memref_squeeze %dma_start3A_318 : memref<1x128x64xf32, #tpu.memory_space<hbm>> -> memref<128x64xf32, #tpu.memory_space<hbm>>
      %dma_start3A_320 = arith.constant 0 : i32
      %dma_start3A_321 = arith.constant 0 : i32
      %dma_start3A_322 = tpu.memref_slice %arg8[%dma_start3A_320, %dma_start3A_321] : memref<128x64xf32, #tpu.memory_space<vmem>> -> memref<128x64xf32, #tpu.memory_space<vmem>>
      tpu.enqueue_dma source(%dma_start3A_322 : memref<128x64xf32, #tpu.memory_space<vmem>>) target(%dma_start3A_319 : memref<128x64xf32, #tpu.memory_space<hbm>>) target_semaphore(%run_scoped3A : memref<!tpu.dma_semaphore, #tpu.memory_space<semaphore_mem>>)
      %dma_wait3A = arith.constant 0 : i32
      %dma_wait3A_323 = arith.constant 0 : i32
      %dma_wait3A_324 = tpu.memref_slice %arg8[%dma_wait3A, %dma_wait3A_323] : memref<128x64xf32, #tpu.memory_space<vmem>> -> memref<128x64xf32, #tpu.memory_space<vmem>>
      %dma_wait3A_325 = arith.constant 0 : i32
      %dma_wait3A_326 = tpu.memref_slice %arg5[%arg0, %add3A_294, %dma_wait3A_325] : memref<2x10240x64xf32, #tpu.memory_space<hbm>> -> memref<1x128x64xf32, #tpu.memory_space<hbm>>
      %dma_wait3A_327 = tpu.memref_squeeze %dma_wait3A_326 : memref<1x128x64xf32, #tpu.memory_space<hbm>> -> memref<128x64xf32, #tpu.memory_space<hbm>>
      %dma_wait3A_328 = arith.constant 0 : i32
      %dma_wait3A_329 = tpu.memref_slice %arg5[%arg0, %add3A_294, %dma_wait3A_328] : memref<2x10240x64xf32, #tpu.memory_space<hbm>> -> memref<1x128x64xf32, #tpu.memory_space<hbm>>
      %dma_wait3A_330 = tpu.memref_squeeze %dma_wait3A_329 : memref<1x128x64xf32, #tpu.memory_space<hbm>> -> memref<128x64xf32, #tpu.memory_space<hbm>>
      %dma_wait3A_331 = arith.constant 0 : i32
      %dma_wait3A_332 = arith.constant 0 : i32
      %dma_wait3A_333 = tpu.memref_slice %arg8[%dma_wait3A_331, %dma_wait3A_332] : memref<128x64xf32, #tpu.memory_space<vmem>> -> memref<128x64xf32, #tpu.memory_space<vmem>>
      tpu.wait_dma2 semaphore(%run_scoped3A : memref<!tpu.dma_semaphore, #tpu.memory_space<semaphore_mem>>) src(%dma_wait3A_333 : memref<128x64xf32, #tpu.memory_space<vmem>>) dst(%dma_wait3A_330 : memref<128x64xf32, #tpu.memory_space<hbm>>)
      tpu.yield
    }) : () -> ()
    %mul3A_295 = arith.constant 640 : i32
    %mul3A_296 = arith.muli %arg1, %mul3A_295 : i32
    %add3A_297 = arith.constant 128 : i32
    %add3A_298 = arith.addi %mul3A_296, %add3A_297 : i32
    "tpu.region"() ({
      %run_scoped3A = tpu.sem_alloc : memref<!tpu.dma_semaphore, #tpu.memory_space<semaphore_mem>>
      %dma_start3A_311 = arith.constant 0 : i32
      %dma_start3A_312 = arith.constant 0 : i32
      %dma_start3A_313 = tpu.memref_slice %arg8[%dma_start3A_311, %dma_start3A_312] : memref<128x64xf32, #tpu.memory_space<vmem>> -> memref<128x64xf32, #tpu.memory_space<vmem>>
      %dma_start3A_314 = arith.constant 0 : i32
      %dma_start3A_315 = tpu.memref_slice %arg10[%add3A_298, %dma_start3A_314] : memref<10240x64xf32, #tpu.memory_space<vmem_shared>> -> memref<128x64xf32, #tpu.memory_space<vmem_shared>>
      %dma_start3A_316 = arith.constant 0 : i32
      %dma_start3A_317 = arith.constant 0 : i32
      %dma_start3A_318 = tpu.memref_slice %arg8[%dma_start3A_316, %dma_start3A_317] : memref<128x64xf32, #tpu.memory_space<vmem>> -> memref<128x64xf32, #tpu.memory_space<vmem>>
      %dma_start3A_319 = arith.constant 0 : i32
      %dma_start3A_320 = tpu.memref_slice %arg10[%add3A_298, %dma_start3A_319] : memref<10240x64xf32, #tpu.memory_space<vmem_shared>> -> memref<128x64xf32, #tpu.memory_space<vmem_shared>>
      tpu.enqueue_dma source(%dma_start3A_320 : memref<128x64xf32, #tpu.memory_space<vmem_shared>>) target(%dma_start3A_318 : memref<128x64xf32, #tpu.memory_space<vmem>>) target_semaphore(%run_scoped3A : memref<!tpu.dma_semaphore, #tpu.memory_space<semaphore_mem>>)
      %dma_wait3A = arith.constant 0 : i32
      %dma_wait3A_321 = arith.constant 0 : i32
      %dma_wait3A_322 = tpu.memref_slice %arg8[%dma_wait3A, %dma_wait3A_321] : memref<128x64xf32, #tpu.memory_space<vmem>> -> memref<128x64xf32, #tpu.memory_space<vmem>>
      %dma_wait3A_323 = arith.constant 0 : i32
      %dma_wait3A_324 = tpu.memref_slice %arg10[%add3A_298, %dma_wait3A_323] : memref<10240x64xf32, #tpu.memory_space<vmem_shared>> -> memref<128x64xf32, #tpu.memory_space<vmem_shared>>
      %dma_wait3A_325 = arith.constant 0 : i32
      %dma_wait3A_326 = arith.constant 0 : i32
      %dma_wait3A_327 = tpu.memref_slice %arg8[%dma_wait3A_325, %dma_wait3A_326] : memref<128x64xf32, #tpu.memory_space<vmem>> -> memref<128x64xf32, #tpu.memory_space<vmem>>
      %dma_wait3A_328 = arith.constant 0 : i32
      %dma_wait3A_329 = tpu.memref_slice %arg10[%add3A_298, %dma_wait3A_328] : memref<10240x64xf32, #tpu.memory_space<vmem_shared>> -> memref<128x64xf32, #tpu.memory_space<vmem_shared>>
      tpu.wait_dma2 semaphore(%run_scoped3A : memref<!tpu.dma_semaphore, #tpu.memory_space<semaphore_mem>>) src(%dma_wait3A_329 : memref<128x64xf32, #tpu.memory_space<vmem_shared>>) dst(%dma_wait3A_327 : memref<128x64xf32, #tpu.memory_space<vmem>>)
      tpu.yield
    }) : () -> ()
    "tpu.region"() ({
      %run_scoped3A = tpu.sem_alloc : memref<!tpu.dma_semaphore, #tpu.memory_space<semaphore_mem>>
      %dma_start3A_311 = arith.constant 0 : i32
      %dma_start3A_312 = arith.constant 0 : i32
      %dma_start3A_313 = tpu.memref_slice %arg8[%dma_start3A_311, %dma_start3A_312] : memref<128x64xf32, #tpu.memory_space<vmem>> -> memref<128x64xf32, #tpu.memory_space<vmem>>
      %dma_start3A_314 = arith.constant 0 : i32
      %dma_start3A_315 = tpu.memref_slice %arg5[%arg0, %add3A_298, %dma_start3A_314] : memref<2x10240x64xf32, #tpu.memory_space<hbm>> -> memref<1x128x64xf32, #tpu.memory_space<hbm>>
      %dma_start3A_316 = tpu.memref_squeeze %dma_start3A_315 : memref<1x128x64xf32, #tpu.memory_space<hbm>> -> memref<128x64xf32, #tpu.memory_space<hbm>>
      %dma_start3A_317 = arith.constant 0 : i32
      %dma_start3A_318 = tpu.memref_slice %arg5[%arg0, %add3A_298, %dma_start3A_317] : memref<2x10240x64xf32, #tpu.memory_space<hbm>> -> memref<1x128x64xf32, #tpu.memory_space<hbm>>
      %dma_start3A_319 = tpu.memref_squeeze %dma_start3A_318 : memref<1x128x64xf32, #tpu.memory_space<hbm>> -> memref<128x64xf32, #tpu.memory_space<hbm>>
      %dma_start3A_320 = arith.constant 0 : i32
      %dma_start3A_321 = arith.constant 0 : i32
      %dma_start3A_322 = tpu.memref_slice %arg8[%dma_start3A_320, %dma_start3A_321] : memref<128x64xf32, #tpu.memory_space<vmem>> -> memref<128x64xf32, #tpu.memory_space<vmem>>
      tpu.enqueue_dma source(%dma_start3A_322 : memref<128x64xf32, #tpu.memory_space<vmem>>) target(%dma_start3A_319 : memref<128x64xf32, #tpu.memory_space<hbm>>) target_semaphore(%run_scoped3A : memref<!tpu.dma_semaphore, #tpu.memory_space<semaphore_mem>>)
      %dma_wait3A = arith.constant 0 : i32
      %dma_wait3A_323 = arith.constant 0 : i32
      %dma_wait3A_324 = tpu.memref_slice %arg8[%dma_wait3A, %dma_wait3A_323] : memref<128x64xf32, #tpu.memory_space<vmem>> -> memref<128x64xf32, #tpu.memory_space<vmem>>
      %dma_wait3A_325 = arith.constant 0 : i32
      %dma_wait3A_326 = tpu.memref_slice %arg5[%arg0, %add3A_298, %dma_wait3A_325] : memref<2x10240x64xf32, #tpu.memory_space<hbm>> -> memref<1x128x64xf32, #tpu.memory_space<hbm>>
      %dma_wait3A_327 = tpu.memref_squeeze %dma_wait3A_326 : memref<1x128x64xf32, #tpu.memory_space<hbm>> -> memref<128x64xf32, #tpu.memory_space<hbm>>
      %dma_wait3A_328 = arith.constant 0 : i32
      %dma_wait3A_329 = tpu.memref_slice %arg5[%arg0, %add3A_298, %dma_wait3A_328] : memref<2x10240x64xf32, #tpu.memory_space<hbm>> -> memref<1x128x64xf32, #tpu.memory_space<hbm>>
      %dma_wait3A_330 = tpu.memref_squeeze %dma_wait3A_329 : memref<1x128x64xf32, #tpu.memory_space<hbm>> -> memref<128x64xf32, #tpu.memory_space<hbm>>
      %dma_wait3A_331 = arith.constant 0 : i32
      %dma_wait3A_332 = arith.constant 0 : i32
      %dma_wait3A_333 = tpu.memref_slice %arg8[%dma_wait3A_331, %dma_wait3A_332] : memref<128x64xf32, #tpu.memory_space<vmem>> -> memref<128x64xf32, #tpu.memory_space<vmem>>
      tpu.wait_dma2 semaphore(%run_scoped3A : memref<!tpu.dma_semaphore, #tpu.memory_space<semaphore_mem>>) src(%dma_wait3A_333 : memref<128x64xf32, #tpu.memory_space<vmem>>) dst(%dma_wait3A_330 : memref<128x64xf32, #tpu.memory_space<hbm>>)
      tpu.yield
    }) : () -> ()
    %mul3A_299 = arith.constant 640 : i32
    %mul3A_300 = arith.muli %arg1, %mul3A_299 : i32
    %add3A_301 = arith.constant 256 : i32
    %add3A_302 = arith.addi %mul3A_300, %add3A_301 : i32
    "tpu.region"() ({
      %run_scoped3A = tpu.sem_alloc : memref<!tpu.dma_semaphore, #tpu.memory_space<semaphore_mem>>
      %dma_start3A_311 = arith.constant 0 : i32
      %dma_start3A_312 = arith.constant 0 : i32
      %dma_start3A_313 = tpu.memref_slice %arg8[%dma_start3A_311, %dma_start3A_312] : memref<128x64xf32, #tpu.memory_space<vmem>> -> memref<128x64xf32, #tpu.memory_space<vmem>>
      %dma_start3A_314 = arith.constant 0 : i32
      %dma_start3A_315 = tpu.memref_slice %arg10[%add3A_302, %dma_start3A_314] : memref<10240x64xf32, #tpu.memory_space<vmem_shared>> -> memref<128x64xf32, #tpu.memory_space<vmem_shared>>
      %dma_start3A_316 = arith.constant 0 : i32
      %dma_start3A_317 = arith.constant 0 : i32
      %dma_start3A_318 = tpu.memref_slice %arg8[%dma_start3A_316, %dma_start3A_317] : memref<128x64xf32, #tpu.memory_space<vmem>> -> memref<128x64xf32, #tpu.memory_space<vmem>>
      %dma_start3A_319 = arith.constant 0 : i32
      %dma_start3A_320 = tpu.memref_slice %arg10[%add3A_302, %dma_start3A_319] : memref<10240x64xf32, #tpu.memory_space<vmem_shared>> -> memref<128x64xf32, #tpu.memory_space<vmem_shared>>
      tpu.enqueue_dma source(%dma_start3A_320 : memref<128x64xf32, #tpu.memory_space<vmem_shared>>) target(%dma_start3A_318 : memref<128x64xf32, #tpu.memory_space<vmem>>) target_semaphore(%run_scoped3A : memref<!tpu.dma_semaphore, #tpu.memory_space<semaphore_mem>>)
      %dma_wait3A = arith.constant 0 : i32
      %dma_wait3A_321 = arith.constant 0 : i32
      %dma_wait3A_322 = tpu.memref_slice %arg8[%dma_wait3A, %dma_wait3A_321] : memref<128x64xf32, #tpu.memory_space<vmem>> -> memref<128x64xf32, #tpu.memory_space<vmem>>
      %dma_wait3A_323 = arith.constant 0 : i32
      %dma_wait3A_324 = tpu.memref_slice %arg10[%add3A_302, %dma_wait3A_323] : memref<10240x64xf32, #tpu.memory_space<vmem_shared>> -> memref<128x64xf32, #tpu.memory_space<vmem_shared>>
      %dma_wait3A_325 = arith.constant 0 : i32
      %dma_wait3A_326 = arith.constant 0 : i32
      %dma_wait3A_327 = tpu.memref_slice %arg8[%dma_wait3A_325, %dma_wait3A_326] : memref<128x64xf32, #tpu.memory_space<vmem>> -> memref<128x64xf32, #tpu.memory_space<vmem>>
      %dma_wait3A_328 = arith.constant 0 : i32
      %dma_wait3A_329 = tpu.memref_slice %arg10[%add3A_302, %dma_wait3A_328] : memref<10240x64xf32, #tpu.memory_space<vmem_shared>> -> memref<128x64xf32, #tpu.memory_space<vmem_shared>>
      tpu.wait_dma2 semaphore(%run_scoped3A : memref<!tpu.dma_semaphore, #tpu.memory_space<semaphore_mem>>) src(%dma_wait3A_329 : memref<128x64xf32, #tpu.memory_space<vmem_shared>>) dst(%dma_wait3A_327 : memref<128x64xf32, #tpu.memory_space<vmem>>)
      tpu.yield
    }) : () -> ()
    "tpu.region"() ({
      %run_scoped3A = tpu.sem_alloc : memref<!tpu.dma_semaphore, #tpu.memory_space<semaphore_mem>>
      %dma_start3A_311 = arith.constant 0 : i32
      %dma_start3A_312 = arith.constant 0 : i32
      %dma_start3A_313 = tpu.memref_slice %arg8[%dma_start3A_311, %dma_start3A_312] : memref<128x64xf32, #tpu.memory_space<vmem>> -> memref<128x64xf32, #tpu.memory_space<vmem>>
      %dma_start3A_314 = arith.constant 0 : i32
      %dma_start3A_315 = tpu.memref_slice %arg5[%arg0, %add3A_302, %dma_start3A_314] : memref<2x10240x64xf32, #tpu.memory_space<hbm>> -> memref<1x128x64xf32, #tpu.memory_space<hbm>>
      %dma_start3A_316 = tpu.memref_squeeze %dma_start3A_315 : memref<1x128x64xf32, #tpu.memory_space<hbm>> -> memref<128x64xf32, #tpu.memory_space<hbm>>
      %dma_start3A_317 = arith.constant 0 : i32
      %dma_start3A_318 = tpu.memref_slice %arg5[%arg0, %add3A_302, %dma_start3A_317] : memref<2x10240x64xf32, #tpu.memory_space<hbm>> -> memref<1x128x64xf32, #tpu.memory_space<hbm>>
      %dma_start3A_319 = tpu.memref_squeeze %dma_start3A_318 : memref<1x128x64xf32, #tpu.memory_space<hbm>> -> memref<128x64xf32, #tpu.memory_space<hbm>>
      %dma_start3A_320 = arith.constant 0 : i32
      %dma_start3A_321 = arith.constant 0 : i32
      %dma_start3A_322 = tpu.memref_slice %arg8[%dma_start3A_320, %dma_start3A_321] : memref<128x64xf32, #tpu.memory_space<vmem>> -> memref<128x64xf32, #tpu.memory_space<vmem>>
      tpu.enqueue_dma source(%dma_start3A_322 : memref<128x64xf32, #tpu.memory_space<vmem>>) target(%dma_start3A_319 : memref<128x64xf32, #tpu.memory_space<hbm>>) target_semaphore(%run_scoped3A : memref<!tpu.dma_semaphore, #tpu.memory_space<semaphore_mem>>)
      %dma_wait3A = arith.constant 0 : i32
      %dma_wait3A_323 = arith.constant 0 : i32
      %dma_wait3A_324 = tpu.memref_slice %arg8[%dma_wait3A, %dma_wait3A_323] : memref<128x64xf32, #tpu.memory_space<vmem>> -> memref<128x64xf32, #tpu.memory_space<vmem>>
      %dma_wait3A_325 = arith.constant 0 : i32
      %dma_wait3A_326 = tpu.memref_slice %arg5[%arg0, %add3A_302, %dma_wait3A_325] : memref<2x10240x64xf32, #tpu.memory_space<hbm>> -> memref<1x128x64xf32, #tpu.memory_space<hbm>>
      %dma_wait3A_327 = tpu.memref_squeeze %dma_wait3A_326 : memref<1x128x64xf32, #tpu.memory_space<hbm>> -> memref<128x64xf32, #tpu.memory_space<hbm>>
      %dma_wait3A_328 = arith.constant 0 : i32
      %dma_wait3A_329 = tpu.memref_slice %arg5[%arg0, %add3A_302, %dma_wait3A_328] : memref<2x10240x64xf32, #tpu.memory_space<hbm>> -> memref<1x128x64xf32, #tpu.memory_space<hbm>>
      %dma_wait3A_330 = tpu.memref_squeeze %dma_wait3A_329 : memref<1x128x64xf32, #tpu.memory_space<hbm>> -> memref<128x64xf32, #tpu.memory_space<hbm>>
      %dma_wait3A_331 = arith.constant 0 : i32
      %dma_wait3A_332 = arith.constant 0 : i32
      %dma_wait3A_333 = tpu.memref_slice %arg8[%dma_wait3A_331, %dma_wait3A_332] : memref<128x64xf32, #tpu.memory_space<vmem>> -> memref<128x64xf32, #tpu.memory_space<vmem>>
      tpu.wait_dma2 semaphore(%run_scoped3A : memref<!tpu.dma_semaphore, #tpu.memory_space<semaphore_mem>>) src(%dma_wait3A_333 : memref<128x64xf32, #tpu.memory_space<vmem>>) dst(%dma_wait3A_330 : memref<128x64xf32, #tpu.memory_space<hbm>>)
      tpu.yield
    }) : () -> ()
    %mul3A_303 = arith.constant 640 : i32
    %mul3A_304 = arith.muli %arg1, %mul3A_303 : i32
    %add3A_305 = arith.constant 384 : i32
    %add3A_306 = arith.addi %mul3A_304, %add3A_305 : i32
    "tpu.region"() ({
      %run_scoped3A = tpu.sem_alloc : memref<!tpu.dma_semaphore, #tpu.memory_space<semaphore_mem>>
      %dma_start3A_311 = arith.constant 0 : i32
      %dma_start3A_312 = arith.constant 0 : i32
      %dma_start3A_313 = tpu.memref_slice %arg8[%dma_start3A_311, %dma_start3A_312] : memref<128x64xf32, #tpu.memory_space<vmem>> -> memref<128x64xf32, #tpu.memory_space<vmem>>
      %dma_start3A_314 = arith.constant 0 : i32
      %dma_start3A_315 = tpu.memref_slice %arg10[%add3A_306, %dma_start3A_314] : memref<10240x64xf32, #tpu.memory_space<vmem_shared>> -> memref<128x64xf32, #tpu.memory_space<vmem_shared>>
      %dma_start3A_316 = arith.constant 0 : i32
      %dma_start3A_317 = arith.constant 0 : i32
      %dma_start3A_318 = tpu.memref_slice %arg8[%dma_start3A_316, %dma_start3A_317] : memref<128x64xf32, #tpu.memory_space<vmem>> -> memref<128x64xf32, #tpu.memory_space<vmem>>
      %dma_start3A_319 = arith.constant 0 : i32
      %dma_start3A_320 = tpu.memref_slice %arg10[%add3A_306, %dma_start3A_319] : memref<10240x64xf32, #tpu.memory_space<vmem_shared>> -> memref<128x64xf32, #tpu.memory_space<vmem_shared>>
      tpu.enqueue_dma source(%dma_start3A_320 : memref<128x64xf32, #tpu.memory_space<vmem_shared>>) target(%dma_start3A_318 : memref<128x64xf32, #tpu.memory_space<vmem>>) target_semaphore(%run_scoped3A : memref<!tpu.dma_semaphore, #tpu.memory_space<semaphore_mem>>)
      %dma_wait3A = arith.constant 0 : i32
      %dma_wait3A_321 = arith.constant 0 : i32
      %dma_wait3A_322 = tpu.memref_slice %arg8[%dma_wait3A, %dma_wait3A_321] : memref<128x64xf32, #tpu.memory_space<vmem>> -> memref<128x64xf32, #tpu.memory_space<vmem>>
      %dma_wait3A_323 = arith.constant 0 : i32
      %dma_wait3A_324 = tpu.memref_slice %arg10[%add3A_306, %dma_wait3A_323] : memref<10240x64xf32, #tpu.memory_space<vmem_shared>> -> memref<128x64xf32, #tpu.memory_space<vmem_shared>>
      %dma_wait3A_325 = arith.constant 0 : i32
      %dma_wait3A_326 = arith.constant 0 : i32
      %dma_wait3A_327 = tpu.memref_slice %arg8[%dma_wait3A_325, %dma_wait3A_326] : memref<128x64xf32, #tpu.memory_space<vmem>> -> memref<128x64xf32, #tpu.memory_space<vmem>>
      %dma_wait3A_328 = arith.constant 0 : i32
      %dma_wait3A_329 = tpu.memref_slice %arg10[%add3A_306, %dma_wait3A_328] : memref<10240x64xf32, #tpu.memory_space<vmem_shared>> -> memref<128x64xf32, #tpu.memory_space<vmem_shared>>
      tpu.wait_dma2 semaphore(%run_scoped3A : memref<!tpu.dma_semaphore, #tpu.memory_space<semaphore_mem>>) src(%dma_wait3A_329 : memref<128x64xf32, #tpu.memory_space<vmem_shared>>) dst(%dma_wait3A_327 : memref<128x64xf32, #tpu.memory_space<vmem>>)
      tpu.yield
    }) : () -> ()
    "tpu.region"() ({
      %run_scoped3A = tpu.sem_alloc : memref<!tpu.dma_semaphore, #tpu.memory_space<semaphore_mem>>
      %dma_start3A_311 = arith.constant 0 : i32
      %dma_start3A_312 = arith.constant 0 : i32
      %dma_start3A_313 = tpu.memref_slice %arg8[%dma_start3A_311, %dma_start3A_312] : memref<128x64xf32, #tpu.memory_space<vmem>> -> memref<128x64xf32, #tpu.memory_space<vmem>>
      %dma_start3A_314 = arith.constant 0 : i32
      %dma_start3A_315 = tpu.memref_slice %arg5[%arg0, %add3A_306, %dma_start3A_314] : memref<2x10240x64xf32, #tpu.memory_space<hbm>> -> memref<1x128x64xf32, #tpu.memory_space<hbm>>
      %dma_start3A_316 = tpu.memref_squeeze %dma_start3A_315 : memref<1x128x64xf32, #tpu.memory_space<hbm>> -> memref<128x64xf32, #tpu.memory_space<hbm>>
      %dma_start3A_317 = arith.constant 0 : i32
      %dma_start3A_318 = tpu.memref_slice %arg5[%arg0, %add3A_306, %dma_start3A_317] : memref<2x10240x64xf32, #tpu.memory_space<hbm>> -> memref<1x128x64xf32, #tpu.memory_space<hbm>>
      %dma_start3A_319 = tpu.memref_squeeze %dma_start3A_318 : memref<1x128x64xf32, #tpu.memory_space<hbm>> -> memref<128x64xf32, #tpu.memory_space<hbm>>
      %dma_start3A_320 = arith.constant 0 : i32
      %dma_start3A_321 = arith.constant 0 : i32
      %dma_start3A_322 = tpu.memref_slice %arg8[%dma_start3A_320, %dma_start3A_321] : memref<128x64xf32, #tpu.memory_space<vmem>> -> memref<128x64xf32, #tpu.memory_space<vmem>>
      tpu.enqueue_dma source(%dma_start3A_322 : memref<128x64xf32, #tpu.memory_space<vmem>>) target(%dma_start3A_319 : memref<128x64xf32, #tpu.memory_space<hbm>>) target_semaphore(%run_scoped3A : memref<!tpu.dma_semaphore, #tpu.memory_space<semaphore_mem>>)
      %dma_wait3A = arith.constant 0 : i32
      %dma_wait3A_323 = arith.constant 0 : i32
      %dma_wait3A_324 = tpu.memref_slice %arg8[%dma_wait3A, %dma_wait3A_323] : memref<128x64xf32, #tpu.memory_space<vmem>> -> memref<128x64xf32, #tpu.memory_space<vmem>>
      %dma_wait3A_325 = arith.constant 0 : i32
      %dma_wait3A_326 = tpu.memref_slice %arg5[%arg0, %add3A_306, %dma_wait3A_325] : memref<2x10240x64xf32, #tpu.memory_space<hbm>> -> memref<1x128x64xf32, #tpu.memory_space<hbm>>
      %dma_wait3A_327 = tpu.memref_squeeze %dma_wait3A_326 : memref<1x128x64xf32, #tpu.memory_space<hbm>> -> memref<128x64xf32, #tpu.memory_space<hbm>>
      %dma_wait3A_328 = arith.constant 0 : i32
      %dma_wait3A_329 = tpu.memref_slice %arg5[%arg0, %add3A_306, %dma_wait3A_328] : memref<2x10240x64xf32, #tpu.memory_space<hbm>> -> memref<1x128x64xf32, #tpu.memory_space<hbm>>
      %dma_wait3A_330 = tpu.memref_squeeze %dma_wait3A_329 : memref<1x128x64xf32, #tpu.memory_space<hbm>> -> memref<128x64xf32, #tpu.memory_space<hbm>>
      %dma_wait3A_331 = arith.constant 0 : i32
      %dma_wait3A_332 = arith.constant 0 : i32
      %dma_wait3A_333 = tpu.memref_slice %arg8[%dma_wait3A_331, %dma_wait3A_332] : memref<128x64xf32, #tpu.memory_space<vmem>> -> memref<128x64xf32, #tpu.memory_space<vmem>>
      tpu.wait_dma2 semaphore(%run_scoped3A : memref<!tpu.dma_semaphore, #tpu.memory_space<semaphore_mem>>) src(%dma_wait3A_333 : memref<128x64xf32, #tpu.memory_space<vmem>>) dst(%dma_wait3A_330 : memref<128x64xf32, #tpu.memory_space<hbm>>)
      tpu.yield
    }) : () -> ()
    %mul3A_307 = arith.constant 640 : i32
    %mul3A_308 = arith.muli %arg1, %mul3A_307 : i32
    %add3A_309 = arith.constant 512 : i32
    %add3A_310 = arith.addi %mul3A_308, %add3A_309 : i32
    "tpu.region"() ({
      %run_scoped3A = tpu.sem_alloc : memref<!tpu.dma_semaphore, #tpu.memory_space<semaphore_mem>>
      %dma_start3A_311 = arith.constant 0 : i32
      %dma_start3A_312 = arith.constant 0 : i32
      %dma_start3A_313 = tpu.memref_slice %arg8[%dma_start3A_311, %dma_start3A_312] : memref<128x64xf32, #tpu.memory_space<vmem>> -> memref<128x64xf32, #tpu.memory_space<vmem>>
      %dma_start3A_314 = arith.constant 0 : i32
      %dma_start3A_315 = tpu.memref_slice %arg10[%add3A_310, %dma_start3A_314] : memref<10240x64xf32, #tpu.memory_space<vmem_shared>> -> memref<128x64xf32, #tpu.memory_space<vmem_shared>>
      %dma_start3A_316 = arith.constant 0 : i32
      %dma_start3A_317 = arith.constant 0 : i32
      %dma_start3A_318 = tpu.memref_slice %arg8[%dma_start3A_316, %dma_start3A_317] : memref<128x64xf32, #tpu.memory_space<vmem>> -> memref<128x64xf32, #tpu.memory_space<vmem>>
      %dma_start3A_319 = arith.constant 0 : i32
      %dma_start3A_320 = tpu.memref_slice %arg10[%add3A_310, %dma_start3A_319] : memref<10240x64xf32, #tpu.memory_space<vmem_shared>> -> memref<128x64xf32, #tpu.memory_space<vmem_shared>>
      tpu.enqueue_dma source(%dma_start3A_320 : memref<128x64xf32, #tpu.memory_space<vmem_shared>>) target(%dma_start3A_318 : memref<128x64xf32, #tpu.memory_space<vmem>>) target_semaphore(%run_scoped3A : memref<!tpu.dma_semaphore, #tpu.memory_space<semaphore_mem>>)
      %dma_wait3A = arith.constant 0 : i32
      %dma_wait3A_321 = arith.constant 0 : i32
      %dma_wait3A_322 = tpu.memref_slice %arg8[%dma_wait3A, %dma_wait3A_321] : memref<128x64xf32, #tpu.memory_space<vmem>> -> memref<128x64xf32, #tpu.memory_space<vmem>>
      %dma_wait3A_323 = arith.constant 0 : i32
      %dma_wait3A_324 = tpu.memref_slice %arg10[%add3A_310, %dma_wait3A_323] : memref<10240x64xf32, #tpu.memory_space<vmem_shared>> -> memref<128x64xf32, #tpu.memory_space<vmem_shared>>
      %dma_wait3A_325 = arith.constant 0 : i32
      %dma_wait3A_326 = arith.constant 0 : i32
      %dma_wait3A_327 = tpu.memref_slice %arg8[%dma_wait3A_325, %dma_wait3A_326] : memref<128x64xf32, #tpu.memory_space<vmem>> -> memref<128x64xf32, #tpu.memory_space<vmem>>
      %dma_wait3A_328 = arith.constant 0 : i32
      %dma_wait3A_329 = tpu.memref_slice %arg10[%add3A_310, %dma_wait3A_328] : memref<10240x64xf32, #tpu.memory_space<vmem_shared>> -> memref<128x64xf32, #tpu.memory_space<vmem_shared>>
      tpu.wait_dma2 semaphore(%run_scoped3A : memref<!tpu.dma_semaphore, #tpu.memory_space<semaphore_mem>>) src(%dma_wait3A_329 : memref<128x64xf32, #tpu.memory_space<vmem_shared>>) dst(%dma_wait3A_327 : memref<128x64xf32, #tpu.memory_space<vmem>>)
      tpu.yield
    }) : () -> ()
    "tpu.region"() ({
      %run_scoped3A = tpu.sem_alloc : memref<!tpu.dma_semaphore, #tpu.memory_space<semaphore_mem>>
      %dma_start3A_311 = arith.constant 0 : i32
      %dma_start3A_312 = arith.constant 0 : i32
      %dma_start3A_313 = tpu.memref_slice %arg8[%dma_start3A_311, %dma_start3A_312] : memref<128x64xf32, #tpu.memory_space<vmem>> -> memref<128x64xf32, #tpu.memory_space<vmem>>
      %dma_start3A_314 = arith.constant 0 : i32
      %dma_start3A_315 = tpu.memref_slice %arg5[%arg0, %add3A_310, %dma_start3A_314] : memref<2x10240x64xf32, #tpu.memory_space<hbm>> -> memref<1x128x64xf32, #tpu.memory_space<hbm>>
      %dma_start3A_316 = tpu.memref_squeeze %dma_start3A_315 : memref<1x128x64xf32, #tpu.memory_space<hbm>> -> memref<128x64xf32, #tpu.memory_space<hbm>>
      %dma_start3A_317 = arith.constant 0 : i32
      %dma_start3A_318 = tpu.memref_slice %arg5[%arg0, %add3A_310, %dma_start3A_317] : memref<2x10240x64xf32, #tpu.memory_space<hbm>> -> memref<1x128x64xf32, #tpu.memory_space<hbm>>
      %dma_start3A_319 = tpu.memref_squeeze %dma_start3A_318 : memref<1x128x64xf32, #tpu.memory_space<hbm>> -> memref<128x64xf32, #tpu.memory_space<hbm>>
      %dma_start3A_320 = arith.constant 0 : i32
      %dma_start3A_321 = arith.constant 0 : i32
      %dma_start3A_322 = tpu.memref_slice %arg8[%dma_start3A_320, %dma_start3A_321] : memref<128x64xf32, #tpu.memory_space<vmem>> -> memref<128x64xf32, #tpu.memory_space<vmem>>
      tpu.enqueue_dma source(%dma_start3A_322 : memref<128x64xf32, #tpu.memory_space<vmem>>) target(%dma_start3A_319 : memref<128x64xf32, #tpu.memory_space<hbm>>) target_semaphore(%run_scoped3A : memref<!tpu.dma_semaphore, #tpu.memory_space<semaphore_mem>>)
      %dma_wait3A = arith.constant 0 : i32
      %dma_wait3A_323 = arith.constant 0 : i32
      %dma_wait3A_324 = tpu.memref_slice %arg8[%dma_wait3A, %dma_wait3A_323] : memref<128x64xf32, #tpu.memory_space<vmem>> -> memref<128x64xf32, #tpu.memory_space<vmem>>
      %dma_wait3A_325 = arith.constant 0 : i32
      %dma_wait3A_326 = tpu.memref_slice %arg5[%arg0, %add3A_310, %dma_wait3A_325] : memref<2x10240x64xf32, #tpu.memory_space<hbm>> -> memref<1x128x64xf32, #tpu.memory_space<hbm>>
      %dma_wait3A_327 = tpu.memref_squeeze %dma_wait3A_326 : memref<1x128x64xf32, #tpu.memory_space<hbm>> -> memref<128x64xf32, #tpu.memory_space<hbm>>
      %dma_wait3A_328 = arith.constant 0 : i32
      %dma_wait3A_329 = tpu.memref_slice %arg5[%arg0, %add3A_310, %dma_wait3A_328] : memref<2x10240x64xf32, #tpu.memory_space<hbm>> -> memref<1x128x64xf32, #tpu.memory_space<hbm>>
      %dma_wait3A_330 = tpu.memref_squeeze %dma_wait3A_329 : memref<1x128x64xf32, #tpu.memory_space<hbm>> -> memref<128x64xf32, #tpu.memory_space<hbm>>
      %dma_wait3A_331 = arith.constant 0 : i32
      %dma_wait3A_332 = arith.constant 0 : i32
      %dma_wait3A_333 = tpu.memref_slice %arg8[%dma_wait3A_331, %dma_wait3A_332] : memref<128x64xf32, #tpu.memory_space<vmem>> -> memref<128x64xf32, #tpu.memory_space<vmem>>
      tpu.wait_dma2 semaphore(%run_scoped3A : memref<!tpu.dma_semaphore, #tpu.memory_space<semaphore_mem>>) src(%dma_wait3A_333 : memref<128x64xf32, #tpu.memory_space<vmem>>) dst(%dma_wait3A_330 : memref<128x64xf32, #tpu.memory_space<hbm>>)
      tpu.yield
    }) : () -> ()
    return
  }
}

#map = affine_map<(d0, d1) -> (0, 0, 0)>
#map1 = affine_map<(d0, d1) -> (0, 0)>
module attributes {stable_mosaic.version = 14 : i64} {
  func.func @_edge_body(%arg0: i32, %arg1: i32, %arg2: memref<16x158x128xi32, #tpu.memory_space<hbm>>, %arg3: memref<16x158x128xi32, #tpu.memory_space<hbm>>, %arg4: memref<160000x64xf32, #tpu.memory_space<hbm>>, %arg5: memref<2x10240x64xf32, #tpu.memory_space<hbm>>, %arg6: memref<160x128xi32, #tpu.memory_space<vmem>>, %arg7: memref<158x128xi32, #tpu.memory_space<vmem>>, %arg8: memref<128x64xf32, #tpu.memory_space<vmem>>, %arg9: memref<128x64xf32, #tpu.memory_space<vmem>>, %arg10: memref<10240x64xf32, #tpu.memory_space<vmem_shared>>, %arg11: memref<!tpu.dma_semaphore, #tpu.memory_space<semaphore_mem>>, %arg12: memref<!tpu.dma_semaphore, #tpu.memory_space<semaphore_mem>>) attributes {dimension_semantics = [#tpu.dimension_semantics<core_parallel>, #tpu.dimension_semantics<subcore_parallel>], iteration_bounds = array<i64: 2, 16>, scalar_prefetch = 0 : i64, scratch_operands = 7 : i64, tpu.core_type = #tpu.core_type<sc_vector_subcore>, window_params = [{transform_indices = #map}, {transform_indices = #map}, {transform_indices = #map1}, {transform_indices = #map}]} {
    %broadcast_in_dim3A = arith.constant 0.000000e+00 : f32
    %broadcast_in_dim3A_0 = vector.broadcast %broadcast_in_dim3A : f32 to vector<16xf32>
    %scan3A = arith.constant 0 : i32
    %scan3A_1 = arith.constant 0 : i32
    %scan3A_2 = arith.constant 512 : i32
    %scan3A_3 = arith.addi %scan3A_1, %scan3A_2 : i32
    %scan3A_4 = arith.constant 1 : i32
    scf.for %scan3A_311 = %scan3A_1 to %scan3A_3 step %scan3A_4  : i32 {
      %jit3A = arith.constant 4 : i32
      %div3A = arith.divsi %scan3A_311, %jit3A : i32
      %sign3A = arith.constant 0 : i32
      %sign3A_312 = arith.cmpi sgt, %scan3A_311, %sign3A : i32
      %sign3A_313 = arith.extui %sign3A_312 : i1 to i32
      %sign3A_314 = arith.constant 0 : i32
      %sign3A_315 = arith.cmpi slt, %scan3A_311, %sign3A_314 : i32
      %sign3A_316 = arith.extui %sign3A_315 : i1 to i32
      %sign3A_317 = arith.subi %sign3A_313, %sign3A_316 : i32
      %sign3A_318 = arith.constant 0 : i32
      %sign3A_319 = arith.cmpi sgt, %jit3A, %sign3A_318 : i32
      %sign3A_320 = arith.extui %sign3A_319 : i1 to i32
      %sign3A_321 = arith.constant 0 : i32
      %sign3A_322 = arith.cmpi slt, %jit3A, %sign3A_321 : i32
      %sign3A_323 = arith.extui %sign3A_322 : i1 to i32
      %sign3A_324 = arith.subi %sign3A_320, %sign3A_323 : i32
      %ne3A = arith.cmpi ne, %sign3A_317, %sign3A_324 : i32
      %rem3A = arith.remsi %scan3A_311, %jit3A : i32
      %ne3A_325 = arith.constant 0 : i32
      %ne3A_326 = arith.cmpi ne, %rem3A, %ne3A_325 : i32
      %and3A = arith.andi %ne3A, %ne3A_326 : i1
      %sub3A = arith.constant 1 : i32
      %sub3A_327 = arith.subi %div3A, %sub3A : i32
      %select_n3A = arith.select %and3A, %sub3A_327, %div3A : i32
      %jit3A_328 = arith.constant 4 : i32
      %eq3A = arith.constant 0 : i32
      %eq3A_329 = arith.cmpi eq, %jit3A_328, %eq3A : i32
      %jit3A_330 = arith.constant 1 : i32
      %select_n3A_331 = arith.select %eq3A_329, %jit3A_330, %jit3A_328 : i32
      %rem3A_332 = arith.remsi %scan3A_311, %select_n3A_331 : i32
      %ne3A_333 = arith.constant 0 : i32
      %ne3A_334 = arith.cmpi ne, %rem3A_332, %ne3A_333 : i32
      %lt3A = arith.constant 0 : i32
      %lt3A_335 = arith.cmpi slt, %rem3A_332, %lt3A : i32
      %lt3A_336 = arith.constant 0 : i32
      %lt3A_337 = arith.cmpi slt, %select_n3A_331, %lt3A_336 : i32
      %ne3A_338 = arith.xori %lt3A_335, %lt3A_337 : i1
      %and3A_339 = arith.andi %ne3A_338, %ne3A_334 : i1
      %add3A_340 = arith.addi %rem3A_332, %select_n3A_331 : i32
      %select_n3A_341 = arith.select %and3A_339, %add3A_340, %rem3A_332 : i32
      %mul3A_342 = arith.constant 16 : i32
      %mul3A_343 = arith.muli %select_n3A_341, %mul3A_342 : i32
      %swap3A_344 = arith.index_cast %select_n3A : i32 to index
      %swap3A_345 = arith.index_cast %mul3A_343 : i32 to index
      %swap3A_346 = tpu.vector_load %arg8[%swap3A_344, %swap3A_345] {strides = array<i32>} : memref<128x64xf32, #tpu.memory_space<vmem>>, vector<1x16xf32>,
      %swap3A_347 = vector.shape_cast %swap3A_346 : vector<1x16xf32> to vector<16xf32>
      %swap3A_348 = vector.shape_cast %broadcast_in_dim3A_0 : vector<16xf32> to vector<1x16xf32>
      tpu.vector_store %arg8[%swap3A_344, %swap3A_345], %swap3A_348 {strides = array<i32>} : memref<128x64xf32, #tpu.memory_space<vmem>>, vector<1x16xf32>,
    }
    %scan3A_5 = arith.constant 512 : i32
    %mul3A = arith.constant 640 : i32
    %mul3A_6 = arith.muli %arg1, %mul3A : i32
    %add3A = arith.constant 0 : i32
    %add3A_7 = arith.addi %mul3A_6, %add3A : i32
    "tpu.region"() ({
      %run_scoped3A = tpu.sem_alloc : memref<!tpu.dma_semaphore, #tpu.memory_space<semaphore_mem>>
      %dma_start3A_311 = arith.constant 0 : i32
      %dma_start3A_312 = tpu.memref_slice %arg10[%add3A_7, %dma_start3A_311] : memref<10240x64xf32, #tpu.memory_space<vmem_shared>> -> memref<128x64xf32, #tpu.memory_space<vmem_shared>>
      %dma_start3A_313 = arith.constant 0 : i32
      %dma_start3A_314 = tpu.memref_slice %arg10[%add3A_7, %dma_start3A_313] : memref<10240x64xf32, #tpu.memory_space<vmem_shared>> -> memref<128x64xf32, #tpu.memory_space<vmem_shared>>
      tpu.enqueue_dma source(%arg8 : memref<128x64xf32, #tpu.memory_space<vmem>>) target(%dma_start3A_314 : memref<128x64xf32, #tpu.memory_space<vmem_shared>>) target_semaphore(%run_scoped3A : memref<!tpu.dma_semaphore, #tpu.memory_space<semaphore_mem>>)
      %dma_wait3A = arith.constant 0 : i32
      %dma_wait3A_315 = tpu.memref_slice %arg10[%add3A_7, %dma_wait3A] : memref<10240x64xf32, #tpu.memory_space<vmem_shared>> -> memref<128x64xf32, #tpu.memory_space<vmem_shared>>
      %dma_wait3A_316 = arith.constant 0 : i32
      %dma_wait3A_317 = tpu.memref_slice %arg10[%add3A_7, %dma_wait3A_316] : memref<10240x64xf32, #tpu.memory_space<vmem_shared>> -> memref<128x64xf32, #tpu.memory_space<vmem_shared>>
      tpu.wait_dma2 semaphore(%run_scoped3A : memref<!tpu.dma_semaphore, #tpu.memory_space<semaphore_mem>>) src(%arg8 : memref<128x64xf32, #tpu.memory_space<vmem>>) dst(%dma_wait3A_317 : memref<128x64xf32, #tpu.memory_space<vmem_shared>>)
      tpu.yield
    }) : () -> ()
    %mul3A_8 = arith.constant 640 : i32
    %mul3A_9 = arith.muli %arg1, %mul3A_8 : i32
    %add3A_10 = arith.constant 128 : i32
    %add3A_11 = arith.addi %mul3A_9, %add3A_10 : i32
    "tpu.region"() ({
      %run_scoped3A = tpu.sem_alloc : memref<!tpu.dma_semaphore, #tpu.memory_space<semaphore_mem>>
      %dma_start3A_311 = arith.constant 0 : i32
      %dma_start3A_312 = tpu.memref_slice %arg10[%add3A_11, %dma_start3A_311] : memref<10240x64xf32, #tpu.memory_space<vmem_shared>> -> memref<128x64xf32, #tpu.memory_space<vmem_shared>>
      %dma_start3A_313 = arith.constant 0 : i32
      %dma_start3A_314 = tpu.memref_slice %arg10[%add3A_11, %dma_start3A_313] : memref<10240x64xf32, #tpu.memory_space<vmem_shared>> -> memref<128x64xf32, #tpu.memory_space<vmem_shared>>
      tpu.enqueue_dma source(%arg8 : memref<128x64xf32, #tpu.memory_space<vmem>>) target(%dma_start3A_314 : memref<128x64xf32, #tpu.memory_space<vmem_shared>>) target_semaphore(%run_scoped3A : memref<!tpu.dma_semaphore, #tpu.memory_space<semaphore_mem>>)
      %dma_wait3A = arith.constant 0 : i32
      %dma_wait3A_315 = tpu.memref_slice %arg10[%add3A_11, %dma_wait3A] : memref<10240x64xf32, #tpu.memory_space<vmem_shared>> -> memref<128x64xf32, #tpu.memory_space<vmem_shared>>
      %dma_wait3A_316 = arith.constant 0 : i32
      %dma_wait3A_317 = tpu.memref_slice %arg10[%add3A_11, %dma_wait3A_316] : memref<10240x64xf32, #tpu.memory_space<vmem_shared>> -> memref<128x64xf32, #tpu.memory_space<vmem_shared>>
      tpu.wait_dma2 semaphore(%run_scoped3A : memref<!tpu.dma_semaphore, #tpu.memory_space<semaphore_mem>>) src(%arg8 : memref<128x64xf32, #tpu.memory_space<vmem>>) dst(%dma_wait3A_317 : memref<128x64xf32, #tpu.memory_space<vmem_shared>>)
      tpu.yield
    }) : () -> ()
    %mul3A_12 = arith.constant 640 : i32
    %mul3A_13 = arith.muli %arg1, %mul3A_12 : i32
    %add3A_14 = arith.constant 256 : i32
    %add3A_15 = arith.addi %mul3A_13, %add3A_14 : i32
    "tpu.region"() ({
      %run_scoped3A = tpu.sem_alloc : memref<!tpu.dma_semaphore, #tpu.memory_space<semaphore_mem>>
      %dma_start3A_311 = arith.constant 0 : i32
      %dma_start3A_312 = tpu.memref_slice %arg10[%add3A_15, %dma_start3A_311] : memref<10240x64xf32, #tpu.memory_space<vmem_shared>> -> memref<128x64xf32, #tpu.memory_space<vmem_shared>>
      %dma_start3A_313 = arith.constant 0 : i32
      %dma_start3A_314 = tpu.memref_slice %arg10[%add3A_15, %dma_start3A_313] : memref<10240x64xf32, #tpu.memory_space<vmem_shared>> -> memref<128x64xf32, #tpu.memory_space<vmem_shared>>
      tpu.enqueue_dma source(%arg8 : memref<128x64xf32, #tpu.memory_space<vmem>>) target(%dma_start3A_314 : memref<128x64xf32, #tpu.memory_space<vmem_shared>>) target_semaphore(%run_scoped3A : memref<!tpu.dma_semaphore, #tpu.memory_space<semaphore_mem>>)
      %dma_wait3A = arith.constant 0 : i32
      %dma_wait3A_315 = tpu.memref_slice %arg10[%add3A_15, %dma_wait3A] : memref<10240x64xf32, #tpu.memory_space<vmem_shared>> -> memref<128x64xf32, #tpu.memory_space<vmem_shared>>
      %dma_wait3A_316 = arith.constant 0 : i32
      %dma_wait3A_317 = tpu.memref_slice %arg10[%add3A_15, %dma_wait3A_316] : memref<10240x64xf32, #tpu.memory_space<vmem_shared>> -> memref<128x64xf32, #tpu.memory_space<vmem_shared>>
      tpu.wait_dma2 semaphore(%run_scoped3A : memref<!tpu.dma_semaphore, #tpu.memory_space<semaphore_mem>>) src(%arg8 : memref<128x64xf32, #tpu.memory_space<vmem>>) dst(%dma_wait3A_317 : memref<128x64xf32, #tpu.memory_space<vmem_shared>>)
      tpu.yield
    }) : () -> ()
    %mul3A_16 = arith.constant 640 : i32
    %mul3A_17 = arith.muli %arg1, %mul3A_16 : i32
    %add3A_18 = arith.constant 384 : i32
    %add3A_19 = arith.addi %mul3A_17, %add3A_18 : i32
    "tpu.region"() ({
      %run_scoped3A = tpu.sem_alloc : memref<!tpu.dma_semaphore, #tpu.memory_space<semaphore_mem>>
      %dma_start3A_311 = arith.constant 0 : i32
      %dma_start3A_312 = tpu.memref_slice %arg10[%add3A_19, %dma_start3A_311] : memref<10240x64xf32, #tpu.memory_space<vmem_shared>> -> memref<128x64xf32, #tpu.memory_space<vmem_shared>>
      %dma_start3A_313 = arith.constant 0 : i32
      %dma_start3A_314 = tpu.memref_slice %arg10[%add3A_19, %dma_start3A_313] : memref<10240x64xf32, #tpu.memory_space<vmem_shared>> -> memref<128x64xf32, #tpu.memory_space<vmem_shared>>
      tpu.enqueue_dma source(%arg8 : memref<128x64xf32, #tpu.memory_space<vmem>>) target(%dma_start3A_314 : memref<128x64xf32, #tpu.memory_space<vmem_shared>>) target_semaphore(%run_scoped3A : memref<!tpu.dma_semaphore, #tpu.memory_space<semaphore_mem>>)
      %dma_wait3A = arith.constant 0 : i32
      %dma_wait3A_315 = tpu.memref_slice %arg10[%add3A_19, %dma_wait3A] : memref<10240x64xf32, #tpu.memory_space<vmem_shared>> -> memref<128x64xf32, #tpu.memory_space<vmem_shared>>
      %dma_wait3A_316 = arith.constant 0 : i32
      %dma_wait3A_317 = tpu.memref_slice %arg10[%add3A_19, %dma_wait3A_316] : memref<10240x64xf32, #tpu.memory_space<vmem_shared>> -> memref<128x64xf32, #tpu.memory_space<vmem_shared>>
      tpu.wait_dma2 semaphore(%run_scoped3A : memref<!tpu.dma_semaphore, #tpu.memory_space<semaphore_mem>>) src(%arg8 : memref<128x64xf32, #tpu.memory_space<vmem>>) dst(%dma_wait3A_317 : memref<128x64xf32, #tpu.memory_space<vmem_shared>>)
      tpu.yield
    }) : () -> ()
    %mul3A_20 = arith.constant 640 : i32
    %mul3A_21 = arith.muli %arg1, %mul3A_20 : i32
    %add3A_22 = arith.constant 512 : i32
    %add3A_23 = arith.addi %mul3A_21, %add3A_22 : i32
    "tpu.region"() ({
      %run_scoped3A = tpu.sem_alloc : memref<!tpu.dma_semaphore, #tpu.memory_space<semaphore_mem>>
      %dma_start3A_311 = arith.constant 0 : i32
      %dma_start3A_312 = tpu.memref_slice %arg10[%add3A_23, %dma_start3A_311] : memref<10240x64xf32, #tpu.memory_space<vmem_shared>> -> memref<128x64xf32, #tpu.memory_space<vmem_shared>>
      %dma_start3A_313 = arith.constant 0 : i32
      %dma_start3A_314 = tpu.memref_slice %arg10[%add3A_23, %dma_start3A_313] : memref<10240x64xf32, #tpu.memory_space<vmem_shared>> -> memref<128x64xf32, #tpu.memory_space<vmem_shared>>
      tpu.enqueue_dma source(%arg8 : memref<128x64xf32, #tpu.memory_space<vmem>>) target(%dma_start3A_314 : memref<128x64xf32, #tpu.memory_space<vmem_shared>>) target_semaphore(%run_scoped3A : memref<!tpu.dma_semaphore, #tpu.memory_space<semaphore_mem>>)
      %dma_wait3A = arith.constant 0 : i32
      %dma_wait3A_315 = tpu.memref_slice %arg10[%add3A_23, %dma_wait3A] : memref<10240x64xf32, #tpu.memory_space<vmem_shared>> -> memref<128x64xf32, #tpu.memory_space<vmem_shared>>
      %dma_wait3A_316 = arith.constant 0 : i32
      %dma_wait3A_317 = tpu.memref_slice %arg10[%add3A_23, %dma_wait3A_316] : memref<10240x64xf32, #tpu.memory_space<vmem_shared>> -> memref<128x64xf32, #tpu.memory_space<vmem_shared>>
      tpu.wait_dma2 semaphore(%run_scoped3A : memref<!tpu.dma_semaphore, #tpu.memory_space<semaphore_mem>>) src(%arg8 : memref<128x64xf32, #tpu.memory_space<vmem>>) dst(%dma_wait3A_317 : memref<128x64xf32, #tpu.memory_space<vmem_shared>>)
      tpu.yield
    }) : () -> ()
    %barrier3A = arith.constant 0 : index
    tpu.barrier barrier_id(%barrier3A)
    "tpu.region"() ({
      %run_scoped3A = tpu.sem_alloc : memref<!tpu.dma_semaphore, #tpu.memory_space<semaphore_mem>>
      %dma_start3A_311 = arith.constant 0 : i32
      %dma_start3A_312 = arith.constant 0 : i32
      %dma_start3A_313 = tpu.memref_slice %arg6[%dma_start3A_311, %dma_start3A_312] : memref<160x128xi32, #tpu.memory_space<vmem>> -> memref<158x128xi32, #tpu.memory_space<vmem>>
      %dma_start3A_314 = arith.constant 0 : i32
      %dma_start3A_315 = arith.constant 0 : i32
      %dma_start3A_316 = tpu.memref_slice %arg2[%arg1, %dma_start3A_314, %dma_start3A_315] : memref<16x158x128xi32, #tpu.memory_space<hbm>> -> memref<1x158x128xi32, #tpu.memory_space<hbm>>
      %dma_start3A_317 = tpu.memref_squeeze %dma_start3A_316 : memref<1x158x128xi32, #tpu.memory_space<hbm>> -> memref<158x128xi32, #tpu.memory_space<hbm>>
      %dma_start3A_318 = arith.constant 0 : i32
      %dma_start3A_319 = arith.constant 0 : i32
      %dma_start3A_320 = tpu.memref_slice %arg6[%dma_start3A_318, %dma_start3A_319] : memref<160x128xi32, #tpu.memory_space<vmem>> -> memref<158x128xi32, #tpu.memory_space<vmem>>
      %dma_start3A_321 = arith.constant 0 : i32
      %dma_start3A_322 = arith.constant 0 : i32
      %dma_start3A_323 = tpu.memref_slice %arg2[%arg1, %dma_start3A_321, %dma_start3A_322] : memref<16x158x128xi32, #tpu.memory_space<hbm>> -> memref<1x158x128xi32, #tpu.memory_space<hbm>>
      %dma_start3A_324 = tpu.memref_squeeze %dma_start3A_323 : memref<1x158x128xi32, #tpu.memory_space<hbm>> -> memref<158x128xi32, #tpu.memory_space<hbm>>
      tpu.enqueue_dma source(%dma_start3A_324 : memref<158x128xi32, #tpu.memory_space<hbm>>) target(%dma_start3A_320 : memref<158x128xi32, #tpu.memory_space<vmem>>) target_semaphore(%run_scoped3A : memref<!tpu.dma_semaphore, #tpu.memory_space<semaphore_mem>>)
      %dma_wait3A = arith.constant 0 : i32
      %dma_wait3A_325 = arith.constant 0 : i32
      %dma_wait3A_326 = tpu.memref_slice %arg6[%dma_wait3A, %dma_wait3A_325] : memref<160x128xi32, #tpu.memory_space<vmem>> -> memref<158x128xi32, #tpu.memory_space<vmem>>
      %dma_wait3A_327 = arith.constant 0 : i32
      %dma_wait3A_328 = arith.constant 0 : i32
      %dma_wait3A_329 = tpu.memref_slice %arg2[%arg1, %dma_wait3A_327, %dma_wait3A_328] : memref<16x158x128xi32, #tpu.memory_space<hbm>> -> memref<1x158x128xi32, #tpu.memory_space<hbm>>
      %dma_wait3A_330 = tpu.memref_squeeze %dma_wait3A_329 : memref<1x158x128xi32, #tpu.memory_space<hbm>> -> memref<158x128xi32, #tpu.memory_space<hbm>>
      %dma_wait3A_331 = arith.constant 0 : i32
      %dma_wait3A_332 = arith.constant 0 : i32
      %dma_wait3A_333 = tpu.memref_slice %arg6[%dma_wait3A_331, %dma_wait3A_332] : memref<160x128xi32, #tpu.memory_space<vmem>> -> memref<158x128xi32, #tpu.memory_space<vmem>>
      %dma_wait3A_334 = arith.constant 0 : i32
      %dma_wait3A_335 = arith.constant 0 : i32
      %dma_wait3A_336 = tpu.memref_slice %arg2[%arg1, %dma_wait3A_334, %dma_wait3A_335] : memref<16x158x128xi32, #tpu.memory_space<hbm>> -> memref<1x158x128xi32, #tpu.memory_space<hbm>>
      %dma_wait3A_337 = tpu.memref_squeeze %dma_wait3A_336 : memref<1x158x128xi32, #tpu.memory_space<hbm>> -> memref<158x128xi32, #tpu.memory_space<hbm>>
      tpu.wait_dma2 semaphore(%run_scoped3A : memref<!tpu.dma_semaphore, #tpu.memory_space<semaphore_mem>>) src(%dma_wait3A_337 : memref<158x128xi32, #tpu.memory_space<hbm>>) dst(%dma_wait3A_333 : memref<158x128xi32, #tpu.memory_space<vmem>>)
      tpu.yield
    }) : () -> ()
    "tpu.region"() ({
      %run_scoped3A = tpu.sem_alloc : memref<!tpu.dma_semaphore, #tpu.memory_space<semaphore_mem>>
      %dma_start3A_311 = arith.constant 0 : i32
      %dma_start3A_312 = arith.constant 0 : i32
      %dma_start3A_313 = tpu.memref_slice %arg3[%arg1, %dma_start3A_311, %dma_start3A_312] : memref<16x158x128xi32, #tpu.memory_space<hbm>> -> memref<1x158x128xi32, #tpu.memory_space<hbm>>
      %dma_start3A_314 = tpu.memref_squeeze %dma_start3A_313 : memref<1x158x128xi32, #tpu.memory_space<hbm>> -> memref<158x128xi32, #tpu.memory_space<hbm>>
      %dma_start3A_315 = arith.constant 0 : i32
      %dma_start3A_316 = arith.constant 0 : i32
      %dma_start3A_317 = tpu.memref_slice %arg3[%arg1, %dma_start3A_315, %dma_start3A_316] : memref<16x158x128xi32, #tpu.memory_space<hbm>> -> memref<1x158x128xi32, #tpu.memory_space<hbm>>
      %dma_start3A_318 = tpu.memref_squeeze %dma_start3A_317 : memref<1x158x128xi32, #tpu.memory_space<hbm>> -> memref<158x128xi32, #tpu.memory_space<hbm>>
      tpu.enqueue_dma source(%dma_start3A_318 : memref<158x128xi32, #tpu.memory_space<hbm>>) target(%arg7 : memref<158x128xi32, #tpu.memory_space<vmem>>) target_semaphore(%run_scoped3A : memref<!tpu.dma_semaphore, #tpu.memory_space<semaphore_mem>>)
      %dma_wait3A = arith.constant 0 : i32
      %dma_wait3A_319 = arith.constant 0 : i32
      %dma_wait3A_320 = tpu.memref_slice %arg3[%arg1, %dma_wait3A, %dma_wait3A_319] : memref<16x158x128xi32, #tpu.memory_space<hbm>> -> memref<1x158x128xi32, #tpu.memory_space<hbm>>
      %dma_wait3A_321 = tpu.memref_squeeze %dma_wait3A_320 : memref<1x158x128xi32, #tpu.memory_space<hbm>> -> memref<158x128xi32, #tpu.memory_space<hbm>>
      %dma_wait3A_322 = arith.constant 0 : i32
      %dma_wait3A_323 = arith.constant 0 : i32
      %dma_wait3A_324 = tpu.memref_slice %arg3[%arg1, %dma_wait3A_322, %dma_wait3A_323] : memref<16x158x128xi32, #tpu.memory_space<hbm>> -> memref<1x158x128xi32, #tpu.memory_space<hbm>>
      %dma_wait3A_325 = tpu.memref_squeeze %dma_wait3A_324 : memref<1x158x128xi32, #tpu.memory_space<hbm>> -> memref<158x128xi32, #tpu.memory_space<hbm>>
      tpu.wait_dma2 semaphore(%run_scoped3A : memref<!tpu.dma_semaphore, #tpu.memory_space<semaphore_mem>>) src(%dma_wait3A_325 : memref<158x128xi32, #tpu.memory_space<hbm>>) dst(%arg7 : memref<158x128xi32, #tpu.memory_space<vmem>>)
      tpu.yield
    }) : () -> ()
    %get3A = arith.constant 0 : i32
    %get3A_24 = arith.index_cast %get3A : i32 to index
    %get3A_25 = arith.constant 0 : index
    %get3A_26 = tpu.vector_load %arg6[%get3A_24, %get3A_25] {strides = array<i32>} : memref<160x128xi32, #tpu.memory_space<vmem>>, vector<1x16xi32>,
    %get3A_27 = vector.shape_cast %get3A_26 : vector<1x16xi32> to vector<16xi32>
    %mul3A_28 = arith.constant 2 : i32
    %mul3A_29 = vector.broadcast %mul3A_28 : i32 to vector<16xi32>
    %mul3A_30 = arith.muli %get3A_27, %mul3A_29 : vector<16xi32>
    %add3A_31 = vector.broadcast %arg0 : i32 to vector<16xi32>
    %add3A_32 = arith.addi %mul3A_30, %add3A_31 : vector<16xi32>
    %swap3A = arith.constant 0 : i32
    %swap3A_33 = arith.index_cast %swap3A : i32 to index
    %swap3A_34 = arith.constant 0 : index
    %swap3A_35 = tpu.vector_load %arg6[%swap3A_33, %swap3A_34] {strides = array<i32>} : memref<160x128xi32, #tpu.memory_space<vmem>>, vector<1x16xi32>,
    %swap3A_36 = vector.shape_cast %swap3A_35 : vector<1x16xi32> to vector<16xi32>
    %swap3A_37 = vector.shape_cast %add3A_32 : vector<16xi32> to vector<1x16xi32>
    tpu.vector_store %arg6[%swap3A_33, %swap3A_34], %swap3A_37 {strides = array<i32>} : memref<160x128xi32, #tpu.memory_space<vmem>>, vector<1x16xi32>,
    %get3A_38 = arith.constant 0 : i32
    %get3A_39 = arith.index_cast %get3A_38 : i32 to index
    %get3A_40 = arith.constant 16 : index
    %get3A_41 = tpu.vector_load %arg6[%get3A_39, %get3A_40] {strides = array<i32>} : memref<160x128xi32, #tpu.memory_space<vmem>>, vector<1x16xi32>,
    %get3A_42 = vector.shape_cast %get3A_41 : vector<1x16xi32> to vector<16xi32>
    %mul3A_43 = arith.constant 2 : i32
    %mul3A_44 = vector.broadcast %mul3A_43 : i32 to vector<16xi32>
    %mul3A_45 = arith.muli %get3A_42, %mul3A_44 : vector<16xi32>
    %add3A_46 = vector.broadcast %arg0 : i32 to vector<16xi32>
    %add3A_47 = arith.addi %mul3A_45, %add3A_46 : vector<16xi32>
    %swap3A_48 = arith.constant 0 : i32
    %swap3A_49 = arith.index_cast %swap3A_48 : i32 to index
    %swap3A_50 = arith.constant 16 : index
    %swap3A_51 = tpu.vector_load %arg6[%swap3A_49, %swap3A_50] {strides = array<i32>} : memref<160x128xi32, #tpu.memory_space<vmem>>, vector<1x16xi32>,
    %swap3A_52 = vector.shape_cast %swap3A_51 : vector<1x16xi32> to vector<16xi32>
    %swap3A_53 = vector.shape_cast %add3A_47 : vector<16xi32> to vector<1x16xi32>
    tpu.vector_store %arg6[%swap3A_49, %swap3A_50], %swap3A_53 {strides = array<i32>} : memref<160x128xi32, #tpu.memory_space<vmem>>, vector<1x16xi32>,
    %get3A_54 = arith.constant 0 : i32
    %get3A_55 = arith.index_cast %get3A_54 : i32 to index
    %get3A_56 = arith.constant 32 : index
    %get3A_57 = tpu.vector_load %arg6[%get3A_55, %get3A_56] {strides = array<i32>} : memref<160x128xi32, #tpu.memory_space<vmem>>, vector<1x16xi32>,
    %get3A_58 = vector.shape_cast %get3A_57 : vector<1x16xi32> to vector<16xi32>
    %mul3A_59 = arith.constant 2 : i32
    %mul3A_60 = vector.broadcast %mul3A_59 : i32 to vector<16xi32>
    %mul3A_61 = arith.muli %get3A_58, %mul3A_60 : vector<16xi32>
    %add3A_62 = vector.broadcast %arg0 : i32 to vector<16xi32>
    %add3A_63 = arith.addi %mul3A_61, %add3A_62 : vector<16xi32>
    %swap3A_64 = arith.constant 0 : i32
    %swap3A_65 = arith.index_cast %swap3A_64 : i32 to index
    %swap3A_66 = arith.constant 32 : index
    %swap3A_67 = tpu.vector_load %arg6[%swap3A_65, %swap3A_66] {strides = array<i32>} : memref<160x128xi32, #tpu.memory_space<vmem>>, vector<1x16xi32>,
    %swap3A_68 = vector.shape_cast %swap3A_67 : vector<1x16xi32> to vector<16xi32>
    %swap3A_69 = vector.shape_cast %add3A_63 : vector<16xi32> to vector<1x16xi32>
    tpu.vector_store %arg6[%swap3A_65, %swap3A_66], %swap3A_69 {strides = array<i32>} : memref<160x128xi32, #tpu.memory_space<vmem>>, vector<1x16xi32>,
    %get3A_70 = arith.constant 0 : i32
    %get3A_71 = arith.index_cast %get3A_70 : i32 to index
    %get3A_72 = arith.constant 48 : index
    %get3A_73 = tpu.vector_load %arg6[%get3A_71, %get3A_72] {strides = array<i32>} : memref<160x128xi32, #tpu.memory_space<vmem>>, vector<1x16xi32>,
    %get3A_74 = vector.shape_cast %get3A_73 : vector<1x16xi32> to vector<16xi32>
    %mul3A_75 = arith.constant 2 : i32
    %mul3A_76 = vector.broadcast %mul3A_75 : i32 to vector<16xi32>
    %mul3A_77 = arith.muli %get3A_74, %mul3A_76 : vector<16xi32>
    %add3A_78 = vector.broadcast %arg0 : i32 to vector<16xi32>
    %add3A_79 = arith.addi %mul3A_77, %add3A_78 : vector<16xi32>
    %swap3A_80 = arith.constant 0 : i32
    %swap3A_81 = arith.index_cast %swap3A_80 : i32 to index
    %swap3A_82 = arith.constant 48 : index
    %swap3A_83 = tpu.vector_load %arg6[%swap3A_81, %swap3A_82] {strides = array<i32>} : memref<160x128xi32, #tpu.memory_space<vmem>>, vector<1x16xi32>,
    %swap3A_84 = vector.shape_cast %swap3A_83 : vector<1x16xi32> to vector<16xi32>
    %swap3A_85 = vector.shape_cast %add3A_79 : vector<16xi32> to vector<1x16xi32>
    tpu.vector_store %arg6[%swap3A_81, %swap3A_82], %swap3A_85 {strides = array<i32>} : memref<160x128xi32, #tpu.memory_space<vmem>>, vector<1x16xi32>,
    %get3A_86 = arith.constant 0 : i32
    %get3A_87 = arith.index_cast %get3A_86 : i32 to index
    %get3A_88 = arith.constant 64 : index
    %get3A_89 = tpu.vector_load %arg6[%get3A_87, %get3A_88] {strides = array<i32>} : memref<160x128xi32, #tpu.memory_space<vmem>>, vector<1x16xi32>,
    %get3A_90 = vector.shape_cast %get3A_89 : vector<1x16xi32> to vector<16xi32>
    %mul3A_91 = arith.constant 2 : i32
    %mul3A_92 = vector.broadcast %mul3A_91 : i32 to vector<16xi32>
    %mul3A_93 = arith.muli %get3A_90, %mul3A_92 : vector<16xi32>
    %add3A_94 = vector.broadcast %arg0 : i32 to vector<16xi32>
    %add3A_95 = arith.addi %mul3A_93, %add3A_94 : vector<16xi32>
    %swap3A_96 = arith.constant 0 : i32
    %swap3A_97 = arith.index_cast %swap3A_96 : i32 to index
    %swap3A_98 = arith.constant 64 : index
    %swap3A_99 = tpu.vector_load %arg6[%swap3A_97, %swap3A_98] {strides = array<i32>} : memref<160x128xi32, #tpu.memory_space<vmem>>, vector<1x16xi32>,
    %swap3A_100 = vector.shape_cast %swap3A_99 : vector<1x16xi32> to vector<16xi32>
    %swap3A_101 = vector.shape_cast %add3A_95 : vector<16xi32> to vector<1x16xi32>
    tpu.vector_store %arg6[%swap3A_97, %swap3A_98], %swap3A_101 {strides = array<i32>} : memref<160x128xi32, #tpu.memory_space<vmem>>, vector<1x16xi32>,
    %get3A_102 = arith.constant 0 : i32
    %get3A_103 = arith.index_cast %get3A_102 : i32 to index
    %get3A_104 = arith.constant 80 : index
    %get3A_105 = tpu.vector_load %arg6[%get3A_103, %get3A_104] {strides = array<i32>} : memref<160x128xi32, #tpu.memory_space<vmem>>, vector<1x16xi32>,
    %get3A_106 = vector.shape_cast %get3A_105 : vector<1x16xi32> to vector<16xi32>
    %mul3A_107 = arith.constant 2 : i32
    %mul3A_108 = vector.broadcast %mul3A_107 : i32 to vector<16xi32>
    %mul3A_109 = arith.muli %get3A_106, %mul3A_108 : vector<16xi32>
    %add3A_110 = vector.broadcast %arg0 : i32 to vector<16xi32>
    %add3A_111 = arith.addi %mul3A_109, %add3A_110 : vector<16xi32>
    %swap3A_112 = arith.constant 0 : i32
    %swap3A_113 = arith.index_cast %swap3A_112 : i32 to index
    %swap3A_114 = arith.constant 80 : index
    %swap3A_115 = tpu.vector_load %arg6[%swap3A_113, %swap3A_114] {strides = array<i32>} : memref<160x128xi32, #tpu.memory_space<vmem>>, vector<1x16xi32>,
    %swap3A_116 = vector.shape_cast %swap3A_115 : vector<1x16xi32> to vector<16xi32>
    %swap3A_117 = vector.shape_cast %add3A_111 : vector<16xi32> to vector<1x16xi32>
    tpu.vector_store %arg6[%swap3A_113, %swap3A_114], %swap3A_117 {strides = array<i32>} : memref<160x128xi32, #tpu.memory_space<vmem>>, vector<1x16xi32>,
    %get3A_118 = arith.constant 0 : i32
    %get3A_119 = arith.index_cast %get3A_118 : i32 to index
    %get3A_120 = arith.constant 96 : index
    %get3A_121 = tpu.vector_load %arg6[%get3A_119, %get3A_120] {strides = array<i32>} : memref<160x128xi32, #tpu.memory_space<vmem>>, vector<1x16xi32>,
    %get3A_122 = vector.shape_cast %get3A_121 : vector<1x16xi32> to vector<16xi32>
    %mul3A_123 = arith.constant 2 : i32
    %mul3A_124 = vector.broadcast %mul3A_123 : i32 to vector<16xi32>
    %mul3A_125 = arith.muli %get3A_122, %mul3A_124 : vector<16xi32>
    %add3A_126 = vector.broadcast %arg0 : i32 to vector<16xi32>
    %add3A_127 = arith.addi %mul3A_125, %add3A_126 : vector<16xi32>
    %swap3A_128 = arith.constant 0 : i32
    %swap3A_129 = arith.index_cast %swap3A_128 : i32 to index
    %swap3A_130 = arith.constant 96 : index
    %swap3A_131 = tpu.vector_load %arg6[%swap3A_129, %swap3A_130] {strides = array<i32>} : memref<160x128xi32, #tpu.memory_space<vmem>>, vector<1x16xi32>,
    %swap3A_132 = vector.shape_cast %swap3A_131 : vector<1x16xi32> to vector<16xi32>
    %swap3A_133 = vector.shape_cast %add3A_127 : vector<16xi32> to vector<1x16xi32>
    tpu.vector_store %arg6[%swap3A_129, %swap3A_130], %swap3A_133 {strides = array<i32>} : memref<160x128xi32, #tpu.memory_space<vmem>>, vector<1x16xi32>,
    %get3A_134 = arith.constant 0 : i32
    %get3A_135 = arith.index_cast %get3A_134 : i32 to index
    %get3A_136 = arith.constant 112 : index
    %get3A_137 = tpu.vector_load %arg6[%get3A_135, %get3A_136] {strides = array<i32>} : memref<160x128xi32, #tpu.memory_space<vmem>>, vector<1x16xi32>,
    %get3A_138 = vector.shape_cast %get3A_137 : vector<1x16xi32> to vector<16xi32>
    %mul3A_139 = arith.constant 2 : i32
    %mul3A_140 = vector.broadcast %mul3A_139 : i32 to vector<16xi32>
    %mul3A_141 = arith.muli %get3A_138, %mul3A_140 : vector<16xi32>
    %add3A_142 = vector.broadcast %arg0 : i32 to vector<16xi32>
    %add3A_143 = arith.addi %mul3A_141, %add3A_142 : vector<16xi32>
    %swap3A_144 = arith.constant 0 : i32
    %swap3A_145 = arith.index_cast %swap3A_144 : i32 to index
    %swap3A_146 = arith.constant 112 : index
    %swap3A_147 = tpu.vector_load %arg6[%swap3A_145, %swap3A_146] {strides = array<i32>} : memref<160x128xi32, #tpu.memory_space<vmem>>, vector<1x16xi32>,
    %swap3A_148 = vector.shape_cast %swap3A_147 : vector<1x16xi32> to vector<16xi32>
    %swap3A_149 = vector.shape_cast %add3A_143 : vector<16xi32> to vector<1x16xi32>
    tpu.vector_store %arg6[%swap3A_145, %swap3A_146], %swap3A_149 {strides = array<i32>} : memref<160x128xi32, #tpu.memory_space<vmem>>, vector<1x16xi32>,
    %get3A_150 = arith.constant 1 : i32
    %get3A_151 = arith.index_cast %get3A_150 : i32 to index
    %get3A_152 = arith.constant 0 : index
    %get3A_153 = tpu.vector_load %arg6[%get3A_151, %get3A_152] {strides = array<i32>} : memref<160x128xi32, #tpu.memory_space<vmem>>, vector<1x16xi32>,
    %get3A_154 = vector.shape_cast %get3A_153 : vector<1x16xi32> to vector<16xi32>
    %mul3A_155 = arith.constant 2 : i32
    %mul3A_156 = vector.broadcast %mul3A_155 : i32 to vector<16xi32>
    %mul3A_157 = arith.muli %get3A_154, %mul3A_156 : vector<16xi32>
    %add3A_158 = vector.broadcast %arg0 : i32 to vector<16xi32>
    %add3A_159 = arith.addi %mul3A_157, %add3A_158 : vector<16xi32>
    %swap3A_160 = arith.constant 1 : i32
    %swap3A_161 = arith.index_cast %swap3A_160 : i32 to index
    %swap3A_162 = arith.constant 0 : index
    %swap3A_163 = tpu.vector_load %arg6[%swap3A_161, %swap3A_162] {strides = array<i32>} : memref<160x128xi32, #tpu.memory_space<vmem>>, vector<1x16xi32>,
    %swap3A_164 = vector.shape_cast %swap3A_163 : vector<1x16xi32> to vector<16xi32>
    %swap3A_165 = vector.shape_cast %add3A_159 : vector<16xi32> to vector<1x16xi32>
    tpu.vector_store %arg6[%swap3A_161, %swap3A_162], %swap3A_165 {strides = array<i32>} : memref<160x128xi32, #tpu.memory_space<vmem>>, vector<1x16xi32>,
    %get3A_166 = arith.constant 1 : i32
    %get3A_167 = arith.index_cast %get3A_166 : i32 to index
    %get3A_168 = arith.constant 16 : index
    %get3A_169 = tpu.vector_load %arg6[%get3A_167, %get3A_168] {strides = array<i32>} : memref<160x128xi32, #tpu.memory_space<vmem>>, vector<1x16xi32>,
    %get3A_170 = vector.shape_cast %get3A_169 : vector<1x16xi32> to vector<16xi32>
    %mul3A_171 = arith.constant 2 : i32
    %mul3A_172 = vector.broadcast %mul3A_171 : i32 to vector<16xi32>
    %mul3A_173 = arith.muli %get3A_170, %mul3A_172 : vector<16xi32>
    %add3A_174 = vector.broadcast %arg0 : i32 to vector<16xi32>
    %add3A_175 = arith.addi %mul3A_173, %add3A_174 : vector<16xi32>
    %swap3A_176 = arith.constant 1 : i32
    %swap3A_177 = arith.index_cast %swap3A_176 : i32 to index
    %swap3A_178 = arith.constant 16 : index
    %swap3A_179 = tpu.vector_load %arg6[%swap3A_177, %swap3A_178] {strides = array<i32>} : memref<160x128xi32, #tpu.memory_space<vmem>>, vector<1x16xi32>,
    %swap3A_180 = vector.shape_cast %swap3A_179 : vector<1x16xi32> to vector<16xi32>
    %swap3A_181 = vector.shape_cast %add3A_175 : vector<16xi32> to vector<1x16xi32>
    tpu.vector_store %arg6[%swap3A_177, %swap3A_178], %swap3A_181 {strides = array<i32>} : memref<160x128xi32, #tpu.memory_space<vmem>>, vector<1x16xi32>,
    %get3A_182 = arith.constant 1 : i32
    %get3A_183 = arith.index_cast %get3A_182 : i32 to index
    %get3A_184 = arith.constant 32 : index
    %get3A_185 = tpu.vector_load %arg6[%get3A_183, %get3A_184] {strides = array<i32>} : memref<160x128xi32, #tpu.memory_space<vmem>>, vector<1x16xi32>,
    %get3A_186 = vector.shape_cast %get3A_185 : vector<1x16xi32> to vector<16xi32>
    %mul3A_187 = arith.constant 2 : i32
    %mul3A_188 = vector.broadcast %mul3A_187 : i32 to vector<16xi32>
    %mul3A_189 = arith.muli %get3A_186, %mul3A_188 : vector<16xi32>
    %add3A_190 = vector.broadcast %arg0 : i32 to vector<16xi32>
    %add3A_191 = arith.addi %mul3A_189, %add3A_190 : vector<16xi32>
    %swap3A_192 = arith.constant 1 : i32
    %swap3A_193 = arith.index_cast %swap3A_192 : i32 to index
    %swap3A_194 = arith.constant 32 : index
    %swap3A_195 = tpu.vector_load %arg6[%swap3A_193, %swap3A_194] {strides = array<i32>} : memref<160x128xi32, #tpu.memory_space<vmem>>, vector<1x16xi32>,
    %swap3A_196 = vector.shape_cast %swap3A_195 : vector<1x16xi32> to vector<16xi32>
    %swap3A_197 = vector.shape_cast %add3A_191 : vector<16xi32> to vector<1x16xi32>
    tpu.vector_store %arg6[%swap3A_193, %swap3A_194], %swap3A_197 {strides = array<i32>} : memref<160x128xi32, #tpu.memory_space<vmem>>, vector<1x16xi32>,
    %get3A_198 = arith.constant 1 : i32
    %get3A_199 = arith.index_cast %get3A_198 : i32 to index
    %get3A_200 = arith.constant 48 : index
    %get3A_201 = tpu.vector_load %arg6[%get3A_199, %get3A_200] {strides = array<i32>} : memref<160x128xi32, #tpu.memory_space<vmem>>, vector<1x16xi32>,
    %get3A_202 = vector.shape_cast %get3A_201 : vector<1x16xi32> to vector<16xi32>
    %mul3A_203 = arith.constant 2 : i32
    %mul3A_204 = vector.broadcast %mul3A_203 : i32 to vector<16xi32>
    %mul3A_205 = arith.muli %get3A_202, %mul3A_204 : vector<16xi32>
    %add3A_206 = vector.broadcast %arg0 : i32 to vector<16xi32>
    %add3A_207 = arith.addi %mul3A_205, %add3A_206 : vector<16xi32>
    %swap3A_208 = arith.constant 1 : i32
    %swap3A_209 = arith.index_cast %swap3A_208 : i32 to index
    %swap3A_210 = arith.constant 48 : index
    %swap3A_211 = tpu.vector_load %arg6[%swap3A_209, %swap3A_210] {strides = array<i32>} : memref<160x128xi32, #tpu.memory_space<vmem>>, vector<1x16xi32>,
    %swap3A_212 = vector.shape_cast %swap3A_211 : vector<1x16xi32> to vector<16xi32>
    %swap3A_213 = vector.shape_cast %add3A_207 : vector<16xi32> to vector<1x16xi32>
    tpu.vector_store %arg6[%swap3A_209, %swap3A_210], %swap3A_213 {strides = array<i32>} : memref<160x128xi32, #tpu.memory_space<vmem>>, vector<1x16xi32>,
    %get3A_214 = arith.constant 1 : i32
    %get3A_215 = arith.index_cast %get3A_214 : i32 to index
    %get3A_216 = arith.constant 64 : index
    %get3A_217 = tpu.vector_load %arg6[%get3A_215, %get3A_216] {strides = array<i32>} : memref<160x128xi32, #tpu.memory_space<vmem>>, vector<1x16xi32>,
    %get3A_218 = vector.shape_cast %get3A_217 : vector<1x16xi32> to vector<16xi32>
    %mul3A_219 = arith.constant 2 : i32
    %mul3A_220 = vector.broadcast %mul3A_219 : i32 to vector<16xi32>
    %mul3A_221 = arith.muli %get3A_218, %mul3A_220 : vector<16xi32>
    %add3A_222 = vector.broadcast %arg0 : i32 to vector<16xi32>
    %add3A_223 = arith.addi %mul3A_221, %add3A_222 : vector<16xi32>
    %swap3A_224 = arith.constant 1 : i32
    %swap3A_225 = arith.index_cast %swap3A_224 : i32 to index
    %swap3A_226 = arith.constant 64 : index
    %swap3A_227 = tpu.vector_load %arg6[%swap3A_225, %swap3A_226] {strides = array<i32>} : memref<160x128xi32, #tpu.memory_space<vmem>>, vector<1x16xi32>,
    %swap3A_228 = vector.shape_cast %swap3A_227 : vector<1x16xi32> to vector<16xi32>
    %swap3A_229 = vector.shape_cast %add3A_223 : vector<16xi32> to vector<1x16xi32>
    tpu.vector_store %arg6[%swap3A_225, %swap3A_226], %swap3A_229 {strides = array<i32>} : memref<160x128xi32, #tpu.memory_space<vmem>>, vector<1x16xi32>,
    %get3A_230 = arith.constant 1 : i32
    %get3A_231 = arith.index_cast %get3A_230 : i32 to index
    %get3A_232 = arith.constant 80 : index
    %get3A_233 = tpu.vector_load %arg6[%get3A_231, %get3A_232] {strides = array<i32>} : memref<160x128xi32, #tpu.memory_space<vmem>>, vector<1x16xi32>,
    %get3A_234 = vector.shape_cast %get3A_233 : vector<1x16xi32> to vector<16xi32>
    %mul3A_235 = arith.constant 2 : i32
    %mul3A_236 = vector.broadcast %mul3A_235 : i32 to vector<16xi32>
    %mul3A_237 = arith.muli %get3A_234, %mul3A_236 : vector<16xi32>
    %add3A_238 = vector.broadcast %arg0 : i32 to vector<16xi32>
    %add3A_239 = arith.addi %mul3A_237, %add3A_238 : vector<16xi32>
    %swap3A_240 = arith.constant 1 : i32
    %swap3A_241 = arith.index_cast %swap3A_240 : i32 to index
    %swap3A_242 = arith.constant 80 : index
    %swap3A_243 = tpu.vector_load %arg6[%swap3A_241, %swap3A_242] {strides = array<i32>} : memref<160x128xi32, #tpu.memory_space<vmem>>, vector<1x16xi32>,
    %swap3A_244 = vector.shape_cast %swap3A_243 : vector<1x16xi32> to vector<16xi32>
    %swap3A_245 = vector.shape_cast %add3A_239 : vector<16xi32> to vector<1x16xi32>
    tpu.vector_store %arg6[%swap3A_241, %swap3A_242], %swap3A_245 {strides = array<i32>} : memref<160x128xi32, #tpu.memory_space<vmem>>, vector<1x16xi32>,
    %get3A_246 = arith.constant 1 : i32
    %get3A_247 = arith.index_cast %get3A_246 : i32 to index
    %get3A_248 = arith.constant 96 : index
    %get3A_249 = tpu.vector_load %arg6[%get3A_247, %get3A_248] {strides = array<i32>} : memref<160x128xi32, #tpu.memory_space<vmem>>, vector<1x16xi32>,
    %get3A_250 = vector.shape_cast %get3A_249 : vector<1x16xi32> to vector<16xi32>
    %mul3A_251 = arith.constant 2 : i32
    %mul3A_252 = vector.broadcast %mul3A_251 : i32 to vector<16xi32>
    %mul3A_253 = arith.muli %get3A_250, %mul3A_252 : vector<16xi32>
    %add3A_254 = vector.broadcast %arg0 : i32 to vector<16xi32>
    %add3A_255 = arith.addi %mul3A_253, %add3A_254 : vector<16xi32>
    %swap3A_256 = arith.constant 1 : i32
    %swap3A_257 = arith.index_cast %swap3A_256 : i32 to index
    %swap3A_258 = arith.constant 96 : index
    %swap3A_259 = tpu.vector_load %arg6[%swap3A_257, %swap3A_258] {strides = array<i32>} : memref<160x128xi32, #tpu.memory_space<vmem>>, vector<1x16xi32>,
    %swap3A_260 = vector.shape_cast %swap3A_259 : vector<1x16xi32> to vector<16xi32>
    %swap3A_261 = vector.shape_cast %add3A_255 : vector<16xi32> to vector<1x16xi32>
    tpu.vector_store %arg6[%swap3A_257, %swap3A_258], %swap3A_261 {strides = array<i32>} : memref<160x128xi32, #tpu.memory_space<vmem>>, vector<1x16xi32>,
    %get3A_262 = arith.constant 1 : i32
    %get3A_263 = arith.index_cast %get3A_262 : i32 to index
    %get3A_264 = arith.constant 112 : index
    %get3A_265 = tpu.vector_load %arg6[%get3A_263, %get3A_264] {strides = array<i32>} : memref<160x128xi32, #tpu.memory_space<vmem>>, vector<1x16xi32>,
    %get3A_266 = vector.shape_cast %get3A_265 : vector<1x16xi32> to vector<16xi32>
    %mul3A_267 = arith.constant 2 : i32
    %mul3A_268 = vector.broadcast %mul3A_267 : i32 to vector<16xi32>
    %mul3A_269 = arith.muli %get3A_266, %mul3A_268 : vector<16xi32>
    %add3A_270 = vector.broadcast %arg0 : i32 to vector<16xi32>
    %add3A_271 = arith.addi %mul3A_269, %add3A_270 : vector<16xi32>
    %swap3A_272 = arith.constant 1 : i32
    %swap3A_273 = arith.index_cast %swap3A_272 : i32 to index
    %swap3A_274 = arith.constant 112 : index
    %swap3A_275 = tpu.vector_load %arg6[%swap3A_273, %swap3A_274] {strides = array<i32>} : memref<160x128xi32, #tpu.memory_space<vmem>>, vector<1x16xi32>,
    %swap3A_276 = vector.shape_cast %swap3A_275 : vector<1x16xi32> to vector<16xi32>
    %swap3A_277 = vector.shape_cast %add3A_271 : vector<16xi32> to vector<1x16xi32>
    tpu.vector_store %arg6[%swap3A_273, %swap3A_274], %swap3A_277 {strides = array<i32>} : memref<160x128xi32, #tpu.memory_space<vmem>>, vector<1x16xi32>,
    %dma_start3A = arith.constant 0 : i32
    %dma_start3A_278 = arith.constant 0 : i32
    %dma_start3A_279 = tpu.memref_slice %arg6[%dma_start3A, %dma_start3A_278] : memref<160x128xi32, #tpu.memory_space<vmem>> -> memref<1x128xi32, #tpu.memory_space<vmem>>
    %dma_start3A_280 = tpu.memref_squeeze %dma_start3A_279 : memref<1x128xi32, #tpu.memory_space<vmem>> -> memref<128xi32, #tpu.memory_space<vmem>>
    %dma_start3A_281 = arith.constant 0 : i32
    %dma_start3A_282 = arith.constant 0 : i32
    %dma_start3A_283 = tpu.memref_slice %arg4[%dma_start3A_281, %dma_start3A_282] : memref<160000x64xf32, #tpu.memory_space<hbm>> -> memref<160000x64xf32, #tpu.memory_space<hbm>>
    tpu.enqueue_indirect_dma source(%dma_start3A_283 : memref<160000x64xf32, #tpu.memory_space<hbm>>) target(%arg8 : memref<128x64xf32, #tpu.memory_space<vmem>>) offsets(%dma_start3A_280 : memref<128xi32, #tpu.memory_space<vmem>>) semaphore(%arg11 : memref<!tpu.dma_semaphore, #tpu.memory_space<semaphore_mem>>)
    %scan3A_284 = arith.constant 0 : i32
    %scan3A_285 = arith.constant 0 : i32
    %scan3A_286 = arith.constant 79 : i32
    %scan3A_287 = arith.addi %scan3A_285, %scan3A_286 : i32
    %scan3A_288 = arith.constant 1 : i32
    scf.for %scan3A_311 = %scan3A_285 to %scan3A_287 step %scan3A_288  : i32 {
      %mul3A_312 = arith.constant 2 : i32
      %mul3A_313 = arith.muli %mul3A_312, %scan3A_311 : i32
      %add3A_314 = arith.constant 1 : i32
      %add3A_315 = arith.addi %mul3A_313, %add3A_314 : i32
      %dma_start3A_316 = arith.constant 0 : i32
      %dma_start3A_317 = tpu.memref_slice %arg6[%add3A_315, %dma_start3A_316] : memref<160x128xi32, #tpu.memory_space<vmem>> -> memref<1x128xi32, #tpu.memory_space<vmem>>
      %dma_start3A_318 = tpu.memref_squeeze %dma_start3A_317 : memref<1x128xi32, #tpu.memory_space<vmem>> -> memref<128xi32, #tpu.memory_space<vmem>>
      %dma_start3A_319 = arith.constant 0 : i32
      %dma_start3A_320 = arith.constant 0 : i32
      %dma_start3A_321 = tpu.memref_slice %arg4[%dma_start3A_319, %dma_start3A_320] : memref<160000x64xf32, #tpu.memory_space<hbm>> -> memref<160000x64xf32, #tpu.memory_space<hbm>>
      tpu.enqueue_indirect_dma source(%dma_start3A_321 : memref<160000x64xf32, #tpu.memory_space<hbm>>) target(%arg9 : memref<128x64xf32, #tpu.memory_space<vmem>>) offsets(%dma_start3A_318 : memref<128xi32, #tpu.memory_space<vmem>>) semaphore(%arg12 : memref<!tpu.dma_semaphore, #tpu.memory_space<semaphore_mem>>)
      %add3A_322 = arith.constant 2 : i32
      %add3A_323 = arith.addi %mul3A_313, %add3A_322 : i32
      %get3A_324 = arith.index_cast %add3A_323 : i32 to index
      %get3A_325 = arith.constant 0 : index
      %get3A_326 = tpu.vector_load %arg6[%get3A_324, %get3A_325] {strides = array<i32>} : memref<160x128xi32, #tpu.memory_space<vmem>>, vector<1x16xi32>,
      %get3A_327 = vector.shape_cast %get3A_326 : vector<1x16xi32> to vector<16xi32>
      %mul3A_328 = arith.constant 2 : i32
      %mul3A_329 = vector.broadcast %mul3A_328 : i32 to vector<16xi32>
      %mul3A_330 = arith.muli %get3A_327, %mul3A_329 : vector<16xi32>
      %add3A_331 = vector.broadcast %arg0 : i32 to vector<16xi32>
      %add3A_332 = arith.addi %mul3A_330, %add3A_331 : vector<16xi32>
      %swap3A_333 = arith.index_cast %add3A_323 : i32 to index
      %swap3A_334 = arith.constant 0 : index
      %swap3A_335 = tpu.vector_load %arg6[%swap3A_333, %swap3A_334] {strides = array<i32>} : memref<160x128xi32, #tpu.memory_space<vmem>>, vector<1x16xi32>,
      %swap3A_336 = vector.shape_cast %swap3A_335 : vector<1x16xi32> to vector<16xi32>
      %swap3A_337 = vector.shape_cast %add3A_332 : vector<16xi32> to vector<1x16xi32>
      tpu.vector_store %arg6[%swap3A_333, %swap3A_334], %swap3A_337 {strides = array<i32>} : memref<160x128xi32, #tpu.memory_space<vmem>>, vector<1x16xi32>,
      %get3A_338 = arith.index_cast %add3A_323 : i32 to index
      %get3A_339 = arith.constant 16 : index
      %get3A_340 = tpu.vector_load %arg6[%get3A_338, %get3A_339] {strides = array<i32>} : memref<160x128xi32, #tpu.memory_space<vmem>>, vector<1x16xi32>,
      %get3A_341 = vector.shape_cast %get3A_340 : vector<1x16xi32> to vector<16xi32>
      %mul3A_342 = arith.constant 2 : i32
      %mul3A_343 = vector.broadcast %mul3A_342 : i32 to vector<16xi32>
      %mul3A_344 = arith.muli %get3A_341, %mul3A_343 : vector<16xi32>
      %add3A_345 = vector.broadcast %arg0 : i32 to vector<16xi32>
      %add3A_346 = arith.addi %mul3A_344, %add3A_345 : vector<16xi32>
      %swap3A_347 = arith.index_cast %add3A_323 : i32 to index
      %swap3A_348 = arith.constant 16 : index
      %swap3A_349 = tpu.vector_load %arg6[%swap3A_347, %swap3A_348] {strides = array<i32>} : memref<160x128xi32, #tpu.memory_space<vmem>>, vector<1x16xi32>,
      %swap3A_350 = vector.shape_cast %swap3A_349 : vector<1x16xi32> to vector<16xi32>
      %swap3A_351 = vector.shape_cast %add3A_346 : vector<16xi32> to vector<1x16xi32>
      tpu.vector_store %arg6[%swap3A_347, %swap3A_348], %swap3A_351 {strides = array<i32>} : memref<160x128xi32, #tpu.memory_space<vmem>>, vector<1x16xi32>,
      %get3A_352 = arith.index_cast %add3A_323 : i32 to index
      %get3A_353 = arith.constant 32 : index
      %get3A_354 = tpu.vector_load %arg6[%get3A_352, %get3A_353] {strides = array<i32>} : memref<160x128xi32, #tpu.memory_space<vmem>>, vector<1x16xi32>,
      %get3A_355 = vector.shape_cast %get3A_354 : vector<1x16xi32> to vector<16xi32>
      %mul3A_356 = arith.constant 2 : i32
      %mul3A_357 = vector.broadcast %mul3A_356 : i32 to vector<16xi32>
      %mul3A_358 = arith.muli %get3A_355, %mul3A_357 : vector<16xi32>
      %add3A_359 = vector.broadcast %arg0 : i32 to vector<16xi32>
      %add3A_360 = arith.addi %mul3A_358, %add3A_359 : vector<16xi32>
      %swap3A_361 = arith.index_cast %add3A_323 : i32 to index
      %swap3A_362 = arith.constant 32 : index
      %swap3A_363 = tpu.vector_load %arg6[%swap3A_361, %swap3A_362] {strides = array<i32>} : memref<160x128xi32, #tpu.memory_space<vmem>>, vector<1x16xi32>,
      %swap3A_364 = vector.shape_cast %swap3A_363 : vector<1x16xi32> to vector<16xi32>
      %swap3A_365 = vector.shape_cast %add3A_360 : vector<16xi32> to vector<1x16xi32>
      tpu.vector_store %arg6[%swap3A_361, %swap3A_362], %swap3A_365 {strides = array<i32>} : memref<160x128xi32, #tpu.memory_space<vmem>>, vector<1x16xi32>,
      %get3A_366 = arith.index_cast %add3A_323 : i32 to index
      %get3A_367 = arith.constant 48 : index
      %get3A_368 = tpu.vector_load %arg6[%get3A_366, %get3A_367] {strides = array<i32>} : memref<160x128xi32, #tpu.memory_space<vmem>>, vector<1x16xi32>,
      %get3A_369 = vector.shape_cast %get3A_368 : vector<1x16xi32> to vector<16xi32>
      %mul3A_370 = arith.constant 2 : i32
      %mul3A_371 = vector.broadcast %mul3A_370 : i32 to vector<16xi32>
      %mul3A_372 = arith.muli %get3A_369, %mul3A_371 : vector<16xi32>
      %add3A_373 = vector.broadcast %arg0 : i32 to vector<16xi32>
      %add3A_374 = arith.addi %mul3A_372, %add3A_373 : vector<16xi32>
      %swap3A_375 = arith.index_cast %add3A_323 : i32 to index
      %swap3A_376 = arith.constant 48 : index
      %swap3A_377 = tpu.vector_load %arg6[%swap3A_375, %swap3A_376] {strides = array<i32>} : memref<160x128xi32, #tpu.memory_space<vmem>>, vector<1x16xi32>,
      %swap3A_378 = vector.shape_cast %swap3A_377 : vector<1x16xi32> to vector<16xi32>
      %swap3A_379 = vector.shape_cast %add3A_374 : vector<16xi32> to vector<1x16xi32>
      tpu.vector_store %arg6[%swap3A_375, %swap3A_376], %swap3A_379 {strides = array<i32>} : memref<160x128xi32, #tpu.memory_space<vmem>>, vector<1x16xi32>,
      %get3A_380 = arith.index_cast %add3A_323 : i32 to index
      %get3A_381 = arith.constant 64 : index
      %get3A_382 = tpu.vector_load %arg6[%get3A_380, %get3A_381] {strides = array<i32>} : memref<160x128xi32, #tpu.memory_space<vmem>>, vector<1x16xi32>,
      %get3A_383 = vector.shape_cast %get3A_382 : vector<1x16xi32> to vector<16xi32>
      %mul3A_384 = arith.constant 2 : i32
      %mul3A_385 = vector.broadcast %mul3A_384 : i32 to vector<16xi32>
      %mul3A_386 = arith.muli %get3A_383, %mul3A_385 : vector<16xi32>
      %add3A_387 = vector.broadcast %arg0 : i32 to vector<16xi32>
      %add3A_388 = arith.addi %mul3A_386, %add3A_387 : vector<16xi32>
      %swap3A_389 = arith.index_cast %add3A_323 : i32 to index
      %swap3A_390 = arith.constant 64 : index
      %swap3A_391 = tpu.vector_load %arg6[%swap3A_389, %swap3A_390] {strides = array<i32>} : memref<160x128xi32, #tpu.memory_space<vmem>>, vector<1x16xi32>,
      %swap3A_392 = vector.shape_cast %swap3A_391 : vector<1x16xi32> to vector<16xi32>
      %swap3A_393 = vector.shape_cast %add3A_388 : vector<16xi32> to vector<1x16xi32>
      tpu.vector_store %arg6[%swap3A_389, %swap3A_390], %swap3A_393 {strides = array<i32>} : memref<160x128xi32, #tpu.memory_space<vmem>>, vector<1x16xi32>,
      %get3A_394 = arith.index_cast %add3A_323 : i32 to index
      %get3A_395 = arith.constant 80 : index
      %get3A_396 = tpu.vector_load %arg6[%get3A_394, %get3A_395] {strides = array<i32>} : memref<160x128xi32, #tpu.memory_space<vmem>>, vector<1x16xi32>,
      %get3A_397 = vector.shape_cast %get3A_396 : vector<1x16xi32> to vector<16xi32>
      %mul3A_398 = arith.constant 2 : i32
      %mul3A_399 = vector.broadcast %mul3A_398 : i32 to vector<16xi32>
      %mul3A_400 = arith.muli %get3A_397, %mul3A_399 : vector<16xi32>
      %add3A_401 = vector.broadcast %arg0 : i32 to vector<16xi32>
      %add3A_402 = arith.addi %mul3A_400, %add3A_401 : vector<16xi32>
      %swap3A_403 = arith.index_cast %add3A_323 : i32 to index
      %swap3A_404 = arith.constant 80 : index
      %swap3A_405 = tpu.vector_load %arg6[%swap3A_403, %swap3A_404] {strides = array<i32>} : memref<160x128xi32, #tpu.memory_space<vmem>>, vector<1x16xi32>,
      %swap3A_406 = vector.shape_cast %swap3A_405 : vector<1x16xi32> to vector<16xi32>
      %swap3A_407 = vector.shape_cast %add3A_402 : vector<16xi32> to vector<1x16xi32>
      tpu.vector_store %arg6[%swap3A_403, %swap3A_404], %swap3A_407 {strides = array<i32>} : memref<160x128xi32, #tpu.memory_space<vmem>>, vector<1x16xi32>,
      %get3A_408 = arith.index_cast %add3A_323 : i32 to index
      %get3A_409 = arith.constant 96 : index
      %get3A_410 = tpu.vector_load %arg6[%get3A_408, %get3A_409] {strides = array<i32>} : memref<160x128xi32, #tpu.memory_space<vmem>>, vector<1x16xi32>,
      %get3A_411 = vector.shape_cast %get3A_410 : vector<1x16xi32> to vector<16xi32>
      %mul3A_412 = arith.constant 2 : i32
      %mul3A_413 = vector.broadcast %mul3A_412 : i32 to vector<16xi32>
      %mul3A_414 = arith.muli %get3A_411, %mul3A_413 : vector<16xi32>
      %add3A_415 = vector.broadcast %arg0 : i32 to vector<16xi32>
      %add3A_416 = arith.addi %mul3A_414, %add3A_415 : vector<16xi32>
      %swap3A_417 = arith.index_cast %add3A_323 : i32 to index
      %swap3A_418 = arith.constant 96 : index
      %swap3A_419 = tpu.vector_load %arg6[%swap3A_417, %swap3A_418] {strides = array<i32>} : memref<160x128xi32, #tpu.memory_space<vmem>>, vector<1x16xi32>,
      %swap3A_420 = vector.shape_cast %swap3A_419 : vector<1x16xi32> to vector<16xi32>
      %swap3A_421 = vector.shape_cast %add3A_416 : vector<16xi32> to vector<1x16xi32>
      tpu.vector_store %arg6[%swap3A_417, %swap3A_418], %swap3A_421 {strides = array<i32>} : memref<160x128xi32, #tpu.memory_space<vmem>>, vector<1x16xi32>,
      %get3A_422 = arith.index_cast %add3A_323 : i32 to index
      %get3A_423 = arith.constant 112 : index
      %get3A_424 = tpu.vector_load %arg6[%get3A_422, %get3A_423] {strides = array<i32>} : memref<160x128xi32, #tpu.memory_space<vmem>>, vector<1x16xi32>,
      %get3A_425 = vector.shape_cast %get3A_424 : vector<1x16xi32> to vector<16xi32>
      %mul3A_426 = arith.constant 2 : i32
      %mul3A_427 = vector.broadcast %mul3A_426 : i32 to vector<16xi32>
      %mul3A_428 = arith.muli %get3A_425, %mul3A_427 : vector<16xi32>
      %add3A_429 = vector.broadcast %arg0 : i32 to vector<16xi32>
      %add3A_430 = arith.addi %mul3A_428, %add3A_429 : vector<16xi32>
      %swap3A_431 = arith.index_cast %add3A_323 : i32 to index
      %swap3A_432 = arith.constant 112 : index
      %swap3A_433 = tpu.vector_load %arg6[%swap3A_431, %swap3A_432] {strides = array<i32>} : memref<160x128xi32, #tpu.memory_space<vmem>>, vector<1x16xi32>,
      %swap3A_434 = vector.shape_cast %swap3A_433 : vector<1x16xi32> to vector<16xi32>
      %swap3A_435 = vector.shape_cast %add3A_430 : vector<16xi32> to vector<1x16xi32>
      tpu.vector_store %arg6[%swap3A_431, %swap3A_432], %swap3A_435 {strides = array<i32>} : memref<160x128xi32, #tpu.memory_space<vmem>>, vector<1x16xi32>,
      %add3A_436 = arith.constant 2 : i32
      %add3A_437 = arith.addi %add3A_315, %add3A_436 : i32
      %get3A_438 = arith.index_cast %add3A_437 : i32 to index
      %get3A_439 = arith.constant 0 : index
      %get3A_440 = tpu.vector_load %arg6[%get3A_438, %get3A_439] {strides = array<i32>} : memref<160x128xi32, #tpu.memory_space<vmem>>, vector<1x16xi32>,
      %get3A_441 = vector.shape_cast %get3A_440 : vector<1x16xi32> to vector<16xi32>
      %mul3A_442 = arith.constant 2 : i32
      %mul3A_443 = vector.broadcast %mul3A_442 : i32 to vector<16xi32>
      %mul3A_444 = arith.muli %get3A_441, %mul3A_443 : vector<16xi32>
      %add3A_445 = vector.broadcast %arg0 : i32 to vector<16xi32>
      %add3A_446 = arith.addi %mul3A_444, %add3A_445 : vector<16xi32>
      %swap3A_447 = arith.index_cast %add3A_437 : i32 to index
      %swap3A_448 = arith.constant 0 : index
      %swap3A_449 = tpu.vector_load %arg6[%swap3A_447, %swap3A_448] {strides = array<i32>} : memref<160x128xi32, #tpu.memory_space<vmem>>, vector<1x16xi32>,
      %swap3A_450 = vector.shape_cast %swap3A_449 : vector<1x16xi32> to vector<16xi32>
      %swap3A_451 = vector.shape_cast %add3A_446 : vector<16xi32> to vector<1x16xi32>
      tpu.vector_store %arg6[%swap3A_447, %swap3A_448], %swap3A_451 {strides = array<i32>} : memref<160x128xi32, #tpu.memory_space<vmem>>, vector<1x16xi32>,
      %get3A_452 = arith.index_cast %add3A_437 : i32 to index
      %get3A_453 = arith.constant 16 : index
      %get3A_454 = tpu.vector_load %arg6[%get3A_452, %get3A_453] {strides = array<i32>} : memref<160x128xi32, #tpu.memory_space<vmem>>, vector<1x16xi32>,
      %get3A_455 = vector.shape_cast %get3A_454 : vector<1x16xi32> to vector<16xi32>
      %mul3A_456 = arith.constant 2 : i32
      %mul3A_457 = vector.broadcast %mul3A_456 : i32 to vector<16xi32>
      %mul3A_458 = arith.muli %get3A_455, %mul3A_457 : vector<16xi32>
      %add3A_459 = vector.broadcast %arg0 : i32 to vector<16xi32>
      %add3A_460 = arith.addi %mul3A_458, %add3A_459 : vector<16xi32>
      %swap3A_461 = arith.index_cast %add3A_437 : i32 to index
      %swap3A_462 = arith.constant 16 : index
      %swap3A_463 = tpu.vector_load %arg6[%swap3A_461, %swap3A_462] {strides = array<i32>} : memref<160x128xi32, #tpu.memory_space<vmem>>, vector<1x16xi32>,
      %swap3A_464 = vector.shape_cast %swap3A_463 : vector<1x16xi32> to vector<16xi32>
      %swap3A_465 = vector.shape_cast %add3A_460 : vector<16xi32> to vector<1x16xi32>
      tpu.vector_store %arg6[%swap3A_461, %swap3A_462], %swap3A_465 {strides = array<i32>} : memref<160x128xi32, #tpu.memory_space<vmem>>, vector<1x16xi32>,
      %get3A_466 = arith.index_cast %add3A_437 : i32 to index
      %get3A_467 = arith.constant 32 : index
      %get3A_468 = tpu.vector_load %arg6[%get3A_466, %get3A_467] {strides = array<i32>} : memref<160x128xi32, #tpu.memory_space<vmem>>, vector<1x16xi32>,
      %get3A_469 = vector.shape_cast %get3A_468 : vector<1x16xi32> to vector<16xi32>
      %mul3A_470 = arith.constant 2 : i32
      %mul3A_471 = vector.broadcast %mul3A_470 : i32 to vector<16xi32>
      %mul3A_472 = arith.muli %get3A_469, %mul3A_471 : vector<16xi32>
      %add3A_473 = vector.broadcast %arg0 : i32 to vector<16xi32>
      %add3A_474 = arith.addi %mul3A_472, %add3A_473 : vector<16xi32>
      %swap3A_475 = arith.index_cast %add3A_437 : i32 to index
      %swap3A_476 = arith.constant 32 : index
      %swap3A_477 = tpu.vector_load %arg6[%swap3A_475, %swap3A_476] {strides = array<i32>} : memref<160x128xi32, #tpu.memory_space<vmem>>, vector<1x16xi32>,
      %swap3A_478 = vector.shape_cast %swap3A_477 : vector<1x16xi32> to vector<16xi32>
      %swap3A_479 = vector.shape_cast %add3A_474 : vector<16xi32> to vector<1x16xi32>
      tpu.vector_store %arg6[%swap3A_475, %swap3A_476], %swap3A_479 {strides = array<i32>} : memref<160x128xi32, #tpu.memory_space<vmem>>, vector<1x16xi32>,
      %get3A_480 = arith.index_cast %add3A_437 : i32 to index
      %get3A_481 = arith.constant 48 : index
      %get3A_482 = tpu.vector_load %arg6[%get3A_480, %get3A_481] {strides = array<i32>} : memref<160x128xi32, #tpu.memory_space<vmem>>, vector<1x16xi32>,
      %get3A_483 = vector.shape_cast %get3A_482 : vector<1x16xi32> to vector<16xi32>
      %mul3A_484 = arith.constant 2 : i32
      %mul3A_485 = vector.broadcast %mul3A_484 : i32 to vector<16xi32>
      %mul3A_486 = arith.muli %get3A_483, %mul3A_485 : vector<16xi32>
      %add3A_487 = vector.broadcast %arg0 : i32 to vector<16xi32>
      %add3A_488 = arith.addi %mul3A_486, %add3A_487 : vector<16xi32>
      %swap3A_489 = arith.index_cast %add3A_437 : i32 to index
      %swap3A_490 = arith.constant 48 : index
      %swap3A_491 = tpu.vector_load %arg6[%swap3A_489, %swap3A_490] {strides = array<i32>} : memref<160x128xi32, #tpu.memory_space<vmem>>, vector<1x16xi32>,
      %swap3A_492 = vector.shape_cast %swap3A_491 : vector<1x16xi32> to vector<16xi32>
      %swap3A_493 = vector.shape_cast %add3A_488 : vector<16xi32> to vector<1x16xi32>
      tpu.vector_store %arg6[%swap3A_489, %swap3A_490], %swap3A_493 {strides = array<i32>} : memref<160x128xi32, #tpu.memory_space<vmem>>, vector<1x16xi32>,
      %get3A_494 = arith.index_cast %add3A_437 : i32 to index
      %get3A_495 = arith.constant 64 : index
      %get3A_496 = tpu.vector_load %arg6[%get3A_494, %get3A_495] {strides = array<i32>} : memref<160x128xi32, #tpu.memory_space<vmem>>, vector<1x16xi32>,
      %get3A_497 = vector.shape_cast %get3A_496 : vector<1x16xi32> to vector<16xi32>
      %mul3A_498 = arith.constant 2 : i32
      %mul3A_499 = vector.broadcast %mul3A_498 : i32 to vector<16xi32>
      %mul3A_500 = arith.muli %get3A_497, %mul3A_499 : vector<16xi32>
      %add3A_501 = vector.broadcast %arg0 : i32 to vector<16xi32>
      %add3A_502 = arith.addi %mul3A_500, %add3A_501 : vector<16xi32>
      %swap3A_503 = arith.index_cast %add3A_437 : i32 to index
      %swap3A_504 = arith.constant 64 : index
      %swap3A_505 = tpu.vector_load %arg6[%swap3A_503, %swap3A_504] {strides = array<i32>} : memref<160x128xi32, #tpu.memory_space<vmem>>, vector<1x16xi32>,
      %swap3A_506 = vector.shape_cast %swap3A_505 : vector<1x16xi32> to vector<16xi32>
      %swap3A_507 = vector.shape_cast %add3A_502 : vector<16xi32> to vector<1x16xi32>
      tpu.vector_store %arg6[%swap3A_503, %swap3A_504], %swap3A_507 {strides = array<i32>} : memref<160x128xi32, #tpu.memory_space<vmem>>, vector<1x16xi32>,
      %get3A_508 = arith.index_cast %add3A_437 : i32 to index
      %get3A_509 = arith.constant 80 : index
      %get3A_510 = tpu.vector_load %arg6[%get3A_508, %get3A_509] {strides = array<i32>} : memref<160x128xi32, #tpu.memory_space<vmem>>, vector<1x16xi32>,
      %get3A_511 = vector.shape_cast %get3A_510 : vector<1x16xi32> to vector<16xi32>
      %mul3A_512 = arith.constant 2 : i32
      %mul3A_513 = vector.broadcast %mul3A_512 : i32 to vector<16xi32>
      %mul3A_514 = arith.muli %get3A_511, %mul3A_513 : vector<16xi32>
      %add3A_515 = vector.broadcast %arg0 : i32 to vector<16xi32>
      %add3A_516 = arith.addi %mul3A_514, %add3A_515 : vector<16xi32>
      %swap3A_517 = arith.index_cast %add3A_437 : i32 to index
      %swap3A_518 = arith.constant 80 : index
      %swap3A_519 = tpu.vector_load %arg6[%swap3A_517, %swap3A_518] {strides = array<i32>} : memref<160x128xi32, #tpu.memory_space<vmem>>, vector<1x16xi32>,
      %swap3A_520 = vector.shape_cast %swap3A_519 : vector<1x16xi32> to vector<16xi32>
      %swap3A_521 = vector.shape_cast %add3A_516 : vector<16xi32> to vector<1x16xi32>
      tpu.vector_store %arg6[%swap3A_517, %swap3A_518], %swap3A_521 {strides = array<i32>} : memref<160x128xi32, #tpu.memory_space<vmem>>, vector<1x16xi32>,
      %get3A_522 = arith.index_cast %add3A_437 : i32 to index
      %get3A_523 = arith.constant 96 : index
      %get3A_524 = tpu.vector_load %arg6[%get3A_522, %get3A_523] {strides = array<i32>} : memref<160x128xi32, #tpu.memory_space<vmem>>, vector<1x16xi32>,
      %get3A_525 = vector.shape_cast %get3A_524 : vector<1x16xi32> to vector<16xi32>
      %mul3A_526 = arith.constant 2 : i32
      %mul3A_527 = vector.broadcast %mul3A_526 : i32 to vector<16xi32>
      %mul3A_528 = arith.muli %get3A_525, %mul3A_527 : vector<16xi32>
      %add3A_529 = vector.broadcast %arg0 : i32 to vector<16xi32>
      %add3A_530 = arith.addi %mul3A_528, %add3A_529 : vector<16xi32>
      %swap3A_531 = arith.index_cast %add3A_437 : i32 to index
      %swap3A_532 = arith.constant 96 : index
      %swap3A_533 = tpu.vector_load %arg6[%swap3A_531, %swap3A_532] {strides = array<i32>} : memref<160x128xi32, #tpu.memory_space<vmem>>, vector<1x16xi32>,
      %swap3A_534 = vector.shape_cast %swap3A_533 : vector<1x16xi32> to vector<16xi32>
      %swap3A_535 = vector.shape_cast %add3A_530 : vector<16xi32> to vector<1x16xi32>
      tpu.vector_store %arg6[%swap3A_531, %swap3A_532], %swap3A_535 {strides = array<i32>} : memref<160x128xi32, #tpu.memory_space<vmem>>, vector<1x16xi32>,
      %get3A_536 = arith.index_cast %add3A_437 : i32 to index
      %get3A_537 = arith.constant 112 : index
      %get3A_538 = tpu.vector_load %arg6[%get3A_536, %get3A_537] {strides = array<i32>} : memref<160x128xi32, #tpu.memory_space<vmem>>, vector<1x16xi32>,
      %get3A_539 = vector.shape_cast %get3A_538 : vector<1x16xi32> to vector<16xi32>
      %mul3A_540 = arith.constant 2 : i32
      %mul3A_541 = vector.broadcast %mul3A_540 : i32 to vector<16xi32>
      %mul3A_542 = arith.muli %get3A_539, %mul3A_541 : vector<16xi32>
      %add3A_543 = vector.broadcast %arg0 : i32 to vector<16xi32>
      %add3A_544 = arith.addi %mul3A_542, %add3A_543 : vector<16xi32>
      %swap3A_545 = arith.index_cast %add3A_437 : i32 to index
      %swap3A_546 = arith.constant 112 : index
      %swap3A_547 = tpu.vector_load %arg6[%swap3A_545, %swap3A_546] {strides = array<i32>} : memref<160x128xi32, #tpu.memory_space<vmem>>, vector<1x16xi32>,
      %swap3A_548 = vector.shape_cast %swap3A_547 : vector<1x16xi32> to vector<16xi32>
      %swap3A_549 = vector.shape_cast %add3A_544 : vector<16xi32> to vector<1x16xi32>
      tpu.vector_store %arg6[%swap3A_545, %swap3A_546], %swap3A_549 {strides = array<i32>} : memref<160x128xi32, #tpu.memory_space<vmem>>, vector<1x16xi32>,
      %dma_wait3A = arith.constant 0 : i32
      %dma_wait3A_550 = arith.constant 0 : i32
      %dma_wait3A_551 = tpu.memref_slice %arg4[%dma_wait3A, %dma_wait3A_550] : memref<160000x64xf32, #tpu.memory_space<hbm>> -> memref<128x64xf32, #tpu.memory_space<hbm>>
      %dma_wait3A_552 = arith.constant 0 : i32
      %dma_wait3A_553 = arith.constant 0 : i32
      %dma_wait3A_554 = tpu.memref_slice %arg4[%dma_wait3A_552, %dma_wait3A_553] : memref<160000x64xf32, #tpu.memory_space<hbm>> -> memref<128x64xf32, #tpu.memory_space<hbm>>
      tpu.wait_dma2 semaphore(%arg11 : memref<!tpu.dma_semaphore, #tpu.memory_space<semaphore_mem>>) src(%dma_wait3A_554 : memref<128x64xf32, #tpu.memory_space<hbm>>) dst(%arg8 : memref<128x64xf32, #tpu.memory_space<vmem>>)
      "tpu.region"() ({
        %run_scoped3A = tpu.sem_alloc : memref<!tpu.dma_semaphore, #tpu.memory_space<semaphore_mem>>
        %dma_start3A_563 = arith.constant 0 : i32
        %dma_start3A_564 = tpu.memref_slice %arg7[%mul3A_313, %dma_start3A_563] : memref<158x128xi32, #tpu.memory_space<vmem>> -> memref<1x128xi32, #tpu.memory_space<vmem>>
        %dma_start3A_565 = tpu.memref_squeeze %dma_start3A_564 : memref<1x128xi32, #tpu.memory_space<vmem>> -> memref<128xi32, #tpu.memory_space<vmem>>
        %dma_start3A_566 = arith.constant 0 : i32
        %dma_start3A_567 = arith.constant 0 : i32
        %dma_start3A_568 = tpu.memref_slice %arg10[%dma_start3A_566, %dma_start3A_567] : memref<10240x64xf32, #tpu.memory_space<vmem_shared>> -> memref<10240x64xf32, #tpu.memory_space<vmem_shared>>
        tpu.enqueue_indirect_dma source(%arg8 : memref<128x64xf32, #tpu.memory_space<vmem>>) target(%dma_start3A_568 : memref<10240x64xf32, #tpu.memory_space<vmem_shared>>) offsets(%dma_start3A_565 : memref<128xi32, #tpu.memory_space<vmem>>) semaphore(%run_scoped3A : memref<!tpu.dma_semaphore, #tpu.memory_space<semaphore_mem>>) {add = true}
        %dma_wait3A_569 = arith.constant 0 : i32
        %dma_wait3A_570 = tpu.memref_slice %arg7[%mul3A_313, %dma_wait3A_569] : memref<158x128xi32, #tpu.memory_space<vmem>> -> memref<1x128xi32, #tpu.memory_space<vmem>>
        %dma_wait3A_571 = tpu.memref_squeeze %dma_wait3A_570 : memref<1x128xi32, #tpu.memory_space<vmem>> -> memref<128xi32, #tpu.memory_space<vmem>>
        %dma_wait3A_572 = arith.constant 0 : i32
        %dma_wait3A_573 = arith.constant 0 : i32
        %dma_wait3A_574 = tpu.memref_slice %arg10[%dma_wait3A_572, %dma_wait3A_573] : memref<10240x64xf32, #tpu.memory_space<vmem_shared>> -> memref<10240x64xf32, #tpu.memory_space<vmem_shared>>
        tpu.wait_indirect_dma semaphore(%run_scoped3A : memref<!tpu.dma_semaphore, #tpu.memory_space<semaphore_mem>>) src(%arg8 : memref<128x64xf32, #tpu.memory_space<vmem>>) dst(%dma_wait3A_574 : memref<10240x64xf32, #tpu.memory_space<vmem_shared>>)
        tpu.yield
      }) : () -> ()
      %lt3A = arith.constant 78 : i32
      %lt3A_555 = arith.cmpi slt, %scan3A_311, %lt3A : i32
      %convert_element_type3A = arith.extui %lt3A_555 : i1 to i32
      %cond3A = arith.constant 0 : i32
      %cond3A_556 = arith.cmpi ne, %convert_element_type3A, %cond3A : i32
      scf.if %cond3A_556 {
        %add3A_563 = arith.constant 2 : i32
        %add3A_564 = arith.addi %mul3A_313, %add3A_563 : i32
        %dma_start3A_565 = arith.constant 0 : i32
        %dma_start3A_566 = tpu.memref_slice %arg6[%add3A_564, %dma_start3A_565] : memref<160x128xi32, #tpu.memory_space<vmem>> -> memref<1x128xi32, #tpu.memory_space<vmem>>
        %dma_start3A_567 = tpu.memref_squeeze %dma_start3A_566 : memref<1x128xi32, #tpu.memory_space<vmem>> -> memref<128xi32, #tpu.memory_space<vmem>>
        %dma_start3A_568 = arith.constant 0 : i32
        %dma_start3A_569 = arith.constant 0 : i32
        %dma_start3A_570 = tpu.memref_slice %arg4[%dma_start3A_568, %dma_start3A_569] : memref<160000x64xf32, #tpu.memory_space<hbm>> -> memref<160000x64xf32, #tpu.memory_space<hbm>>
        tpu.enqueue_indirect_dma source(%dma_start3A_570 : memref<160000x64xf32, #tpu.memory_space<hbm>>) target(%arg8 : memref<128x64xf32, #tpu.memory_space<vmem>>) offsets(%dma_start3A_567 : memref<128xi32, #tpu.memory_space<vmem>>) semaphore(%arg11 : memref<!tpu.dma_semaphore, #tpu.memory_space<semaphore_mem>>)
      } else {
      }
      %dma_wait3A_557 = arith.constant 0 : i32
      %dma_wait3A_558 = arith.constant 0 : i32
      %dma_wait3A_559 = tpu.memref_slice %arg4[%dma_wait3A_557, %dma_wait3A_558] : memref<160000x64xf32, #tpu.memory_space<hbm>> -> memref<128x64xf32, #tpu.memory_space<hbm>>
      %dma_wait3A_560 = arith.constant 0 : i32
      %dma_wait3A_561 = arith.constant 0 : i32
      %dma_wait3A_562 = tpu.memref_slice %arg4[%dma_wait3A_560, %dma_wait3A_561] : memref<160000x64xf32, #tpu.memory_space<hbm>> -> memref<128x64xf32, #tpu.memory_space<hbm>>
      tpu.wait_dma2 semaphore(%arg12 : memref<!tpu.dma_semaphore, #tpu.memory_space<semaphore_mem>>) src(%dma_wait3A_562 : memref<128x64xf32, #tpu.memory_space<hbm>>) dst(%arg9 : memref<128x64xf32, #tpu.memory_space<vmem>>)
      "tpu.region"() ({
        %run_scoped3A = tpu.sem_alloc : memref<!tpu.dma_semaphore, #tpu.memory_space<semaphore_mem>>
        %dma_start3A_563 = arith.constant 0 : i32
        %dma_start3A_564 = tpu.memref_slice %arg7[%add3A_315, %dma_start3A_563] : memref<158x128xi32, #tpu.memory_space<vmem>> -> memref<1x128xi32, #tpu.memory_space<vmem>>
        %dma_start3A_565 = tpu.memref_squeeze %dma_start3A_564 : memref<1x128xi32, #tpu.memory_space<vmem>> -> memref<128xi32, #tpu.memory_space<vmem>>
        %dma_start3A_566 = arith.constant 0 : i32
        %dma_start3A_567 = arith.constant 0 : i32
        %dma_start3A_568 = tpu.memref_slice %arg10[%dma_start3A_566, %dma_start3A_567] : memref<10240x64xf32, #tpu.memory_space<vmem_shared>> -> memref<10240x64xf32, #tpu.memory_space<vmem_shared>>
        tpu.enqueue_indirect_dma source(%arg9 : memref<128x64xf32, #tpu.memory_space<vmem>>) target(%dma_start3A_568 : memref<10240x64xf32, #tpu.memory_space<vmem_shared>>) offsets(%dma_start3A_565 : memref<128xi32, #tpu.memory_space<vmem>>) semaphore(%run_scoped3A : memref<!tpu.dma_semaphore, #tpu.memory_space<semaphore_mem>>) {add = true}
        %dma_wait3A_569 = arith.constant 0 : i32
        %dma_wait3A_570 = tpu.memref_slice %arg7[%add3A_315, %dma_wait3A_569] : memref<158x128xi32, #tpu.memory_space<vmem>> -> memref<1x128xi32, #tpu.memory_space<vmem>>
        %dma_wait3A_571 = tpu.memref_squeeze %dma_wait3A_570 : memref<1x128xi32, #tpu.memory_space<vmem>> -> memref<128xi32, #tpu.memory_space<vmem>>
        %dma_wait3A_572 = arith.constant 0 : i32
        %dma_wait3A_573 = arith.constant 0 : i32
        %dma_wait3A_574 = tpu.memref_slice %arg10[%dma_wait3A_572, %dma_wait3A_573] : memref<10240x64xf32, #tpu.memory_space<vmem_shared>> -> memref<10240x64xf32, #tpu.memory_space<vmem_shared>>
        tpu.wait_indirect_dma semaphore(%run_scoped3A : memref<!tpu.dma_semaphore, #tpu.memory_space<semaphore_mem>>) src(%arg9 : memref<128x64xf32, #tpu.memory_space<vmem>>) dst(%dma_wait3A_574 : memref<10240x64xf32, #tpu.memory_space<vmem_shared>>)
        tpu.yield
      }) : () -> ()
    }
    %scan3A_289 = arith.constant 79 : i32
    %barrier3A_290 = arith.constant 0 : index
    tpu.barrier barrier_id(%barrier3A_290)
    %mul3A_291 = arith.constant 640 : i32
    %mul3A_292 = arith.muli %arg1, %mul3A_291 : i32
    %add3A_293 = arith.constant 0 : i32
    %add3A_294 = arith.addi %mul3A_292, %add3A_293 : i32
    "tpu.region"() ({
      %run_scoped3A = tpu.sem_alloc : memref<!tpu.dma_semaphore, #tpu.memory_space<semaphore_mem>>
      %dma_start3A_311 = arith.constant 0 : i32
      %dma_start3A_312 = arith.constant 0 : i32
      %dma_start3A_313 = tpu.memref_slice %arg8[%dma_start3A_311, %dma_start3A_312] : memref<128x64xf32, #tpu.memory_space<vmem>> -> memref<128x64xf32, #tpu.memory_space<vmem>>
      %dma_start3A_314 = arith.constant 0 : i32
      %dma_start3A_315 = tpu.memref_slice %arg10[%add3A_294, %dma_start3A_314] : memref<10240x64xf32, #tpu.memory_space<vmem_shared>> -> memref<128x64xf32, #tpu.memory_space<vmem_shared>>
      %dma_start3A_316 = arith.constant 0 : i32
      %dma_start3A_317 = arith.constant 0 : i32
      %dma_start3A_318 = tpu.memref_slice %arg8[%dma_start3A_316, %dma_start3A_317] : memref<128x64xf32, #tpu.memory_space<vmem>> -> memref<128x64xf32, #tpu.memory_space<vmem>>
      %dma_start3A_319 = arith.constant 0 : i32
      %dma_start3A_320 = tpu.memref_slice %arg10[%add3A_294, %dma_start3A_319] : memref<10240x64xf32, #tpu.memory_space<vmem_shared>> -> memref<128x64xf32, #tpu.memory_space<vmem_shared>>
      tpu.enqueue_dma source(%dma_start3A_320 : memref<128x64xf32, #tpu.memory_space<vmem_shared>>) target(%dma_start3A_318 : memref<128x64xf32, #tpu.memory_space<vmem>>) target_semaphore(%run_scoped3A : memref<!tpu.dma_semaphore, #tpu.memory_space<semaphore_mem>>)
      %dma_wait3A = arith.constant 0 : i32
      %dma_wait3A_321 = arith.constant 0 : i32
      %dma_wait3A_322 = tpu.memref_slice %arg8[%dma_wait3A, %dma_wait3A_321] : memref<128x64xf32, #tpu.memory_space<vmem>> -> memref<128x64xf32, #tpu.memory_space<vmem>>
      %dma_wait3A_323 = arith.constant 0 : i32
      %dma_wait3A_324 = tpu.memref_slice %arg10[%add3A_294, %dma_wait3A_323] : memref<10240x64xf32, #tpu.memory_space<vmem_shared>> -> memref<128x64xf32, #tpu.memory_space<vmem_shared>>
      %dma_wait3A_325 = arith.constant 0 : i32
      %dma_wait3A_326 = arith.constant 0 : i32
      %dma_wait3A_327 = tpu.memref_slice %arg8[%dma_wait3A_325, %dma_wait3A_326] : memref<128x64xf32, #tpu.memory_space<vmem>> -> memref<128x64xf32, #tpu.memory_space<vmem>>
      %dma_wait3A_328 = arith.constant 0 : i32
      %dma_wait3A_329 = tpu.memref_slice %arg10[%add3A_294, %dma_wait3A_328] : memref<10240x64xf32, #tpu.memory_space<vmem_shared>> -> memref<128x64xf32, #tpu.memory_space<vmem_shared>>
      tpu.wait_dma2 semaphore(%run_scoped3A : memref<!tpu.dma_semaphore, #tpu.memory_space<semaphore_mem>>) src(%dma_wait3A_329 : memref<128x64xf32, #tpu.memory_space<vmem_shared>>) dst(%dma_wait3A_327 : memref<128x64xf32, #tpu.memory_space<vmem>>)
      tpu.yield
    }) : () -> ()
    "tpu.region"() ({
      %run_scoped3A = tpu.sem_alloc : memref<!tpu.dma_semaphore, #tpu.memory_space<semaphore_mem>>
      %dma_start3A_311 = arith.constant 0 : i32
      %dma_start3A_312 = arith.constant 0 : i32
      %dma_start3A_313 = tpu.memref_slice %arg8[%dma_start3A_311, %dma_start3A_312] : memref<128x64xf32, #tpu.memory_space<vmem>> -> memref<128x64xf32, #tpu.memory_space<vmem>>
      %dma_start3A_314 = arith.constant 0 : i32
      %dma_start3A_315 = tpu.memref_slice %arg5[%arg0, %add3A_294, %dma_start3A_314] : memref<2x10240x64xf32, #tpu.memory_space<hbm>> -> memref<1x128x64xf32, #tpu.memory_space<hbm>>
      %dma_start3A_316 = tpu.memref_squeeze %dma_start3A_315 : memref<1x128x64xf32, #tpu.memory_space<hbm>> -> memref<128x64xf32, #tpu.memory_space<hbm>>
      %dma_start3A_317 = arith.constant 0 : i32
      %dma_start3A_318 = tpu.memref_slice %arg5[%arg0, %add3A_294, %dma_start3A_317] : memref<2x10240x64xf32, #tpu.memory_space<hbm>> -> memref<1x128x64xf32, #tpu.memory_space<hbm>>
      %dma_start3A_319 = tpu.memref_squeeze %dma_start3A_318 : memref<1x128x64xf32, #tpu.memory_space<hbm>> -> memref<128x64xf32, #tpu.memory_space<hbm>>
      %dma_start3A_320 = arith.constant 0 : i32
      %dma_start3A_321 = arith.constant 0 : i32
      %dma_start3A_322 = tpu.memref_slice %arg8[%dma_start3A_320, %dma_start3A_321] : memref<128x64xf32, #tpu.memory_space<vmem>> -> memref<128x64xf32, #tpu.memory_space<vmem>>
      tpu.enqueue_dma source(%dma_start3A_322 : memref<128x64xf32, #tpu.memory_space<vmem>>) target(%dma_start3A_319 : memref<128x64xf32, #tpu.memory_space<hbm>>) target_semaphore(%run_scoped3A : memref<!tpu.dma_semaphore, #tpu.memory_space<semaphore_mem>>)
      %dma_wait3A = arith.constant 0 : i32
      %dma_wait3A_323 = arith.constant 0 : i32
      %dma_wait3A_324 = tpu.memref_slice %arg8[%dma_wait3A, %dma_wait3A_323] : memref<128x64xf32, #tpu.memory_space<vmem>> -> memref<128x64xf32, #tpu.memory_space<vmem>>
      %dma_wait3A_325 = arith.constant 0 : i32
      %dma_wait3A_326 = tpu.memref_slice %arg5[%arg0, %add3A_294, %dma_wait3A_325] : memref<2x10240x64xf32, #tpu.memory_space<hbm>> -> memref<1x128x64xf32, #tpu.memory_space<hbm>>
      %dma_wait3A_327 = tpu.memref_squeeze %dma_wait3A_326 : memref<1x128x64xf32, #tpu.memory_space<hbm>> -> memref<128x64xf32, #tpu.memory_space<hbm>>
      %dma_wait3A_328 = arith.constant 0 : i32
      %dma_wait3A_329 = tpu.memref_slice %arg5[%arg0, %add3A_294, %dma_wait3A_328] : memref<2x10240x64xf32, #tpu.memory_space<hbm>> -> memref<1x128x64xf32, #tpu.memory_space<hbm>>
      %dma_wait3A_330 = tpu.memref_squeeze %dma_wait3A_329 : memref<1x128x64xf32, #tpu.memory_space<hbm>> -> memref<128x64xf32, #tpu.memory_space<hbm>>
      %dma_wait3A_331 = arith.constant 0 : i32
      %dma_wait3A_332 = arith.constant 0 : i32
      %dma_wait3A_333 = tpu.memref_slice %arg8[%dma_wait3A_331, %dma_wait3A_332] : memref<128x64xf32, #tpu.memory_space<vmem>> -> memref<128x64xf32, #tpu.memory_space<vmem>>
      tpu.wait_dma2 semaphore(%run_scoped3A : memref<!tpu.dma_semaphore, #tpu.memory_space<semaphore_mem>>) src(%dma_wait3A_333 : memref<128x64xf32, #tpu.memory_space<vmem>>) dst(%dma_wait3A_330 : memref<128x64xf32, #tpu.memory_space<hbm>>)
      tpu.yield
    }) : () -> ()
    %mul3A_295 = arith.constant 640 : i32
    %mul3A_296 = arith.muli %arg1, %mul3A_295 : i32
    %add3A_297 = arith.constant 128 : i32
    %add3A_298 = arith.addi %mul3A_296, %add3A_297 : i32
    "tpu.region"() ({
      %run_scoped3A = tpu.sem_alloc : memref<!tpu.dma_semaphore, #tpu.memory_space<semaphore_mem>>
      %dma_start3A_311 = arith.constant 0 : i32
      %dma_start3A_312 = arith.constant 0 : i32
      %dma_start3A_313 = tpu.memref_slice %arg8[%dma_start3A_311, %dma_start3A_312] : memref<128x64xf32, #tpu.memory_space<vmem>> -> memref<128x64xf32, #tpu.memory_space<vmem>>
      %dma_start3A_314 = arith.constant 0 : i32
      %dma_start3A_315 = tpu.memref_slice %arg10[%add3A_298, %dma_start3A_314] : memref<10240x64xf32, #tpu.memory_space<vmem_shared>> -> memref<128x64xf32, #tpu.memory_space<vmem_shared>>
      %dma_start3A_316 = arith.constant 0 : i32
      %dma_start3A_317 = arith.constant 0 : i32
      %dma_start3A_318 = tpu.memref_slice %arg8[%dma_start3A_316, %dma_start3A_317] : memref<128x64xf32, #tpu.memory_space<vmem>> -> memref<128x64xf32, #tpu.memory_space<vmem>>
      %dma_start3A_319 = arith.constant 0 : i32
      %dma_start3A_320 = tpu.memref_slice %arg10[%add3A_298, %dma_start3A_319] : memref<10240x64xf32, #tpu.memory_space<vmem_shared>> -> memref<128x64xf32, #tpu.memory_space<vmem_shared>>
      tpu.enqueue_dma source(%dma_start3A_320 : memref<128x64xf32, #tpu.memory_space<vmem_shared>>) target(%dma_start3A_318 : memref<128x64xf32, #tpu.memory_space<vmem>>) target_semaphore(%run_scoped3A : memref<!tpu.dma_semaphore, #tpu.memory_space<semaphore_mem>>)
      %dma_wait3A = arith.constant 0 : i32
      %dma_wait3A_321 = arith.constant 0 : i32
      %dma_wait3A_322 = tpu.memref_slice %arg8[%dma_wait3A, %dma_wait3A_321] : memref<128x64xf32, #tpu.memory_space<vmem>> -> memref<128x64xf32, #tpu.memory_space<vmem>>
      %dma_wait3A_323 = arith.constant 0 : i32
      %dma_wait3A_324 = tpu.memref_slice %arg10[%add3A_298, %dma_wait3A_323] : memref<10240x64xf32, #tpu.memory_space<vmem_shared>> -> memref<128x64xf32, #tpu.memory_space<vmem_shared>>
      %dma_wait3A_325 = arith.constant 0 : i32
      %dma_wait3A_326 = arith.constant 0 : i32
      %dma_wait3A_327 = tpu.memref_slice %arg8[%dma_wait3A_325, %dma_wait3A_326] : memref<128x64xf32, #tpu.memory_space<vmem>> -> memref<128x64xf32, #tpu.memory_space<vmem>>
      %dma_wait3A_328 = arith.constant 0 : i32
      %dma_wait3A_329 = tpu.memref_slice %arg10[%add3A_298, %dma_wait3A_328] : memref<10240x64xf32, #tpu.memory_space<vmem_shared>> -> memref<128x64xf32, #tpu.memory_space<vmem_shared>>
      tpu.wait_dma2 semaphore(%run_scoped3A : memref<!tpu.dma_semaphore, #tpu.memory_space<semaphore_mem>>) src(%dma_wait3A_329 : memref<128x64xf32, #tpu.memory_space<vmem_shared>>) dst(%dma_wait3A_327 : memref<128x64xf32, #tpu.memory_space<vmem>>)
      tpu.yield
    }) : () -> ()
    "tpu.region"() ({
      %run_scoped3A = tpu.sem_alloc : memref<!tpu.dma_semaphore, #tpu.memory_space<semaphore_mem>>
      %dma_start3A_311 = arith.constant 0 : i32
      %dma_start3A_312 = arith.constant 0 : i32
      %dma_start3A_313 = tpu.memref_slice %arg8[%dma_start3A_311, %dma_start3A_312] : memref<128x64xf32, #tpu.memory_space<vmem>> -> memref<128x64xf32, #tpu.memory_space<vmem>>
      %dma_start3A_314 = arith.constant 0 : i32
      %dma_start3A_315 = tpu.memref_slice %arg5[%arg0, %add3A_298, %dma_start3A_314] : memref<2x10240x64xf32, #tpu.memory_space<hbm>> -> memref<1x128x64xf32, #tpu.memory_space<hbm>>
      %dma_start3A_316 = tpu.memref_squeeze %dma_start3A_315 : memref<1x128x64xf32, #tpu.memory_space<hbm>> -> memref<128x64xf32, #tpu.memory_space<hbm>>
      %dma_start3A_317 = arith.constant 0 : i32
      %dma_start3A_318 = tpu.memref_slice %arg5[%arg0, %add3A_298, %dma_start3A_317] : memref<2x10240x64xf32, #tpu.memory_space<hbm>> -> memref<1x128x64xf32, #tpu.memory_space<hbm>>
      %dma_start3A_319 = tpu.memref_squeeze %dma_start3A_318 : memref<1x128x64xf32, #tpu.memory_space<hbm>> -> memref<128x64xf32, #tpu.memory_space<hbm>>
      %dma_start3A_320 = arith.constant 0 : i32
      %dma_start3A_321 = arith.constant 0 : i32
      %dma_start3A_322 = tpu.memref_slice %arg8[%dma_start3A_320, %dma_start3A_321] : memref<128x64xf32, #tpu.memory_space<vmem>> -> memref<128x64xf32, #tpu.memory_space<vmem>>
      tpu.enqueue_dma source(%dma_start3A_322 : memref<128x64xf32, #tpu.memory_space<vmem>>) target(%dma_start3A_319 : memref<128x64xf32, #tpu.memory_space<hbm>>) target_semaphore(%run_scoped3A : memref<!tpu.dma_semaphore, #tpu.memory_space<semaphore_mem>>)
      %dma_wait3A = arith.constant 0 : i32
      %dma_wait3A_323 = arith.constant 0 : i32
      %dma_wait3A_324 = tpu.memref_slice %arg8[%dma_wait3A, %dma_wait3A_323] : memref<128x64xf32, #tpu.memory_space<vmem>> -> memref<128x64xf32, #tpu.memory_space<vmem>>
      %dma_wait3A_325 = arith.constant 0 : i32
      %dma_wait3A_326 = tpu.memref_slice %arg5[%arg0, %add3A_298, %dma_wait3A_325] : memref<2x10240x64xf32, #tpu.memory_space<hbm>> -> memref<1x128x64xf32, #tpu.memory_space<hbm>>
      %dma_wait3A_327 = tpu.memref_squeeze %dma_wait3A_326 : memref<1x128x64xf32, #tpu.memory_space<hbm>> -> memref<128x64xf32, #tpu.memory_space<hbm>>
      %dma_wait3A_328 = arith.constant 0 : i32
      %dma_wait3A_329 = tpu.memref_slice %arg5[%arg0, %add3A_298, %dma_wait3A_328] : memref<2x10240x64xf32, #tpu.memory_space<hbm>> -> memref<1x128x64xf32, #tpu.memory_space<hbm>>
      %dma_wait3A_330 = tpu.memref_squeeze %dma_wait3A_329 : memref<1x128x64xf32, #tpu.memory_space<hbm>> -> memref<128x64xf32, #tpu.memory_space<hbm>>
      %dma_wait3A_331 = arith.constant 0 : i32
      %dma_wait3A_332 = arith.constant 0 : i32
      %dma_wait3A_333 = tpu.memref_slice %arg8[%dma_wait3A_331, %dma_wait3A_332] : memref<128x64xf32, #tpu.memory_space<vmem>> -> memref<128x64xf32, #tpu.memory_space<vmem>>
      tpu.wait_dma2 semaphore(%run_scoped3A : memref<!tpu.dma_semaphore, #tpu.memory_space<semaphore_mem>>) src(%dma_wait3A_333 : memref<128x64xf32, #tpu.memory_space<vmem>>) dst(%dma_wait3A_330 : memref<128x64xf32, #tpu.memory_space<hbm>>)
      tpu.yield
    }) : () -> ()
    %mul3A_299 = arith.constant 640 : i32
    %mul3A_300 = arith.muli %arg1, %mul3A_299 : i32
    %add3A_301 = arith.constant 256 : i32
    %add3A_302 = arith.addi %mul3A_300, %add3A_301 : i32
    "tpu.region"() ({
      %run_scoped3A = tpu.sem_alloc : memref<!tpu.dma_semaphore, #tpu.memory_space<semaphore_mem>>
      %dma_start3A_311 = arith.constant 0 : i32
      %dma_start3A_312 = arith.constant 0 : i32
      %dma_start3A_313 = tpu.memref_slice %arg8[%dma_start3A_311, %dma_start3A_312] : memref<128x64xf32, #tpu.memory_space<vmem>> -> memref<128x64xf32, #tpu.memory_space<vmem>>
      %dma_start3A_314 = arith.constant 0 : i32
      %dma_start3A_315 = tpu.memref_slice %arg10[%add3A_302, %dma_start3A_314] : memref<10240x64xf32, #tpu.memory_space<vmem_shared>> -> memref<128x64xf32, #tpu.memory_space<vmem_shared>>
      %dma_start3A_316 = arith.constant 0 : i32
      %dma_start3A_317 = arith.constant 0 : i32
      %dma_start3A_318 = tpu.memref_slice %arg8[%dma_start3A_316, %dma_start3A_317] : memref<128x64xf32, #tpu.memory_space<vmem>> -> memref<128x64xf32, #tpu.memory_space<vmem>>
      %dma_start3A_319 = arith.constant 0 : i32
      %dma_start3A_320 = tpu.memref_slice %arg10[%add3A_302, %dma_start3A_319] : memref<10240x64xf32, #tpu.memory_space<vmem_shared>> -> memref<128x64xf32, #tpu.memory_space<vmem_shared>>
      tpu.enqueue_dma source(%dma_start3A_320 : memref<128x64xf32, #tpu.memory_space<vmem_shared>>) target(%dma_start3A_318 : memref<128x64xf32, #tpu.memory_space<vmem>>) target_semaphore(%run_scoped3A : memref<!tpu.dma_semaphore, #tpu.memory_space<semaphore_mem>>)
      %dma_wait3A = arith.constant 0 : i32
      %dma_wait3A_321 = arith.constant 0 : i32
      %dma_wait3A_322 = tpu.memref_slice %arg8[%dma_wait3A, %dma_wait3A_321] : memref<128x64xf32, #tpu.memory_space<vmem>> -> memref<128x64xf32, #tpu.memory_space<vmem>>
      %dma_wait3A_323 = arith.constant 0 : i32
      %dma_wait3A_324 = tpu.memref_slice %arg10[%add3A_302, %dma_wait3A_323] : memref<10240x64xf32, #tpu.memory_space<vmem_shared>> -> memref<128x64xf32, #tpu.memory_space<vmem_shared>>
      %dma_wait3A_325 = arith.constant 0 : i32
      %dma_wait3A_326 = arith.constant 0 : i32
      %dma_wait3A_327 = tpu.memref_slice %arg8[%dma_wait3A_325, %dma_wait3A_326] : memref<128x64xf32, #tpu.memory_space<vmem>> -> memref<128x64xf32, #tpu.memory_space<vmem>>
      %dma_wait3A_328 = arith.constant 0 : i32
      %dma_wait3A_329 = tpu.memref_slice %arg10[%add3A_302, %dma_wait3A_328] : memref<10240x64xf32, #tpu.memory_space<vmem_shared>> -> memref<128x64xf32, #tpu.memory_space<vmem_shared>>
      tpu.wait_dma2 semaphore(%run_scoped3A : memref<!tpu.dma_semaphore, #tpu.memory_space<semaphore_mem>>) src(%dma_wait3A_329 : memref<128x64xf32, #tpu.memory_space<vmem_shared>>) dst(%dma_wait3A_327 : memref<128x64xf32, #tpu.memory_space<vmem>>)
      tpu.yield
    }) : () -> ()
    "tpu.region"() ({
      %run_scoped3A = tpu.sem_alloc : memref<!tpu.dma_semaphore, #tpu.memory_space<semaphore_mem>>
      %dma_start3A_311 = arith.constant 0 : i32
      %dma_start3A_312 = arith.constant 0 : i32
      %dma_start3A_313 = tpu.memref_slice %arg8[%dma_start3A_311, %dma_start3A_312] : memref<128x64xf32, #tpu.memory_space<vmem>> -> memref<128x64xf32, #tpu.memory_space<vmem>>
      %dma_start3A_314 = arith.constant 0 : i32
      %dma_start3A_315 = tpu.memref_slice %arg5[%arg0, %add3A_302, %dma_start3A_314] : memref<2x10240x64xf32, #tpu.memory_space<hbm>> -> memref<1x128x64xf32, #tpu.memory_space<hbm>>
      %dma_start3A_316 = tpu.memref_squeeze %dma_start3A_315 : memref<1x128x64xf32, #tpu.memory_space<hbm>> -> memref<128x64xf32, #tpu.memory_space<hbm>>
      %dma_start3A_317 = arith.constant 0 : i32
      %dma_start3A_318 = tpu.memref_slice %arg5[%arg0, %add3A_302, %dma_start3A_317] : memref<2x10240x64xf32, #tpu.memory_space<hbm>> -> memref<1x128x64xf32, #tpu.memory_space<hbm>>
      %dma_start3A_319 = tpu.memref_squeeze %dma_start3A_318 : memref<1x128x64xf32, #tpu.memory_space<hbm>> -> memref<128x64xf32, #tpu.memory_space<hbm>>
      %dma_start3A_320 = arith.constant 0 : i32
      %dma_start3A_321 = arith.constant 0 : i32
      %dma_start3A_322 = tpu.memref_slice %arg8[%dma_start3A_320, %dma_start3A_321] : memref<128x64xf32, #tpu.memory_space<vmem>> -> memref<128x64xf32, #tpu.memory_space<vmem>>
      tpu.enqueue_dma source(%dma_start3A_322 : memref<128x64xf32, #tpu.memory_space<vmem>>) target(%dma_start3A_319 : memref<128x64xf32, #tpu.memory_space<hbm>>) target_semaphore(%run_scoped3A : memref<!tpu.dma_semaphore, #tpu.memory_space<semaphore_mem>>)
      %dma_wait3A = arith.constant 0 : i32
      %dma_wait3A_323 = arith.constant 0 : i32
      %dma_wait3A_324 = tpu.memref_slice %arg8[%dma_wait3A, %dma_wait3A_323] : memref<128x64xf32, #tpu.memory_space<vmem>> -> memref<128x64xf32, #tpu.memory_space<vmem>>
      %dma_wait3A_325 = arith.constant 0 : i32
      %dma_wait3A_326 = tpu.memref_slice %arg5[%arg0, %add3A_302, %dma_wait3A_325] : memref<2x10240x64xf32, #tpu.memory_space<hbm>> -> memref<1x128x64xf32, #tpu.memory_space<hbm>>
      %dma_wait3A_327 = tpu.memref_squeeze %dma_wait3A_326 : memref<1x128x64xf32, #tpu.memory_space<hbm>> -> memref<128x64xf32, #tpu.memory_space<hbm>>
      %dma_wait3A_328 = arith.constant 0 : i32
      %dma_wait3A_329 = tpu.memref_slice %arg5[%arg0, %add3A_302, %dma_wait3A_328] : memref<2x10240x64xf32, #tpu.memory_space<hbm>> -> memref<1x128x64xf32, #tpu.memory_space<hbm>>
      %dma_wait3A_330 = tpu.memref_squeeze %dma_wait3A_329 : memref<1x128x64xf32, #tpu.memory_space<hbm>> -> memref<128x64xf32, #tpu.memory_space<hbm>>
      %dma_wait3A_331 = arith.constant 0 : i32
      %dma_wait3A_332 = arith.constant 0 : i32
      %dma_wait3A_333 = tpu.memref_slice %arg8[%dma_wait3A_331, %dma_wait3A_332] : memref<128x64xf32, #tpu.memory_space<vmem>> -> memref<128x64xf32, #tpu.memory_space<vmem>>
      tpu.wait_dma2 semaphore(%run_scoped3A : memref<!tpu.dma_semaphore, #tpu.memory_space<semaphore_mem>>) src(%dma_wait3A_333 : memref<128x64xf32, #tpu.memory_space<vmem>>) dst(%dma_wait3A_330 : memref<128x64xf32, #tpu.memory_space<hbm>>)
      tpu.yield
    }) : () -> ()
    %mul3A_303 = arith.constant 640 : i32
    %mul3A_304 = arith.muli %arg1, %mul3A_303 : i32
    %add3A_305 = arith.constant 384 : i32
    %add3A_306 = arith.addi %mul3A_304, %add3A_305 : i32
    "tpu.region"() ({
      %run_scoped3A = tpu.sem_alloc : memref<!tpu.dma_semaphore, #tpu.memory_space<semaphore_mem>>
      %dma_start3A_311 = arith.constant 0 : i32
      %dma_start3A_312 = arith.constant 0 : i32
      %dma_start3A_313 = tpu.memref_slice %arg8[%dma_start3A_311, %dma_start3A_312] : memref<128x64xf32, #tpu.memory_space<vmem>> -> memref<128x64xf32, #tpu.memory_space<vmem>>
      %dma_start3A_314 = arith.constant 0 : i32
      %dma_start3A_315 = tpu.memref_slice %arg10[%add3A_306, %dma_start3A_314] : memref<10240x64xf32, #tpu.memory_space<vmem_shared>> -> memref<128x64xf32, #tpu.memory_space<vmem_shared>>
      %dma_start3A_316 = arith.constant 0 : i32
      %dma_start3A_317 = arith.constant 0 : i32
      %dma_start3A_318 = tpu.memref_slice %arg8[%dma_start3A_316, %dma_start3A_317] : memref<128x64xf32, #tpu.memory_space<vmem>> -> memref<128x64xf32, #tpu.memory_space<vmem>>
      %dma_start3A_319 = arith.constant 0 : i32
      %dma_start3A_320 = tpu.memref_slice %arg10[%add3A_306, %dma_start3A_319] : memref<10240x64xf32, #tpu.memory_space<vmem_shared>> -> memref<128x64xf32, #tpu.memory_space<vmem_shared>>
      tpu.enqueue_dma source(%dma_start3A_320 : memref<128x64xf32, #tpu.memory_space<vmem_shared>>) target(%dma_start3A_318 : memref<128x64xf32, #tpu.memory_space<vmem>>) target_semaphore(%run_scoped3A : memref<!tpu.dma_semaphore, #tpu.memory_space<semaphore_mem>>)
      %dma_wait3A = arith.constant 0 : i32
      %dma_wait3A_321 = arith.constant 0 : i32
      %dma_wait3A_322 = tpu.memref_slice %arg8[%dma_wait3A, %dma_wait3A_321] : memref<128x64xf32, #tpu.memory_space<vmem>> -> memref<128x64xf32, #tpu.memory_space<vmem>>
      %dma_wait3A_323 = arith.constant 0 : i32
      %dma_wait3A_324 = tpu.memref_slice %arg10[%add3A_306, %dma_wait3A_323] : memref<10240x64xf32, #tpu.memory_space<vmem_shared>> -> memref<128x64xf32, #tpu.memory_space<vmem_shared>>
      %dma_wait3A_325 = arith.constant 0 : i32
      %dma_wait3A_326 = arith.constant 0 : i32
      %dma_wait3A_327 = tpu.memref_slice %arg8[%dma_wait3A_325, %dma_wait3A_326] : memref<128x64xf32, #tpu.memory_space<vmem>> -> memref<128x64xf32, #tpu.memory_space<vmem>>
      %dma_wait3A_328 = arith.constant 0 : i32
      %dma_wait3A_329 = tpu.memref_slice %arg10[%add3A_306, %dma_wait3A_328] : memref<10240x64xf32, #tpu.memory_space<vmem_shared>> -> memref<128x64xf32, #tpu.memory_space<vmem_shared>>
      tpu.wait_dma2 semaphore(%run_scoped3A : memref<!tpu.dma_semaphore, #tpu.memory_space<semaphore_mem>>) src(%dma_wait3A_329 : memref<128x64xf32, #tpu.memory_space<vmem_shared>>) dst(%dma_wait3A_327 : memref<128x64xf32, #tpu.memory_space<vmem>>)
      tpu.yield
    }) : () -> ()
    "tpu.region"() ({
      %run_scoped3A = tpu.sem_alloc : memref<!tpu.dma_semaphore, #tpu.memory_space<semaphore_mem>>
      %dma_start3A_311 = arith.constant 0 : i32
      %dma_start3A_312 = arith.constant 0 : i32
      %dma_start3A_313 = tpu.memref_slice %arg8[%dma_start3A_311, %dma_start3A_312] : memref<128x64xf32, #tpu.memory_space<vmem>> -> memref<128x64xf32, #tpu.memory_space<vmem>>
      %dma_start3A_314 = arith.constant 0 : i32
      %dma_start3A_315 = tpu.memref_slice %arg5[%arg0, %add3A_306, %dma_start3A_314] : memref<2x10240x64xf32, #tpu.memory_space<hbm>> -> memref<1x128x64xf32, #tpu.memory_space<hbm>>
      %dma_start3A_316 = tpu.memref_squeeze %dma_start3A_315 : memref<1x128x64xf32, #tpu.memory_space<hbm>> -> memref<128x64xf32, #tpu.memory_space<hbm>>
      %dma_start3A_317 = arith.constant 0 : i32
      %dma_start3A_318 = tpu.memref_slice %arg5[%arg0, %add3A_306, %dma_start3A_317] : memref<2x10240x64xf32, #tpu.memory_space<hbm>> -> memref<1x128x64xf32, #tpu.memory_space<hbm>>
      %dma_start3A_319 = tpu.memref_squeeze %dma_start3A_318 : memref<1x128x64xf32, #tpu.memory_space<hbm>> -> memref<128x64xf32, #tpu.memory_space<hbm>>
      %dma_start3A_320 = arith.constant 0 : i32
      %dma_start3A_321 = arith.constant 0 : i32
      %dma_start3A_322 = tpu.memref_slice %arg8[%dma_start3A_320, %dma_start3A_321] : memref<128x64xf32, #tpu.memory_space<vmem>> -> memref<128x64xf32, #tpu.memory_space<vmem>>
      tpu.enqueue_dma source(%dma_start3A_322 : memref<128x64xf32, #tpu.memory_space<vmem>>) target(%dma_start3A_319 : memref<128x64xf32, #tpu.memory_space<hbm>>) target_semaphore(%run_scoped3A : memref<!tpu.dma_semaphore, #tpu.memory_space<semaphore_mem>>)
      %dma_wait3A = arith.constant 0 : i32
      %dma_wait3A_323 = arith.constant 0 : i32
      %dma_wait3A_324 = tpu.memref_slice %arg8[%dma_wait3A, %dma_wait3A_323] : memref<128x64xf32, #tpu.memory_space<vmem>> -> memref<128x64xf32, #tpu.memory_space<vmem>>
      %dma_wait3A_325 = arith.constant 0 : i32
      %dma_wait3A_326 = tpu.memref_slice %arg5[%arg0, %add3A_306, %dma_wait3A_325] : memref<2x10240x64xf32, #tpu.memory_space<hbm>> -> memref<1x128x64xf32, #tpu.memory_space<hbm>>
      %dma_wait3A_327 = tpu.memref_squeeze %dma_wait3A_326 : memref<1x128x64xf32, #tpu.memory_space<hbm>> -> memref<128x64xf32, #tpu.memory_space<hbm>>
      %dma_wait3A_328 = arith.constant 0 : i32
      %dma_wait3A_329 = tpu.memref_slice %arg5[%arg0, %add3A_306, %dma_wait3A_328] : memref<2x10240x64xf32, #tpu.memory_space<hbm>> -> memref<1x128x64xf32, #tpu.memory_space<hbm>>
      %dma_wait3A_330 = tpu.memref_squeeze %dma_wait3A_329 : memref<1x128x64xf32, #tpu.memory_space<hbm>> -> memref<128x64xf32, #tpu.memory_space<hbm>>
      %dma_wait3A_331 = arith.constant 0 : i32
      %dma_wait3A_332 = arith.constant 0 : i32
      %dma_wait3A_333 = tpu.memref_slice %arg8[%dma_wait3A_331, %dma_wait3A_332] : memref<128x64xf32, #tpu.memory_space<vmem>> -> memref<128x64xf32, #tpu.memory_space<vmem>>
      tpu.wait_dma2 semaphore(%run_scoped3A : memref<!tpu.dma_semaphore, #tpu.memory_space<semaphore_mem>>) src(%dma_wait3A_333 : memref<128x64xf32, #tpu.memory_space<vmem>>) dst(%dma_wait3A_330 : memref<128x64xf32, #tpu.memory_space<hbm>>)
      tpu.yield
    }) : () -> ()
    %mul3A_307 = arith.constant 640 : i32
    %mul3A_308 = arith.muli %arg1, %mul3A_307 : i32
    %add3A_309 = arith.constant 512 : i32
    %add3A_310 = arith.addi %mul3A_308, %add3A_309 : i32
    "tpu.region"() ({
      %run_scoped3A = tpu.sem_alloc : memref<!tpu.dma_semaphore, #tpu.memory_space<semaphore_mem>>
      %dma_start3A_311 = arith.constant 0 : i32
      %dma_start3A_312 = arith.constant 0 : i32
      %dma_start3A_313 = tpu.memref_slice %arg8[%dma_start3A_311, %dma_start3A_312] : memref<128x64xf32, #tpu.memory_space<vmem>> -> memref<128x64xf32, #tpu.memory_space<vmem>>
      %dma_start3A_314 = arith.constant 0 : i32
      %dma_start3A_315 = tpu.memref_slice %arg10[%add3A_310, %dma_start3A_314] : memref<10240x64xf32, #tpu.memory_space<vmem_shared>> -> memref<128x64xf32, #tpu.memory_space<vmem_shared>>
      %dma_start3A_316 = arith.constant 0 : i32
      %dma_start3A_317 = arith.constant 0 : i32
      %dma_start3A_318 = tpu.memref_slice %arg8[%dma_start3A_316, %dma_start3A_317] : memref<128x64xf32, #tpu.memory_space<vmem>> -> memref<128x64xf32, #tpu.memory_space<vmem>>
      %dma_start3A_319 = arith.constant 0 : i32
      %dma_start3A_320 = tpu.memref_slice %arg10[%add3A_310, %dma_start3A_319] : memref<10240x64xf32, #tpu.memory_space<vmem_shared>> -> memref<128x64xf32, #tpu.memory_space<vmem_shared>>
      tpu.enqueue_dma source(%dma_start3A_320 : memref<128x64xf32, #tpu.memory_space<vmem_shared>>) target(%dma_start3A_318 : memref<128x64xf32, #tpu.memory_space<vmem>>) target_semaphore(%run_scoped3A : memref<!tpu.dma_semaphore, #tpu.memory_space<semaphore_mem>>)
      %dma_wait3A = arith.constant 0 : i32
      %dma_wait3A_321 = arith.constant 0 : i32
      %dma_wait3A_322 = tpu.memref_slice %arg8[%dma_wait3A, %dma_wait3A_321] : memref<128x64xf32, #tpu.memory_space<vmem>> -> memref<128x64xf32, #tpu.memory_space<vmem>>
      %dma_wait3A_323 = arith.constant 0 : i32
      %dma_wait3A_324 = tpu.memref_slice %arg10[%add3A_310, %dma_wait3A_323] : memref<10240x64xf32, #tpu.memory_space<vmem_shared>> -> memref<128x64xf32, #tpu.memory_space<vmem_shared>>
      %dma_wait3A_325 = arith.constant 0 : i32
      %dma_wait3A_326 = arith.constant 0 : i32
      %dma_wait3A_327 = tpu.memref_slice %arg8[%dma_wait3A_325, %dma_wait3A_326] : memref<128x64xf32, #tpu.memory_space<vmem>> -> memref<128x64xf32, #tpu.memory_space<vmem>>
      %dma_wait3A_328 = arith.constant 0 : i32
      %dma_wait3A_329 = tpu.memref_slice %arg10[%add3A_310, %dma_wait3A_328] : memref<10240x64xf32, #tpu.memory_space<vmem_shared>> -> memref<128x64xf32, #tpu.memory_space<vmem_shared>>
      tpu.wait_dma2 semaphore(%run_scoped3A : memref<!tpu.dma_semaphore, #tpu.memory_space<semaphore_mem>>) src(%dma_wait3A_329 : memref<128x64xf32, #tpu.memory_space<vmem_shared>>) dst(%dma_wait3A_327 : memref<128x64xf32, #tpu.memory_space<vmem>>)
      tpu.yield
    }) : () -> ()
    "tpu.region"() ({
      %run_scoped3A = tpu.sem_alloc : memref<!tpu.dma_semaphore, #tpu.memory_space<semaphore_mem>>
      %dma_start3A_311 = arith.constant 0 : i32
      %dma_start3A_312 = arith.constant 0 : i32
      %dma_start3A_313 = tpu.memref_slice %arg8[%dma_start3A_311, %dma_start3A_312] : memref<128x64xf32, #tpu.memory_space<vmem>> -> memref<128x64xf32, #tpu.memory_space<vmem>>
      %dma_start3A_314 = arith.constant 0 : i32
      %dma_start3A_315 = tpu.memref_slice %arg5[%arg0, %add3A_310, %dma_start3A_314] : memref<2x10240x64xf32, #tpu.memory_space<hbm>> -> memref<1x128x64xf32, #tpu.memory_space<hbm>>
      %dma_start3A_316 = tpu.memref_squeeze %dma_start3A_315 : memref<1x128x64xf32, #tpu.memory_space<hbm>> -> memref<128x64xf32, #tpu.memory_space<hbm>>
      %dma_start3A_317 = arith.constant 0 : i32
      %dma_start3A_318 = tpu.memref_slice %arg5[%arg0, %add3A_310, %dma_start3A_317] : memref<2x10240x64xf32, #tpu.memory_space<hbm>> -> memref<1x128x64xf32, #tpu.memory_space<hbm>>
      %dma_start3A_319 = tpu.memref_squeeze %dma_start3A_318 : memref<1x128x64xf32, #tpu.memory_space<hbm>> -> memref<128x64xf32, #tpu.memory_space<hbm>>
      %dma_start3A_320 = arith.constant 0 : i32
      %dma_start3A_321 = arith.constant 0 : i32
      %dma_start3A_322 = tpu.memref_slice %arg8[%dma_start3A_320, %dma_start3A_321] : memref<128x64xf32, #tpu.memory_space<vmem>> -> memref<128x64xf32, #tpu.memory_space<vmem>>
      tpu.enqueue_dma source(%dma_start3A_322 : memref<128x64xf32, #tpu.memory_space<vmem>>) target(%dma_start3A_319 : memref<128x64xf32, #tpu.memory_space<hbm>>) target_semaphore(%run_scoped3A : memref<!tpu.dma_semaphore, #tpu.memory_space<semaphore_mem>>)
      %dma_wait3A = arith.constant 0 : i32
      %dma_wait3A_323 = arith.constant 0 : i32
      %dma_wait3A_324 = tpu.memref_slice %arg8[%dma_wait3A, %dma_wait3A_323] : memref<128x64xf32, #tpu.memory_space<vmem>> -> memref<128x64xf32, #tpu.memory_space<vmem>>
      %dma_wait3A_325 = arith.constant 0 : i32
      %dma_wait3A_326 = tpu.memref_slice %arg5[%arg0, %add3A_310, %dma_wait3A_325] : memref<2x10240x64xf32, #tpu.memory_space<hbm>> -> memref<1x128x64xf32, #tpu.memory_space<hbm>>
      %dma_wait3A_327 = tpu.memref_squeeze %dma_wait3A_326 : memref<1x128x64xf32, #tpu.memory_space<hbm>> -> memref<128x64xf32, #tpu.memory_space<hbm>>
      %dma_wait3A_328 = arith.constant 0 : i32
      %dma_wait3A_329 = tpu.memref_slice %arg5[%arg0, %add3A_310, %dma_wait3A_328] : memref<2x10240x64xf32, #tpu.memory_space<hbm>> -> memref<1x128x64xf32, #tpu.memory_space<hbm>>
      %dma_wait3A_330 = tpu.memref_squeeze %dma_wait3A_329 : memref<1x128x64xf32, #tpu.memory_space<hbm>> -> memref<128x64xf32, #tpu.memory_space<hbm>>
      %dma_wait3A_331 = arith.constant 0 : i32
      %dma_wait3A_332 = arith.constant 0 : i32
      %dma_wait3A_333 = tpu.memref_slice %arg8[%dma_wait3A_331, %dma_wait3A_332] : memref<128x64xf32, #tpu.memory_space<vmem>> -> memref<128x64xf32, #tpu.memory_space<vmem>>
      tpu.wait_dma2 semaphore(%run_scoped3A : memref<!tpu.dma_semaphore, #tpu.memory_space<semaphore_mem>>) src(%dma_wait3A_333 : memref<128x64xf32, #tpu.memory_space<vmem>>) dst(%dma_wait3A_330 : memref<128x64xf32, #tpu.memory_space<hbm>>)
      tpu.yield
    }) : () -> ()
    return
  }
}

module attributes {stable_mosaic.version = 14 : i64} {
  func.func @_proj_body(%arg0: i32, %arg1: memref<1000x128xf32, #tpu.memory_space<vmem>>, %arg2: memref<8x128x128xf32, #tpu.memory_space<vmem>>, %arg3: memref<128x128xf32, #tpu.memory_space<vmem>>, %arg4: memref<1x128xf32, #tpu.memory_space<vmem>>, %arg5: memref<8x1000x128xf32, #tpu.memory_space<vmem>>, %arg6: memref<1000x128xf32, #tpu.memory_space<vmem>>) attributes {dimension_semantics = [#tpu.dimension_semantics<arbitrary>], iteration_bounds = array<i64: 10>, scalar_prefetch = 0 : i64, scratch_operands = 0 : i64, tpu.core_type = #tpu.core_type<tc>, window_params = [{transform_indices = @transform_0, window_bounds = array<i64: 1000, 128>}, {pipeline_mode = #tpu.pipeline_mode<synchronous>, transform_indices = @transform_1, window_bounds = array<i64: 8, 128, 128>}, {pipeline_mode = #tpu.pipeline_mode<synchronous>, transform_indices = @transform_2, window_bounds = array<i64: 128, 128>}, {pipeline_mode = #tpu.pipeline_mode<synchronous>, transform_indices = @transform_3, window_bounds = array<i64: 1, 128>}, {transform_indices = @transform_4, window_bounds = array<i64: 8, 1000, 128>}, {transform_indices = @transform_5, window_bounds = array<i64: 1000, 128>}]} {
    %get3A = arith.constant 0 : index
    %get3A_0 = arith.constant 0 : index
    %get3A_1 = vector.load %arg1[%get3A, %get3A_0] : memref<1000x128xf32, #tpu.memory_space<vmem>>, vector<1000x128xf32>
    %get3A_2 = arith.constant 0 : index
    %get3A_3 = arith.constant 0 : index
    %get3A_4 = arith.constant 0 : index
    %get3A_5 = vector.load %arg2[%get3A_2, %get3A_3, %get3A_4] : memref<8x128x128xf32, #tpu.memory_space<vmem>>, vector<1x128x128xf32>
    %get3A_6 = vector.shape_cast %get3A_5 : vector<1x128x128xf32> to vector<128x128xf32>
    %dot_general3A = arith.constant dense<0.000000e+00> : vector<1000x128xf32>
    %dot_general3A_7 = tpu.matmul %get3A_1, %get3A_6, %dot_general3A {dimension_numbers = #tpu.dot_dimension_numbers<[1], [0], [0], [1], [0, 0, 1, 1], [], []>, transpose_lhs_hint = false} : vector<1000x128xf32>, vector<128x128xf32>, vector<1000x128xf32> -> vector<1000x128xf32>
    %swap3A = arith.constant 0 : index
    %swap3A_8 = arith.constant 0 : index
    %swap3A_9 = arith.constant 0 : index
    %swap3A_10 = vector.load %arg5[%swap3A, %swap3A_8, %swap3A_9] : memref<8x1000x128xf32, #tpu.memory_space<vmem>>, vector<1x1000x128xf32>
    %swap3A_11 = vector.shape_cast %swap3A_10 : vector<1x1000x128xf32> to vector<1000x128xf32>
    %swap3A_12 = vector.shape_cast %dot_general3A_7 : vector<1000x128xf32> to vector<1x1000x128xf32>
    tpu.vector_store %arg5[%swap3A, %swap3A_8, %swap3A_9], %swap3A_12 {strides = array<i32>} : memref<8x1000x128xf32, #tpu.memory_space<vmem>>, vector<1x1000x128xf32>,
    %get3A_13 = arith.constant 1 : index
    %get3A_14 = arith.constant 0 : index
    %get3A_15 = arith.constant 0 : index
    %get3A_16 = vector.load %arg2[%get3A_13, %get3A_14, %get3A_15] : memref<8x128x128xf32, #tpu.memory_space<vmem>>, vector<1x128x128xf32>
    %get3A_17 = vector.shape_cast %get3A_16 : vector<1x128x128xf32> to vector<128x128xf32>
    %dot_general3A_18 = arith.constant dense<0.000000e+00> : vector<1000x128xf32>
    %dot_general3A_19 = tpu.matmul %get3A_1, %get3A_17, %dot_general3A_18 {dimension_numbers = #tpu.dot_dimension_numbers<[1], [0], [0], [1], [0, 0, 1, 1], [], []>, transpose_lhs_hint = false} : vector<1000x128xf32>, vector<128x128xf32>, vector<1000x128xf32> -> vector<1000x128xf32>
    %swap3A_20 = arith.constant 1 : index
    %swap3A_21 = arith.constant 0 : index
    %swap3A_22 = arith.constant 0 : index
    %swap3A_23 = vector.load %arg5[%swap3A_20, %swap3A_21, %swap3A_22] : memref<8x1000x128xf32, #tpu.memory_space<vmem>>, vector<1x1000x128xf32>
    %swap3A_24 = vector.shape_cast %swap3A_23 : vector<1x1000x128xf32> to vector<1000x128xf32>
    %swap3A_25 = vector.shape_cast %dot_general3A_19 : vector<1000x128xf32> to vector<1x1000x128xf32>
    tpu.vector_store %arg5[%swap3A_20, %swap3A_21, %swap3A_22], %swap3A_25 {strides = array<i32>} : memref<8x1000x128xf32, #tpu.memory_space<vmem>>, vector<1x1000x128xf32>,
    %get3A_26 = arith.constant 2 : index
    %get3A_27 = arith.constant 0 : index
    %get3A_28 = arith.constant 0 : index
    %get3A_29 = vector.load %arg2[%get3A_26, %get3A_27, %get3A_28] : memref<8x128x128xf32, #tpu.memory_space<vmem>>, vector<1x128x128xf32>
    %get3A_30 = vector.shape_cast %get3A_29 : vector<1x128x128xf32> to vector<128x128xf32>
    %dot_general3A_31 = arith.constant dense<0.000000e+00> : vector<1000x128xf32>
    %dot_general3A_32 = tpu.matmul %get3A_1, %get3A_30, %dot_general3A_31 {dimension_numbers = #tpu.dot_dimension_numbers<[1], [0], [0], [1], [0, 0, 1, 1], [], []>, transpose_lhs_hint = false} : vector<1000x128xf32>, vector<128x128xf32>, vector<1000x128xf32> -> vector<1000x128xf32>
    %swap3A_33 = arith.constant 2 : index
    %swap3A_34 = arith.constant 0 : index
    %swap3A_35 = arith.constant 0 : index
    %swap3A_36 = vector.load %arg5[%swap3A_33, %swap3A_34, %swap3A_35] : memref<8x1000x128xf32, #tpu.memory_space<vmem>>, vector<1x1000x128xf32>
    %swap3A_37 = vector.shape_cast %swap3A_36 : vector<1x1000x128xf32> to vector<1000x128xf32>
    %swap3A_38 = vector.shape_cast %dot_general3A_32 : vector<1000x128xf32> to vector<1x1000x128xf32>
    tpu.vector_store %arg5[%swap3A_33, %swap3A_34, %swap3A_35], %swap3A_38 {strides = array<i32>} : memref<8x1000x128xf32, #tpu.memory_space<vmem>>, vector<1x1000x128xf32>,
    %get3A_39 = arith.constant 3 : index
    %get3A_40 = arith.constant 0 : index
    %get3A_41 = arith.constant 0 : index
    %get3A_42 = vector.load %arg2[%get3A_39, %get3A_40, %get3A_41] : memref<8x128x128xf32, #tpu.memory_space<vmem>>, vector<1x128x128xf32>
    %get3A_43 = vector.shape_cast %get3A_42 : vector<1x128x128xf32> to vector<128x128xf32>
    %dot_general3A_44 = arith.constant dense<0.000000e+00> : vector<1000x128xf32>
    %dot_general3A_45 = tpu.matmul %get3A_1, %get3A_43, %dot_general3A_44 {dimension_numbers = #tpu.dot_dimension_numbers<[1], [0], [0], [1], [0, 0, 1, 1], [], []>, transpose_lhs_hint = false} : vector<1000x128xf32>, vector<128x128xf32>, vector<1000x128xf32> -> vector<1000x128xf32>
    %swap3A_46 = arith.constant 3 : index
    %swap3A_47 = arith.constant 0 : index
    %swap3A_48 = arith.constant 0 : index
    %swap3A_49 = vector.load %arg5[%swap3A_46, %swap3A_47, %swap3A_48] : memref<8x1000x128xf32, #tpu.memory_space<vmem>>, vector<1x1000x128xf32>
    %swap3A_50 = vector.shape_cast %swap3A_49 : vector<1x1000x128xf32> to vector<1000x128xf32>
    %swap3A_51 = vector.shape_cast %dot_general3A_45 : vector<1000x128xf32> to vector<1x1000x128xf32>
    tpu.vector_store %arg5[%swap3A_46, %swap3A_47, %swap3A_48], %swap3A_51 {strides = array<i32>} : memref<8x1000x128xf32, #tpu.memory_space<vmem>>, vector<1x1000x128xf32>,
    %get3A_52 = arith.constant 4 : index
    %get3A_53 = arith.constant 0 : index
    %get3A_54 = arith.constant 0 : index
    %get3A_55 = vector.load %arg2[%get3A_52, %get3A_53, %get3A_54] : memref<8x128x128xf32, #tpu.memory_space<vmem>>, vector<1x128x128xf32>
    %get3A_56 = vector.shape_cast %get3A_55 : vector<1x128x128xf32> to vector<128x128xf32>
    %dot_general3A_57 = arith.constant dense<0.000000e+00> : vector<1000x128xf32>
    %dot_general3A_58 = tpu.matmul %get3A_1, %get3A_56, %dot_general3A_57 {dimension_numbers = #tpu.dot_dimension_numbers<[1], [0], [0], [1], [0, 0, 1, 1], [], []>, transpose_lhs_hint = false} : vector<1000x128xf32>, vector<128x128xf32>, vector<1000x128xf32> -> vector<1000x128xf32>
    %swap3A_59 = arith.constant 4 : index
    %swap3A_60 = arith.constant 0 : index
    %swap3A_61 = arith.constant 0 : index
    %swap3A_62 = vector.load %arg5[%swap3A_59, %swap3A_60, %swap3A_61] : memref<8x1000x128xf32, #tpu.memory_space<vmem>>, vector<1x1000x128xf32>
    %swap3A_63 = vector.shape_cast %swap3A_62 : vector<1x1000x128xf32> to vector<1000x128xf32>
    %swap3A_64 = vector.shape_cast %dot_general3A_58 : vector<1000x128xf32> to vector<1x1000x128xf32>
    tpu.vector_store %arg5[%swap3A_59, %swap3A_60, %swap3A_61], %swap3A_64 {strides = array<i32>} : memref<8x1000x128xf32, #tpu.memory_space<vmem>>, vector<1x1000x128xf32>,
    %get3A_65 = arith.constant 5 : index
    %get3A_66 = arith.constant 0 : index
    %get3A_67 = arith.constant 0 : index
    %get3A_68 = vector.load %arg2[%get3A_65, %get3A_66, %get3A_67] : memref<8x128x128xf32, #tpu.memory_space<vmem>>, vector<1x128x128xf32>
    %get3A_69 = vector.shape_cast %get3A_68 : vector<1x128x128xf32> to vector<128x128xf32>
    %dot_general3A_70 = arith.constant dense<0.000000e+00> : vector<1000x128xf32>
    %dot_general3A_71 = tpu.matmul %get3A_1, %get3A_69, %dot_general3A_70 {dimension_numbers = #tpu.dot_dimension_numbers<[1], [0], [0], [1], [0, 0, 1, 1], [], []>, transpose_lhs_hint = false} : vector<1000x128xf32>, vector<128x128xf32>, vector<1000x128xf32> -> vector<1000x128xf32>
    %swap3A_72 = arith.constant 5 : index
    %swap3A_73 = arith.constant 0 : index
    %swap3A_74 = arith.constant 0 : index
    %swap3A_75 = vector.load %arg5[%swap3A_72, %swap3A_73, %swap3A_74] : memref<8x1000x128xf32, #tpu.memory_space<vmem>>, vector<1x1000x128xf32>
    %swap3A_76 = vector.shape_cast %swap3A_75 : vector<1x1000x128xf32> to vector<1000x128xf32>
    %swap3A_77 = vector.shape_cast %dot_general3A_71 : vector<1000x128xf32> to vector<1x1000x128xf32>
    tpu.vector_store %arg5[%swap3A_72, %swap3A_73, %swap3A_74], %swap3A_77 {strides = array<i32>} : memref<8x1000x128xf32, #tpu.memory_space<vmem>>, vector<1x1000x128xf32>,
    %get3A_78 = arith.constant 6 : index
    %get3A_79 = arith.constant 0 : index
    %get3A_80 = arith.constant 0 : index
    %get3A_81 = vector.load %arg2[%get3A_78, %get3A_79, %get3A_80] : memref<8x128x128xf32, #tpu.memory_space<vmem>>, vector<1x128x128xf32>
    %get3A_82 = vector.shape_cast %get3A_81 : vector<1x128x128xf32> to vector<128x128xf32>
    %dot_general3A_83 = arith.constant dense<0.000000e+00> : vector<1000x128xf32>
    %dot_general3A_84 = tpu.matmul %get3A_1, %get3A_82, %dot_general3A_83 {dimension_numbers = #tpu.dot_dimension_numbers<[1], [0], [0], [1], [0, 0, 1, 1], [], []>, transpose_lhs_hint = false} : vector<1000x128xf32>, vector<128x128xf32>, vector<1000x128xf32> -> vector<1000x128xf32>
    %swap3A_85 = arith.constant 6 : index
    %swap3A_86 = arith.constant 0 : index
    %swap3A_87 = arith.constant 0 : index
    %swap3A_88 = vector.load %arg5[%swap3A_85, %swap3A_86, %swap3A_87] : memref<8x1000x128xf32, #tpu.memory_space<vmem>>, vector<1x1000x128xf32>
    %swap3A_89 = vector.shape_cast %swap3A_88 : vector<1x1000x128xf32> to vector<1000x128xf32>
    %swap3A_90 = vector.shape_cast %dot_general3A_84 : vector<1000x128xf32> to vector<1x1000x128xf32>
    tpu.vector_store %arg5[%swap3A_85, %swap3A_86, %swap3A_87], %swap3A_90 {strides = array<i32>} : memref<8x1000x128xf32, #tpu.memory_space<vmem>>, vector<1x1000x128xf32>,
    %get3A_91 = arith.constant 7 : index
    %get3A_92 = arith.constant 0 : index
    %get3A_93 = arith.constant 0 : index
    %get3A_94 = vector.load %arg2[%get3A_91, %get3A_92, %get3A_93] : memref<8x128x128xf32, #tpu.memory_space<vmem>>, vector<1x128x128xf32>
    %get3A_95 = vector.shape_cast %get3A_94 : vector<1x128x128xf32> to vector<128x128xf32>
    %dot_general3A_96 = arith.constant dense<0.000000e+00> : vector<1000x128xf32>
    %dot_general3A_97 = tpu.matmul %get3A_1, %get3A_95, %dot_general3A_96 {dimension_numbers = #tpu.dot_dimension_numbers<[1], [0], [0], [1], [0, 0, 1, 1], [], []>, transpose_lhs_hint = false} : vector<1000x128xf32>, vector<128x128xf32>, vector<1000x128xf32> -> vector<1000x128xf32>
    %swap3A_98 = arith.constant 7 : index
    %swap3A_99 = arith.constant 0 : index
    %swap3A_100 = arith.constant 0 : index
    %swap3A_101 = vector.load %arg5[%swap3A_98, %swap3A_99, %swap3A_100] : memref<8x1000x128xf32, #tpu.memory_space<vmem>>, vector<1x1000x128xf32>
    %swap3A_102 = vector.shape_cast %swap3A_101 : vector<1x1000x128xf32> to vector<1000x128xf32>
    %swap3A_103 = vector.shape_cast %dot_general3A_97 : vector<1000x128xf32> to vector<1x1000x128xf32>
    tpu.vector_store %arg5[%swap3A_98, %swap3A_99, %swap3A_100], %swap3A_103 {strides = array<i32>} : memref<8x1000x128xf32, #tpu.memory_space<vmem>>, vector<1x1000x128xf32>,
    %get3A_104 = arith.constant 0 : index
    %get3A_105 = arith.constant 0 : index
    %get3A_106 = vector.load %arg3[%get3A_104, %get3A_105] : memref<128x128xf32, #tpu.memory_space<vmem>>, vector<128x128xf32>
    %dot_general3A_107 = arith.constant dense<0.000000e+00> : vector<1000x128xf32>
    %dot_general3A_108 = tpu.matmul %get3A_1, %get3A_106, %dot_general3A_107 {dimension_numbers = #tpu.dot_dimension_numbers<[1], [0], [0], [1], [0, 0, 1, 1], [], []>, transpose_lhs_hint = false} : vector<1000x128xf32>, vector<128x128xf32>, vector<1000x128xf32> -> vector<1000x128xf32>
    %get3A_109 = arith.constant 0 : index
    %get3A_110 = arith.constant 0 : index
    %get3A_111 = vector.load %arg4[%get3A_109, %get3A_110] : memref<1x128xf32, #tpu.memory_space<vmem>>, vector<1x128xf32>
    %add3A = vector.broadcast %get3A_111 : vector<1x128xf32> to vector<1000x128xf32>
    %add3A_112 = arith.addf %dot_general3A_108, %add3A : vector<1000x128xf32>
    %swap3A_113 = arith.constant 0 : index
    %swap3A_114 = arith.constant 0 : index
    %swap3A_115 = vector.load %arg6[%swap3A_113, %swap3A_114] : memref<1000x128xf32, #tpu.memory_space<vmem>>, vector<1000x128xf32>
    tpu.vector_store %arg6[%swap3A_113, %swap3A_114], %add3A_112 {strides = array<i32>} : memref<1000x128xf32, #tpu.memory_space<vmem>>, vector<1000x128xf32>,
    return
  }
  func.func @transform_0(%arg0: i32) -> (i32, i32) {
    %c0_i32 = arith.constant 0 : i32
    %c0_i32_0 = arith.constant 0 : i32
    return %arg0, %c0_i32 : i32, i32
  }
  func.func @transform_1(%arg0: i32) -> (i32, i32, i32) {
    %c0_i32 = arith.constant 0 : i32
    %c0_i32_0 = arith.constant 0 : i32
    %c0_i32_1 = arith.constant 0 : i32
    %c0_i32_2 = arith.constant 0 : i32
    return %c0_i32, %c0_i32_0, %c0_i32_1 : i32, i32, i32
  }
  func.func @transform_2(%arg0: i32) -> (i32, i32) {
    %c0_i32 = arith.constant 0 : i32
    %c0_i32_0 = arith.constant 0 : i32
    %c0_i32_1 = arith.constant 0 : i32
    return %c0_i32, %c0_i32_0 : i32, i32
  }
  func.func @transform_3(%arg0: i32) -> (i32, i32) {
    %c0_i32 = arith.constant 0 : i32
    %c0_i32_0 = arith.constant 0 : i32
    %c0_i32_1 = arith.constant 0 : i32
    return %c0_i32, %c0_i32_0 : i32, i32
  }
  func.func @transform_4(%arg0: i32) -> (i32, i32, i32) {
    %c0_i32 = arith.constant 0 : i32
    %c0_i32_0 = arith.constant 0 : i32
    %c0_i32_1 = arith.constant 0 : i32
    return %c0_i32, %arg0, %c0_i32_0 : i32, i32, i32
  }
  func.func @transform_5(%arg0: i32) -> (i32, i32) {
    %c0_i32 = arith.constant 0 : i32
    %c0_i32_0 = arith.constant 0 : i32
    return %arg0, %c0_i32 : i32, i32
  }
}

module attributes {stable_mosaic.version = 14 : i64} {
  func.func @_combine_proj_body(%arg0: i32, %arg1: memref<2x1000x64xf32, #tpu.memory_space<vmem>>, %arg2: memref<1000x128xf32, #tpu.memory_space<vmem>>, %arg3: memref<8x128x128xf32, #tpu.memory_space<vmem>>, %arg4: memref<128x128xf32, #tpu.memory_space<vmem>>, %arg5: memref<1x128xf32, #tpu.memory_space<vmem>>, %arg6: memref<8x1000x128xf32, #tpu.memory_space<vmem>>, %arg7: memref<1000x128xf32, #tpu.memory_space<vmem>>) attributes {dimension_semantics = [#tpu.dimension_semantics<arbitrary>], iteration_bounds = array<i64: 10>, scalar_prefetch = 0 : i64, scratch_operands = 0 : i64, tpu.core_type = #tpu.core_type<tc>, window_params = [{transform_indices = @transform_0, window_bounds = array<i64: 2, 1000, 64>}, {transform_indices = @transform_1, window_bounds = array<i64: 1000, 128>}, {pipeline_mode = #tpu.pipeline_mode<synchronous>, transform_indices = @transform_2, window_bounds = array<i64: 8, 128, 128>}, {pipeline_mode = #tpu.pipeline_mode<synchronous>, transform_indices = @transform_3, window_bounds = array<i64: 128, 128>}, {pipeline_mode = #tpu.pipeline_mode<synchronous>, transform_indices = @transform_4, window_bounds = array<i64: 1, 128>}, {transform_indices = @transform_5, window_bounds = array<i64: 8, 1000, 128>}, {transform_indices = @transform_6, window_bounds = array<i64: 1000, 128>}]} {
    %get3A = arith.constant 0 : index
    %get3A_0 = arith.constant 0 : index
    %get3A_1 = arith.constant 0 : index
    %get3A_2 = vector.load %arg1[%get3A, %get3A_0, %get3A_1] : memref<2x1000x64xf32, #tpu.memory_space<vmem>>, vector<1x1000x64xf32>
    %get3A_3 = vector.shape_cast %get3A_2 : vector<1x1000x64xf32> to vector<1000x64xf32>
    %get3A_4 = arith.constant 1 : index
    %get3A_5 = arith.constant 0 : index
    %get3A_6 = arith.constant 0 : index
    %get3A_7 = vector.load %arg1[%get3A_4, %get3A_5, %get3A_6] : memref<2x1000x64xf32, #tpu.memory_space<vmem>>, vector<1x1000x64xf32>
    %get3A_8 = vector.shape_cast %get3A_7 : vector<1x1000x64xf32> to vector<1000x64xf32>
    %concatenate3A = tpu.concatenate %get3A_3, %get3A_8 in 1 : vector<1000x64xf32>, vector<1000x64xf32> -> vector<1000x128xf32>
    %get3A_9 = arith.constant 0 : index
    %get3A_10 = arith.constant 0 : index
    %get3A_11 = vector.load %arg2[%get3A_9, %get3A_10] : memref<1000x128xf32, #tpu.memory_space<vmem>>, vector<1000x128xf32>
    %add3A = arith.addf %concatenate3A, %get3A_11 : vector<1000x128xf32>
    %max3A = arith.constant 0.000000e+00 : f32
    %max3A_12 = vector.broadcast %max3A : f32 to vector<1000x128xf32>
    %max3A_13 = arith.maximumf %add3A, %max3A_12 : vector<1000x128xf32>
    %get3A_14 = arith.constant 0 : index
    %get3A_15 = arith.constant 0 : index
    %get3A_16 = arith.constant 0 : index
    %get3A_17 = vector.load %arg3[%get3A_14, %get3A_15, %get3A_16] : memref<8x128x128xf32, #tpu.memory_space<vmem>>, vector<1x128x128xf32>
    %get3A_18 = vector.shape_cast %get3A_17 : vector<1x128x128xf32> to vector<128x128xf32>
    %dot_general3A = arith.constant dense<0.000000e+00> : vector<1000x128xf32>
    %dot_general3A_19 = tpu.matmul %max3A_13, %get3A_18, %dot_general3A {dimension_numbers = #tpu.dot_dimension_numbers<[1], [0], [0], [1], [0, 0, 1, 1], [], []>, transpose_lhs_hint = false} : vector<1000x128xf32>, vector<128x128xf32>, vector<1000x128xf32> -> vector<1000x128xf32>
    %swap3A = arith.constant 0 : index
    %swap3A_20 = arith.constant 0 : index
    %swap3A_21 = arith.constant 0 : index
    %swap3A_22 = vector.load %arg6[%swap3A, %swap3A_20, %swap3A_21] : memref<8x1000x128xf32, #tpu.memory_space<vmem>>, vector<1x1000x128xf32>
    %swap3A_23 = vector.shape_cast %swap3A_22 : vector<1x1000x128xf32> to vector<1000x128xf32>
    %swap3A_24 = vector.shape_cast %dot_general3A_19 : vector<1000x128xf32> to vector<1x1000x128xf32>
    tpu.vector_store %arg6[%swap3A, %swap3A_20, %swap3A_21], %swap3A_24 {strides = array<i32>} : memref<8x1000x128xf32, #tpu.memory_space<vmem>>, vector<1x1000x128xf32>,
    %get3A_25 = arith.constant 1 : index
    %get3A_26 = arith.constant 0 : index
    %get3A_27 = arith.constant 0 : index
    %get3A_28 = vector.load %arg3[%get3A_25, %get3A_26, %get3A_27] : memref<8x128x128xf32, #tpu.memory_space<vmem>>, vector<1x128x128xf32>
    %get3A_29 = vector.shape_cast %get3A_28 : vector<1x128x128xf32> to vector<128x128xf32>
    %dot_general3A_30 = arith.constant dense<0.000000e+00> : vector<1000x128xf32>
    %dot_general3A_31 = tpu.matmul %max3A_13, %get3A_29, %dot_general3A_30 {dimension_numbers = #tpu.dot_dimension_numbers<[1], [0], [0], [1], [0, 0, 1, 1], [], []>, transpose_lhs_hint = false} : vector<1000x128xf32>, vector<128x128xf32>, vector<1000x128xf32> -> vector<1000x128xf32>
    %swap3A_32 = arith.constant 1 : index
    %swap3A_33 = arith.constant 0 : index
    %swap3A_34 = arith.constant 0 : index
    %swap3A_35 = vector.load %arg6[%swap3A_32, %swap3A_33, %swap3A_34] : memref<8x1000x128xf32, #tpu.memory_space<vmem>>, vector<1x1000x128xf32>
    %swap3A_36 = vector.shape_cast %swap3A_35 : vector<1x1000x128xf32> to vector<1000x128xf32>
    %swap3A_37 = vector.shape_cast %dot_general3A_31 : vector<1000x128xf32> to vector<1x1000x128xf32>
    tpu.vector_store %arg6[%swap3A_32, %swap3A_33, %swap3A_34], %swap3A_37 {strides = array<i32>} : memref<8x1000x128xf32, #tpu.memory_space<vmem>>, vector<1x1000x128xf32>,
    %get3A_38 = arith.constant 2 : index
    %get3A_39 = arith.constant 0 : index
    %get3A_40 = arith.constant 0 : index
    %get3A_41 = vector.load %arg3[%get3A_38, %get3A_39, %get3A_40] : memref<8x128x128xf32, #tpu.memory_space<vmem>>, vector<1x128x128xf32>
    %get3A_42 = vector.shape_cast %get3A_41 : vector<1x128x128xf32> to vector<128x128xf32>
    %dot_general3A_43 = arith.constant dense<0.000000e+00> : vector<1000x128xf32>
    %dot_general3A_44 = tpu.matmul %max3A_13, %get3A_42, %dot_general3A_43 {dimension_numbers = #tpu.dot_dimension_numbers<[1], [0], [0], [1], [0, 0, 1, 1], [], []>, transpose_lhs_hint = false} : vector<1000x128xf32>, vector<128x128xf32>, vector<1000x128xf32> -> vector<1000x128xf32>
    %swap3A_45 = arith.constant 2 : index
    %swap3A_46 = arith.constant 0 : index
    %swap3A_47 = arith.constant 0 : index
    %swap3A_48 = vector.load %arg6[%swap3A_45, %swap3A_46, %swap3A_47] : memref<8x1000x128xf32, #tpu.memory_space<vmem>>, vector<1x1000x128xf32>
    %swap3A_49 = vector.shape_cast %swap3A_48 : vector<1x1000x128xf32> to vector<1000x128xf32>
    %swap3A_50 = vector.shape_cast %dot_general3A_44 : vector<1000x128xf32> to vector<1x1000x128xf32>
    tpu.vector_store %arg6[%swap3A_45, %swap3A_46, %swap3A_47], %swap3A_50 {strides = array<i32>} : memref<8x1000x128xf32, #tpu.memory_space<vmem>>, vector<1x1000x128xf32>,
    %get3A_51 = arith.constant 3 : index
    %get3A_52 = arith.constant 0 : index
    %get3A_53 = arith.constant 0 : index
    %get3A_54 = vector.load %arg3[%get3A_51, %get3A_52, %get3A_53] : memref<8x128x128xf32, #tpu.memory_space<vmem>>, vector<1x128x128xf32>
    %get3A_55 = vector.shape_cast %get3A_54 : vector<1x128x128xf32> to vector<128x128xf32>
    %dot_general3A_56 = arith.constant dense<0.000000e+00> : vector<1000x128xf32>
    %dot_general3A_57 = tpu.matmul %max3A_13, %get3A_55, %dot_general3A_56 {dimension_numbers = #tpu.dot_dimension_numbers<[1], [0], [0], [1], [0, 0, 1, 1], [], []>, transpose_lhs_hint = false} : vector<1000x128xf32>, vector<128x128xf32>, vector<1000x128xf32> -> vector<1000x128xf32>
    %swap3A_58 = arith.constant 3 : index
    %swap3A_59 = arith.constant 0 : index
    %swap3A_60 = arith.constant 0 : index
    %swap3A_61 = vector.load %arg6[%swap3A_58, %swap3A_59, %swap3A_60] : memref<8x1000x128xf32, #tpu.memory_space<vmem>>, vector<1x1000x128xf32>
    %swap3A_62 = vector.shape_cast %swap3A_61 : vector<1x1000x128xf32> to vector<1000x128xf32>
    %swap3A_63 = vector.shape_cast %dot_general3A_57 : vector<1000x128xf32> to vector<1x1000x128xf32>
    tpu.vector_store %arg6[%swap3A_58, %swap3A_59, %swap3A_60], %swap3A_63 {strides = array<i32>} : memref<8x1000x128xf32, #tpu.memory_space<vmem>>, vector<1x1000x128xf32>,
    %get3A_64 = arith.constant 4 : index
    %get3A_65 = arith.constant 0 : index
    %get3A_66 = arith.constant 0 : index
    %get3A_67 = vector.load %arg3[%get3A_64, %get3A_65, %get3A_66] : memref<8x128x128xf32, #tpu.memory_space<vmem>>, vector<1x128x128xf32>
    %get3A_68 = vector.shape_cast %get3A_67 : vector<1x128x128xf32> to vector<128x128xf32>
    %dot_general3A_69 = arith.constant dense<0.000000e+00> : vector<1000x128xf32>
    %dot_general3A_70 = tpu.matmul %max3A_13, %get3A_68, %dot_general3A_69 {dimension_numbers = #tpu.dot_dimension_numbers<[1], [0], [0], [1], [0, 0, 1, 1], [], []>, transpose_lhs_hint = false} : vector<1000x128xf32>, vector<128x128xf32>, vector<1000x128xf32> -> vector<1000x128xf32>
    %swap3A_71 = arith.constant 4 : index
    %swap3A_72 = arith.constant 0 : index
    %swap3A_73 = arith.constant 0 : index
    %swap3A_74 = vector.load %arg6[%swap3A_71, %swap3A_72, %swap3A_73] : memref<8x1000x128xf32, #tpu.memory_space<vmem>>, vector<1x1000x128xf32>
    %swap3A_75 = vector.shape_cast %swap3A_74 : vector<1x1000x128xf32> to vector<1000x128xf32>
    %swap3A_76 = vector.shape_cast %dot_general3A_70 : vector<1000x128xf32> to vector<1x1000x128xf32>
    tpu.vector_store %arg6[%swap3A_71, %swap3A_72, %swap3A_73], %swap3A_76 {strides = array<i32>} : memref<8x1000x128xf32, #tpu.memory_space<vmem>>, vector<1x1000x128xf32>,
    %get3A_77 = arith.constant 5 : index
    %get3A_78 = arith.constant 0 : index
    %get3A_79 = arith.constant 0 : index
    %get3A_80 = vector.load %arg3[%get3A_77, %get3A_78, %get3A_79] : memref<8x128x128xf32, #tpu.memory_space<vmem>>, vector<1x128x128xf32>
    %get3A_81 = vector.shape_cast %get3A_80 : vector<1x128x128xf32> to vector<128x128xf32>
    %dot_general3A_82 = arith.constant dense<0.000000e+00> : vector<1000x128xf32>
    %dot_general3A_83 = tpu.matmul %max3A_13, %get3A_81, %dot_general3A_82 {dimension_numbers = #tpu.dot_dimension_numbers<[1], [0], [0], [1], [0, 0, 1, 1], [], []>, transpose_lhs_hint = false} : vector<1000x128xf32>, vector<128x128xf32>, vector<1000x128xf32> -> vector<1000x128xf32>
    %swap3A_84 = arith.constant 5 : index
    %swap3A_85 = arith.constant 0 : index
    %swap3A_86 = arith.constant 0 : index
    %swap3A_87 = vector.load %arg6[%swap3A_84, %swap3A_85, %swap3A_86] : memref<8x1000x128xf32, #tpu.memory_space<vmem>>, vector<1x1000x128xf32>
    %swap3A_88 = vector.shape_cast %swap3A_87 : vector<1x1000x128xf32> to vector<1000x128xf32>
    %swap3A_89 = vector.shape_cast %dot_general3A_83 : vector<1000x128xf32> to vector<1x1000x128xf32>
    tpu.vector_store %arg6[%swap3A_84, %swap3A_85, %swap3A_86], %swap3A_89 {strides = array<i32>} : memref<8x1000x128xf32, #tpu.memory_space<vmem>>, vector<1x1000x128xf32>,
    %get3A_90 = arith.constant 6 : index
    %get3A_91 = arith.constant 0 : index
    %get3A_92 = arith.constant 0 : index
    %get3A_93 = vector.load %arg3[%get3A_90, %get3A_91, %get3A_92] : memref<8x128x128xf32, #tpu.memory_space<vmem>>, vector<1x128x128xf32>
    %get3A_94 = vector.shape_cast %get3A_93 : vector<1x128x128xf32> to vector<128x128xf32>
    %dot_general3A_95 = arith.constant dense<0.000000e+00> : vector<1000x128xf32>
    %dot_general3A_96 = tpu.matmul %max3A_13, %get3A_94, %dot_general3A_95 {dimension_numbers = #tpu.dot_dimension_numbers<[1], [0], [0], [1], [0, 0, 1, 1], [], []>, transpose_lhs_hint = false} : vector<1000x128xf32>, vector<128x128xf32>, vector<1000x128xf32> -> vector<1000x128xf32>
    %swap3A_97 = arith.constant 6 : index
    %swap3A_98 = arith.constant 0 : index
    %swap3A_99 = arith.constant 0 : index
    %swap3A_100 = vector.load %arg6[%swap3A_97, %swap3A_98, %swap3A_99] : memref<8x1000x128xf32, #tpu.memory_space<vmem>>, vector<1x1000x128xf32>
    %swap3A_101 = vector.shape_cast %swap3A_100 : vector<1x1000x128xf32> to vector<1000x128xf32>
    %swap3A_102 = vector.shape_cast %dot_general3A_96 : vector<1000x128xf32> to vector<1x1000x128xf32>
    tpu.vector_store %arg6[%swap3A_97, %swap3A_98, %swap3A_99], %swap3A_102 {strides = array<i32>} : memref<8x1000x128xf32, #tpu.memory_space<vmem>>, vector<1x1000x128xf32>,
    %get3A_103 = arith.constant 7 : index
    %get3A_104 = arith.constant 0 : index
    %get3A_105 = arith.constant 0 : index
    %get3A_106 = vector.load %arg3[%get3A_103, %get3A_104, %get3A_105] : memref<8x128x128xf32, #tpu.memory_space<vmem>>, vector<1x128x128xf32>
    %get3A_107 = vector.shape_cast %get3A_106 : vector<1x128x128xf32> to vector<128x128xf32>
    %dot_general3A_108 = arith.constant dense<0.000000e+00> : vector<1000x128xf32>
    %dot_general3A_109 = tpu.matmul %max3A_13, %get3A_107, %dot_general3A_108 {dimension_numbers = #tpu.dot_dimension_numbers<[1], [0], [0], [1], [0, 0, 1, 1], [], []>, transpose_lhs_hint = false} : vector<1000x128xf32>, vector<128x128xf32>, vector<1000x128xf32> -> vector<1000x128xf32>
    %swap3A_110 = arith.constant 7 : index
    %swap3A_111 = arith.constant 0 : index
    %swap3A_112 = arith.constant 0 : index
    %swap3A_113 = vector.load %arg6[%swap3A_110, %swap3A_111, %swap3A_112] : memref<8x1000x128xf32, #tpu.memory_space<vmem>>, vector<1x1000x128xf32>
    %swap3A_114 = vector.shape_cast %swap3A_113 : vector<1x1000x128xf32> to vector<1000x128xf32>
    %swap3A_115 = vector.shape_cast %dot_general3A_109 : vector<1000x128xf32> to vector<1x1000x128xf32>
    tpu.vector_store %arg6[%swap3A_110, %swap3A_111, %swap3A_112], %swap3A_115 {strides = array<i32>} : memref<8x1000x128xf32, #tpu.memory_space<vmem>>, vector<1x1000x128xf32>,
    %get3A_116 = arith.constant 0 : index
    %get3A_117 = arith.constant 0 : index
    %get3A_118 = vector.load %arg4[%get3A_116, %get3A_117] : memref<128x128xf32, #tpu.memory_space<vmem>>, vector<128x128xf32>
    %dot_general3A_119 = arith.constant dense<0.000000e+00> : vector<1000x128xf32>
    %dot_general3A_120 = tpu.matmul %max3A_13, %get3A_118, %dot_general3A_119 {dimension_numbers = #tpu.dot_dimension_numbers<[1], [0], [0], [1], [0, 0, 1, 1], [], []>, transpose_lhs_hint = false} : vector<1000x128xf32>, vector<128x128xf32>, vector<1000x128xf32> -> vector<1000x128xf32>
    %get3A_121 = arith.constant 0 : index
    %get3A_122 = arith.constant 0 : index
    %get3A_123 = vector.load %arg5[%get3A_121, %get3A_122] : memref<1x128xf32, #tpu.memory_space<vmem>>, vector<1x128xf32>
    %add3A_124 = vector.broadcast %get3A_123 : vector<1x128xf32> to vector<1000x128xf32>
    %add3A_125 = arith.addf %dot_general3A_120, %add3A_124 : vector<1000x128xf32>
    %swap3A_126 = arith.constant 0 : index
    %swap3A_127 = arith.constant 0 : index
    %swap3A_128 = vector.load %arg7[%swap3A_126, %swap3A_127] : memref<1000x128xf32, #tpu.memory_space<vmem>>, vector<1000x128xf32>
    tpu.vector_store %arg7[%swap3A_126, %swap3A_127], %add3A_125 {strides = array<i32>} : memref<1000x128xf32, #tpu.memory_space<vmem>>, vector<1000x128xf32>,
    return
  }
  func.func @transform_0(%arg0: i32) -> (i32, i32, i32) {
    %c0_i32 = arith.constant 0 : i32
    %c0_i32_0 = arith.constant 0 : i32
    %c0_i32_1 = arith.constant 0 : i32
    return %c0_i32, %arg0, %c0_i32_0 : i32, i32, i32
  }
  func.func @transform_1(%arg0: i32) -> (i32, i32) {
    %c0_i32 = arith.constant 0 : i32
    %c0_i32_0 = arith.constant 0 : i32
    return %arg0, %c0_i32 : i32, i32
  }
  func.func @transform_2(%arg0: i32) -> (i32, i32, i32) {
    %c0_i32 = arith.constant 0 : i32
    %c0_i32_0 = arith.constant 0 : i32
    %c0_i32_1 = arith.constant 0 : i32
    %c0_i32_2 = arith.constant 0 : i32
    return %c0_i32, %c0_i32_0, %c0_i32_1 : i32, i32, i32
  }
  func.func @transform_3(%arg0: i32) -> (i32, i32) {
    %c0_i32 = arith.constant 0 : i32
    %c0_i32_0 = arith.constant 0 : i32
    %c0_i32_1 = arith.constant 0 : i32
    return %c0_i32, %c0_i32_0 : i32, i32
  }
  func.func @transform_4(%arg0: i32) -> (i32, i32) {
    %c0_i32 = arith.constant 0 : i32
    %c0_i32_0 = arith.constant 0 : i32
    %c0_i32_1 = arith.constant 0 : i32
    return %c0_i32, %c0_i32_0 : i32, i32
  }
  func.func @transform_5(%arg0: i32) -> (i32, i32, i32) {
    %c0_i32 = arith.constant 0 : i32
    %c0_i32_0 = arith.constant 0 : i32
    %c0_i32_1 = arith.constant 0 : i32
    return %c0_i32, %arg0, %c0_i32_0 : i32, i32, i32
  }
  func.func @transform_6(%arg0: i32) -> (i32, i32) {
    %c0_i32 = arith.constant 0 : i32
    %c0_i32_0 = arith.constant 0 : i32
    return %arg0, %c0_i32 : i32, i32
  }
}

module attributes {stable_mosaic.version = 14 : i64} {
  func.func @_final_body(%arg0: i32, %arg1: memref<2x1000x64xf32, #tpu.memory_space<vmem>>, %arg2: memref<1000x128xf32, #tpu.memory_space<vmem>>, %arg3: memref<1000x128xf32, #tpu.memory_space<vmem>>) attributes {dimension_semantics = [#tpu.dimension_semantics<arbitrary>], iteration_bounds = array<i64: 10>, scalar_prefetch = 0 : i64, scratch_operands = 0 : i64, tpu.core_type = #tpu.core_type<tc>, window_params = [{transform_indices = @transform_0, window_bounds = array<i64: 2, 1000, 64>}, {transform_indices = @transform_1, window_bounds = array<i64: 1000, 128>}, {transform_indices = @transform_2, window_bounds = array<i64: 1000, 128>}]} {
    %get3A = arith.constant 0 : index
    %get3A_0 = arith.constant 0 : index
    %get3A_1 = arith.constant 0 : index
    %get3A_2 = vector.load %arg1[%get3A, %get3A_0, %get3A_1] : memref<2x1000x64xf32, #tpu.memory_space<vmem>>, vector<1x1000x64xf32>
    %get3A_3 = vector.shape_cast %get3A_2 : vector<1x1000x64xf32> to vector<1000x64xf32>
    %get3A_4 = arith.constant 1 : index
    %get3A_5 = arith.constant 0 : index
    %get3A_6 = arith.constant 0 : index
    %get3A_7 = vector.load %arg1[%get3A_4, %get3A_5, %get3A_6] : memref<2x1000x64xf32, #tpu.memory_space<vmem>>, vector<1x1000x64xf32>
    %get3A_8 = vector.shape_cast %get3A_7 : vector<1x1000x64xf32> to vector<1000x64xf32>
    %concatenate3A = tpu.concatenate %get3A_3, %get3A_8 in 1 : vector<1000x64xf32>, vector<1000x64xf32> -> vector<1000x128xf32>
    %get3A_9 = arith.constant 0 : index
    %get3A_10 = arith.constant 0 : index
    %get3A_11 = vector.load %arg2[%get3A_9, %get3A_10] : memref<1000x128xf32, #tpu.memory_space<vmem>>, vector<1000x128xf32>
    %add3A = arith.addf %concatenate3A, %get3A_11 : vector<1000x128xf32>
    %max3A = arith.constant 0.000000e+00 : f32
    %max3A_12 = vector.broadcast %max3A : f32 to vector<1000x128xf32>
    %max3A_13 = arith.maximumf %add3A, %max3A_12 : vector<1000x128xf32>
    %swap3A = arith.constant 0 : index
    %swap3A_14 = arith.constant 0 : index
    %swap3A_15 = vector.load %arg3[%swap3A, %swap3A_14] : memref<1000x128xf32, #tpu.memory_space<vmem>>, vector<1000x128xf32>
    tpu.vector_store %arg3[%swap3A, %swap3A_14], %max3A_13 {strides = array<i32>} : memref<1000x128xf32, #tpu.memory_space<vmem>>, vector<1000x128xf32>,
    return
  }
  func.func @transform_0(%arg0: i32) -> (i32, i32, i32) {
    %c0_i32 = arith.constant 0 : i32
    %c0_i32_0 = arith.constant 0 : i32
    %c0_i32_1 = arith.constant 0 : i32
    return %c0_i32, %arg0, %c0_i32_0 : i32, i32, i32
  }
  func.func @transform_1(%arg0: i32) -> (i32, i32) {
    %c0_i32 = arith.constant 0 : i32
    %c0_i32_0 = arith.constant 0 : i32
    return %arg0, %c0_i32 : i32, i32
  }
  func.func @transform_2(%arg0: i32) -> (i32, i32) {
    %c0_i32 = arith.constant 0 : i32
    %c0_i32_0 = arith.constant 0 : i32
    return %arg0, %c0_i32 : i32, i32
  }
}

</mosaic_0001>

<sc_bundles>
// kernel: kernel.10.cloned.1.call-start
scs
__scs_entry_jumppad:
0x0: {  	(pc) =	sbr.rel $0x88, $3  }
0x1: {  	(tag) =	ssettag $0x0;
	lr =	simm.s32 $0x1  }
0x2: {  	[smem:$0x3F98] =	sst lr;
	_ =	strace $0xD0000000  }
0x3: {  	_ = 	snop  }
0x4: {  	_ = 	snop  }
0x5: {  	_ = 	snop  }
0x6: {  	_ = 	snop  }
0x7: {  	_ = 	snop  }
__scs_overlays_trampoline_lowered:
0x8: {  	[smem:$0x3FA7] =	sst s0  }
0x9: {  	[smem:$0x3FA8] =	sst s1  }
0xa: {  	[smem:$0x3FA9] =	sst s2  }
0xb: {  	[smem:$0x3FAA] =	sst s3  }
0xc: {  	[smem:$0x3FAB] =	sst s4  }
0xd: {  	[smem:$0x3FAC] =	sst s5  }
0xe: {  	[smem:$0x3FAD] =	sst s6  }
0xf: {  	[smem:$0x3FAE] =	sst s7  }
0x10: {  	[smem:$0x3FAF] =	sst s8  }
0x11: {  	[smem:$0x3FB0] =	sst s9;
	s0 =	simm.s32 @!p0 $0x0  }
0x12: {  	s1 =	sld [smem:$0x3F96];
	s0 =	simm.s32 @p0 $0x1  }
0x13: {  	[smem:$0x3FB1] =	sst s0;
	s0 =	simm.s32 @!p1 $0x0  }
0x14: {  	s2 =	sld [smem:$0x3F95];
	s0 =	simm.s32 @p1 $0x1  }
0x15: {  	[smem:$0x3FB2] =	sst s0;
	s0 =	simm.s32 @!p2 $0x0  }
0x16: {  	s3 =	sld [smem:$0x3FDB];
	s0 =	simm.s32 @p2 $0x1  }
0x17: {  	s4 =	simm.s32 $0x1BF5;
	[smem:$0x3FB4] =	sst s0  }
0x18: {  	s0 =	sld [smem:$0x3F97];
	_ =	swait.ge [sflag:s4], $0x0  }
0x19: {  	s7 =	sld [smem:$0x3F98]  }
0x1a: {  	s8 =	sadd.s32 $0xFFFFE003, lr  }
0x1b: {  	s9 =	sadd.s32 $0xFFFFFEF7, lr;
	s5 =	simm.s32 $0xFFFFFFFF;
	p2 =	slt.u32 s8, $0xFFFFF086  }
0x1c: {  	p1 =	slt.u32 s9, $0xF7A;
	s5 =	simm.s32 @!p2 $0x0  }
0x1d: {  	s5 =	simm.s32 @p1 $0x1;
	p0 =	seq.s32 s7, s2  }
0x1e: {  	s7 =	smul.u32 @!p0 $0xF7A, s2;
	p2 =	seq.s32 @!p0 s5, $0x0  }
0x1f: {  	s9 =	smul.u32 $0xF7A, s1;
	s8 =	simm.s32 @!p0 $0x1BF5;
	p2 =	por !p2, p0  }
0x20: {  	[sflag:s8] =	ssyncset.s32 @!p0 $0xFFFFF086;
	s6 =	sadd.s32 @!p0 s3, s7;
	s7 =	simm.s32 @!p0 $0x108  }
0x21: {  	s3 =	sadd.s32 s3, s9;
	s6 =	sadd.s32 @!p0 $0x88, s6;
	s7 =	simm.s32 @p2 $0x1082  }
0x22: {  	[simem:s7], [sflag:s8] =	dma.local @!p0 [hbm:s6], $0xF7A  }
0x23: {  	s9 =	sor.u32 $0xD0000000, s2;
	s6 =	simm.s32 $0x108;
	_ =	swait.ge @!p0 [sflag:s8], $0x0  }
0x24: {  	s3 =	sadd.s32 $0x88, s3;
	s6 =	simm.s32 @!p1 $0x1082;
	[sflag:s4] =	ssyncset.s32 $0xFFFFF086  }
0x25: {  	[simem:s6], [sflag:s4] =	dma.local [hbm:s3], $0xF7A  }
0x26: {  	[smem:$0x3F98] =	sst s1;
	(tag) =	ssettag s2;
	_ =	strace s9  }
0x27: {  	s1 =	sld [smem:$0x3FA8]  }
0x28: {  	s2 =	sld [smem:$0x3FA9]  }
0x29: {  	s4 =	sld [smem:$0x3FAB]  }
0x2a: {  	p0 =	seq.s32 s5, $0x0;
	s5 =	sld [smem:$0x3FAC]  }
0x2b: {  	s6 =	sld [smem:$0x3FAD]  }
0x2c: {  	s7 =	sld [smem:$0x3FAE]  }
0x2d: {  	s3 =	simm.s32 $0x108;
	s8 =	sld [smem:$0x3FAF]  }
0x2e: {  	s3 =	simm.s32 @!p0 $0x1082;
	s9 =	sld [smem:$0x3FB0]  }
0x2f: {  	lr =	sadd.s32 s0, s3;
	s0 =	sld [smem:$0x3FA7]  }
0x30: {  	s3 =	sld [smem:$0x3FAA]  }
0x31: {  	[smem:$0x3FB3] =	sst s10  }
0x32: {  	s10 =	sld [smem:$0x3FB1];
	_ =	sdelay $0x3  }
0x33: {  	p0 =	seq.s32 s10, $0x1;
	s10 =	sld [smem:$0x3FB3];
	_ =	sdelay $0x3  }
0x34: {  	[smem:$0x3FB3] =	sst s10  }
0x35: {  	s10 =	sld [smem:$0x3FB2];
	_ =	sdelay $0x3  }
0x36: {  	p1 =	seq.s32 s10, $0x1;
	s10 =	sld [smem:$0x3FB3];
	_ =	sdelay $0x3  }
0x37: {  	[smem:$0x3FB3] =	sst s10  }
0x38: {  	s10 =	sld [smem:$0x3FB4]  }
0x39: {  	_ = 	snop;
	(pc) =	sbr.ind lr, $3  }
0x3a: {  	_ = 	snop  }
0x3b: {  	_ = 	snop  }
0x3c: {  	p2 =	seq.s32 s10, $0x1;
	s10 =	sld [smem:$0x3FB3]  }
0x3d: {  	_ =	shalt  }
0x3e: {  	_ =	shalt  }
0x3f: {  	_ =	shalt  }
0x40: {  	_ =	shalt  }
0x41: {  	_ =	shalt  }
0x42: {  	_ =	shalt  }
0x43: {  	_ =	shalt  }
0x44: {  	_ =	shalt  }
0x45: {  	_ =	shalt  }
0x46: {  	_ =	shalt  }
0x47: {  	_ =	shalt  }
0x48: {  	_ =	shalt  }
0x49: {  	_ =	shalt  }
0x4a: {  	_ =	shalt  }
0x4b: {  	_ =	shalt  }
0x4c: {  	_ =	shalt  }
0x4d: {  	_ =	shalt  }
0x4e: {  	_ =	shalt  }
0x4f: {  	_ =	shalt  }
0x50: {  	_ =	shalt  }
0x51: {  	_ =	shalt  }
0x52: {  	_ =	shalt  }
0x53: {  	_ =	shalt  }
0x54: {  	_ =	shalt  }
0x55: {  	_ =	shalt  }
0x56: {  	_ =	shalt  }
0x57: {  	_ =	shalt  }
0x58: {  	_ =	shalt  }
0x59: {  	_ =	shalt  }
0x5a: {  	_ =	shalt  }
0x5b: {  	_ =	shalt  }
0x5c: {  	_ =	shalt  }
0x5d: {  	_ =	shalt  }
0x5e: {  	_ =	shalt  }
0x5f: {  	_ =	shalt  }
0x60: {  	_ =	shalt  }
0x61: {  	_ =	shalt  }
0x62: {  	_ =	shalt  }
0x63: {  	_ =	shalt  }
0x64: {  	_ =	shalt  }
0x65: {  	_ =	shalt  }
0x66: {  	_ =	shalt  }
0x67: {  	_ =	shalt  }
0x68: {  	_ =	shalt  }
0x69: {  	_ =	shalt  }
0x6a: {  	_ =	shalt  }
0x6b: {  	_ =	shalt  }
0x6c: {  	_ =	shalt  }
0x6d: {  	_ =	shalt  }
0x6e: {  	_ =	shalt  }
0x6f: {  	_ =	shalt  }
0x70: {  	_ =	shalt  }
0x71: {  	_ =	shalt  }
0x72: {  	_ =	shalt  }
0x73: {  	_ =	shalt  }
0x74: {  	_ =	shalt  }
0x75: {  	_ =	shalt  }
0x76: {  	_ =	shalt  }
0x77: {  	_ =	shalt  }
0x78: {  	_ =	shalt  }
0x79: {  	_ =	shalt  }
0x7a: {  	_ =	shalt  }
0x7b: {  	_ =	shalt  }
0x7c: {  	_ =	shalt  }
0x7d: {  	_ =	shalt  }
0x7e: {  	_ =	shalt  }
0x7f: {  	_ =	shalt  }
0x80: {  	_ =	shalt  }
0x81: {  	_ =	shalt  }
0x82: {  	_ =	shalt  }
0x83: {  	_ =	shalt  }
0x84: {  	_ =	shalt  }
0x85: {  	_ =	shalt  }
0x86: {  	_ =	shalt  }
0x87: {  	_ =	shalt  }
.Lfunc_end0:
.L_simem_size_0:
called_computation.1_lowered:
.L_overlay_start_0:
0x88: {  	s2 =	sld [smem:$0x3FD9]  }
0x89: {  	s3 =	sld [smem:$0x3FFE];
	_ =	sdelay $0x1  }
0x8a: {  	s1 =	srdreg.scid  }
0x8b: {  	s0 =	sand.u32 $0x1, s1  }
0x8c: {  	s17 =	sshll.u32 s0, $0xA;
	s2 =	sadd.s32 s3, s2  }
0x8d: {  	s2 =	sadd.s32 s2, s17  }
0x8e: {  	[smem:$0x3FBF] =	sst s2  }
0x8f: {  	_ = 	snop  }
0x90: {  	s2 =	sld [smem:$0x3FD0];
	(tm) =	ssettm $0x1  }
0x91: {  	s18 =	sld [smem:$0x3FFB];
	_ =	sdelay $0x3  }
0x92: {  	_ =	strace s18  }
0x93: {  	s3 =	sld [smem:$0x3FFC];
	_ =	sdelay $0x3  }
0x94: {  	_ =	strace s3  }
0x95: {  	s3 =	sld [smem:$0x3FFD];
	_ =	sdelay $0x3  }
0x96: {  	_ =	strace s3  }
0x97: {  	_ =	strace $0x8FFFFFFF  }
0x98: {  	s19 =	sld [smem:$0x3FDB];
	_ =	sdelay $0x1  }
0x99: {  	s4 =	simm.s32 $_scs_section_size  }
0x9a: {  	s5 =	simm.s32 $_size__tile_overlayer_lowered;
	s6 =	simm.s32 $_tile_overlayer_lowered  }
0x9b: {  	s22 =	simm.s32 $0x1BFF;
	s21 =	sshll.u32 s6, $0x1;
	s3 =	sadd.s32 s4, s19  }
0x9c: {  	s7 =	simm.s32 $0x0;
	s20 =	sshll.u32 s5, $0x1;
	s5 =	sadd.s32 s21, s3  }
0x9d: {  	[timem:s7], [sflag:s22] =	dma.local [hbm:s5], s20  }
0x9e: {  	_ =	swait.ge [sflag:s22], s20  }
0x9f: {  	s4 =	ssub.s32 $0x0, s20;
	[sflag:s22] =	ssyncset.done $0x0  }
0xa0: {  	[sflag:s22] =	ssyncadd.s32 s4;
	_ =	sdelay $0x1  }
0xa1: {  	s23 =	simm.s32 $0x1B8B  }
0xa2: {  	_ =	swait.ge [sflag:s23], $0x1  }
0xa3: {  	[sflag:s23] =	ssyncset.done $0x0  }
0xa4: {  	s25 =	simm.s32 $0x1B8E;
	s24 =	sld [smem:$0x3FFE];
	[sflag:s23] =	ssyncadd.s32 $0xFFFFFFFF  }
0xa5: {  	s26 =	simm.s32 $execute0_lowered;
	[smem:$0x3FD2] =	sst s25  }
0xa6: {  	s5 =	sshll.u32 s26, $0x1;
	_ =	strace $0x80000049;
	[dreg:$0x1] =	wrdreg $0xFFFFFFFF  }
0xa7: {  	s28 =	simm.s32 $_size_execute0_lowered;
	s3 =	sadd.s32 s3, s5;
	[dreg:$0x0] =	wrdreg $0x0  }
0xa8: {  	s5 =	sshll.u32 s28, $0x1;
	[dreg:$0x2] =	wrdreg s3  }
0xa9: {  	[dreg:$0x3] =	wrdreg s5  }
0xaa: {  	[dreg:$0x4] =	wrdreg $0xC0  }
0xab: {  	_ =	task [dreg:s7], $0x5FFFF  }
0xac: {  	[dreg:$0x1] =	wrdreg $0xFFFFFFFF  }
0xad: {  	[dreg:$0x0] =	wrdreg $0x60  }
0xae: {  	[dreg:$0x2] =	wrdreg s2  }
0xaf: {  	[dreg:$0x3] =	wrdreg s24  }
0xb0: {  	[dreg:$0x4] =	wrdreg $0xDF000  }
0xb1: {  	[dreg:$0x5] =	wrdreg $0x9  }
0xb2: {  	_ =	task.clear_ibuf [dreg:s7], $0x6FFFF;
	_ =	strace $0x90000049  }
0xb3: {  	s29 =	simm.s32 $0x9;
	_ =	strace $0x8000004B  }
0xb4: {  	_ =	swait.ge [sflag:s29], $0x1  }
0xb5: {  	[sflag:s29] =	ssyncadd.s32 $0xFFFFFFFF  }
0xb6: {  	_ =	strace $0x9000004B  }
0xb7: {  	_ =	sfence  }
0xb8: {  	s30 =	sld [smem:$0x0];
	_ =	sdelay $0x2  }
0xb9: {  	s31 =	sshll.u32 s1, $0xD;
	s1 =	sshrl.u32 s1, $0x2  }
0xba: {  	s3 =	sand.u32 $0x4000, s31;
	s1 =	sadd.s32 s1, s30  }
0xbb: {  	s0 =	sor.u32 s3, s0;
	s1 =	sshll.u32 s1, $0x11  }
0xbc: {  	s0 =	sor.u32 s1, s0  }
0xbd: {  	s0 =	sadd.s32 $0x8F2B, s0  }
0xbe: {  	[sflag:s0] =	ssyncadd.remote.s32 $0x1  }
0xbf: {  	_ =	sfence.sel $0xFFFF  }
0xc0: {  	[dreg:$0x0] =	wrdreg $0xFFFFFFFF;
	(pc) =	sbr.abs _section_cstart, $3  }
0xc1: {  	[dreg:$0x1] =	wrdreg $0xFFFFFFFF  }
0xc2: {  	_ =	task.clear_ibuf [dreg:s7], $0x2FFFF;
	_ =	strace $0x9FFFFFFF  }
0xc3: {  	(tm) =	ssettm $0x7FFFFFFF  }
tec
execute0_lowered:
.L_overlay_start_1:
0x0: {  	(tag) =	ssettag $0x1  }
0x1: {  	s10 =	rddreg [dreg:$0x0]  }
0x2: {  	s5 =	rddreg [dreg:$0x1]  }
0x3: {  	s2 =	rddreg [dreg:$0x2];
	s3 =	simm.s32 $0x0;
	s1 =	stileid.u32  }
0x4: {  	s4 =	srdreg.scid;
	s21 =	simm.s32 $0x80;
	s22 =	simm.s32 $0xBF00  }
0x5: {  	s24 =	simm.s32 $0x2;
	s25 =	simm.s32 $0x0;
	s11 =	smul.u32 $0x9E0, s1  }
0x6: {  	[smem:$0x7FF] =	sst s3;
	s23 =	sand.u32 $0x1, s4;
	s12 =	smul.u32 $0xA000, s1  }
0x7: {  	s4 =	sadd.s32 $0xB800, s5;
	s16 =	sadd.s32 $0x144000, s5;
	_ =	strace $0x8000004A  }
0x8: {  	s6 =	ssub.s32 $0x2, s23;
	s19 =	smul.u32 $0xA0000, s23;
	v0 =	vmov s23;
	s23 =	simm.s32 $0x1  }
0x9: {  	s13 =	sadd.s32 s11, s5;
	s28 =	sshrl.u32 s6, $0x1;
	s14 =	sadd.s32 $0x2000, s12  }
0xa: {  	s5 =	sadd.s32 s12, s2;
	s15 =	sadd.s32 $0x4000, s12;
	s18 =	sadd.s32 $0x6000, s12  }
0xb: {  	s20 =	sadd.s32 $0x8000, s12;
	s10 =	sadd.s32 s10, s11;
	s17 =	ssub.s32 s6, s28  }
0xc: {  	s6 =	sadd.s32 s14, s2;
	s7 =	sadd.s32 s15, s2;
	s8 =	sadd.s32 s18, s2  }
0xd: {  	s9 =	sadd.s32 s20, s2;
	s12 =	sadd.s32 s12, s19;
	s14 =	sadd.s32 s19, s14  }
0xe: {  	s11 =	sadd.s32 $0x1A00, s13;
	s29 =	sadd.s32 s19, s15;
	s30 =	sadd.s32 s19, s18  }
0xf: {  	s31 =	sadd.s32 s19, s20;
	s19 =	simm.s32 $0x3;
	s20 =	simm.s32 $0x5000  }
0x10: {  	s12 =	sshrl.u32 s12, $0x3;
	s14 =	sshrl.u32 s14, $0x3;
	s15 =	sshrl.u32 s30, $0x3  }
0x11: {  	s18 =	sshrl.u32 s31, $0x3;
	s17 =	smax.u32 s17, $0x1;
	s12 =	sadd.s32 s16, s12  }
0x12: {  	s13 =	sadd.s32 s16, s14;
	s14 =	sshrl.u32 s29, $0x3;
	s15 =	sadd.s32 s16, s15  }
0x13: {  	v1 =	vimm.f32 $0.0e+00;
	s14 =	sadd.s32 s16, s14;
	s16 =	sadd.s32 s16, s18;
	s18 =	simm.s32 $0x9F00  }
.LBB2_1:
0x14: {  	s26 =	sand.u32 $0x7F00, s3  }
0x15: {  	s28 =	sand.u32 $0x30, s3;
	s29 =	sshrl.u32 s26, $0x2  }
0x16: {  	s26 =	simm.s32 $0x40;
	s29 =	sor.u32 s28, s29;
	s28 =	simm.s32 $0x0  }
.LBB2_2:
0x17: {  	p0 =	sne.s32 s26, $0x7FC0  }
0x18: {  	[tilespmem:s29+$0x9F00] =	vst v1;
	s28 =	sadd.s32 $0x10, s28;
	s29 =	smov.u32 s26;
	s26 =	sadd.s32 $0x40, s26  }
.Ltmp0:
0x19: {  	(pc) =	sbr.rel @p0 .LBB2_2-.Ltmp0, $4  }
0x1a: {  	_ = 	snop  }
0x1b: {  	s29 =	sand.u32 $0x7F00, s29  }
0x1c: {  	s30 =	sand.u32 $0x30, s28;
	s29 =	sshrl.u32 s29, $0x2  }
0x1d: {  	s29 =	sor.u32 s30, s29  }
0x1e: {  	[tilespmem:s29+$0x9F00] =	vst v1  }
0x1f: {  	[spmem:s5] =	stream.linear.scatter [tilespmem:s18], [sflag:$0x3], $0x2000, $0x38;
	[tilespmem:$0x17F00] =	vst v63  }
0x20: {  	_ =	swait.ge [sflag:s19], $0x2000  }
0x21: {  	[sflag:s19] =	ssyncset.done $0x0  }
0x22: {  	[sflag:s19] =	ssyncadd.s32 $0xFFFFE000  }
0x23: {  	[spmem:s6] =	stream.linear.scatter [tilespmem:s18], [sflag:$0x3], $0x2000, $0x38;
	[tilespmem:$0x17F00] =	vst v63  }
0x24: {  	_ =	swait.ge [sflag:s19], $0x2000  }
0x25: {  	[sflag:s19] =	ssyncset.done $0x0  }
0x26: {  	[sflag:s19] =	ssyncadd.s32 $0xFFFFE000  }
0x27: {  	[spmem:s7] =	stream.linear.scatter [tilespmem:s18], [sflag:$0x3], $0x2000, $0x38;
	[tilespmem:$0x17F00] =	vst v63  }
0x28: {  	_ =	swait.ge [sflag:s19], $0x2000  }
0x29: {  	[sflag:s19] =	ssyncset.done $0x0  }
0x2a: {  	[sflag:s19] =	ssyncadd.s32 $0xFFFFE000  }
0x2b: {  	[spmem:s8] =	stream.linear.scatter [tilespmem:s18], [sflag:$0x3], $0x2000, $0x38;
	[tilespmem:$0x17F00] =	vst v63  }
0x2c: {  	_ =	swait.ge [sflag:s19], $0x2000  }
0x2d: {  	[sflag:s19] =	ssyncset.done $0x0  }
0x2e: {  	[sflag:s19] =	ssyncadd.s32 $0xFFFFE000  }
0x2f: {  	[spmem:s9] =	stream.linear.scatter [tilespmem:s18], [sflag:$0x3], $0x2000, $0x38;
	[tilespmem:$0x17F00] =	vst v63  }
0x30: {  	_ =	swait.ge [sflag:s19], $0x2000  }
0x31: {  	[sflag:s19] =	ssyncset.done $0x0  }
0x32: {  	[sflag:s19] =	ssyncadd.s32 $0xFFFFE000  }
0x33: {  	s26 =	simm.s32 $0x0;
	[bflag:$0x0] =	sbarrier.arrive $0xFFFF  }
0x34: {  	[tilespmem:s26], [sflag:$0x3] =	stream.linear.gather [hbm4b:s10+s26], $0x4F00, $0x38;
	[tilespmem:$0x17F00] =	vst v63  }
0x35: {  	_ =	swait.ge [sflag:s19], $0x4F00  }
0x36: {  	[sflag:s19] =	ssyncset.done $0x0  }
0x37: {  	[sflag:s19] =	ssyncadd.s32 $0xFFFFB100  }
0x38: {  	[tilespmem:s20], [sflag:$0x3] =	stream.linear.gather [hbm4b:s11+s26], $0x4F00, $0x38;
	[tilespmem:$0x17F00] =	vst v63  }
0x39: {  	_ =	swait.ge [sflag:s19], $0x4F00  }
0x3a: {  	[sflag:s19] =	ssyncset.done $0x0  }
0x3b: {  	[sflag:s19] =	ssyncadd.s32 $0xFFFFB100  }
0x3c: {  	v2 =	vld [tilespmem:$0x0]  }
0x3d: {  	v3 =	vld [tilespmem:$0x10]  }
0x3e: {  	v4 =	vld [tilespmem:$0x20]  }
0x3f: {  	v5 =	vld [tilespmem:$0x30]  }
0x40: {  	v6 =	vld [tilespmem:$0x40]  }
0x41: {  	v7 =	vld [tilespmem:$0x50];
	v2 =	vshll.u32 v2, $0x1  }
0x42: {  	v8 =	vld [tilespmem:$0x60];
	v3 =	vshll.u32 v3, $0x1;
	v2 =	vor.u32 v0, v2  }
0x43: {  	[tilespmem:$0x0] =	vst v2;
	v2 =	vor.u32 v0, v3;
	v3 =	vshll.u32 v4, $0x1;
	v4 =	vld [tilespmem:$0x70]  }
0x44: {  	[tilespmem:$0x10] =	vst v2;
	v2 =	vor.u32 v0, v3;
	v3 =	vshll.u32 v5, $0x1;
	v5 =	vld [tilespmem:$0x80]  }
0x45: {  	v52 =	vld [tilespmem:$0x90];
	[tilespmem:$0x20] =	vst v2;
	v2 =	vor.u32 v0, v3;
	v3 =	vshll.u32 v6, $0x1  }
0x46: {  	v53 =	vld [tilespmem:$0xA0];
	[tilespmem:$0x30] =	vst v2;
	v2 =	vor.u32 v0, v3;
	v3 =	vshll.u32 v7, $0x1  }
0x47: {  	v54 =	vld [tilespmem:$0xB0];
	[tilespmem:$0x40] =	vst v2;
	v2 =	vor.u32 v0, v3;
	v3 =	vshll.u32 v8, $0x1  }
0x48: {  	[tilespmem:$0x50] =	vst v2;
	v2 =	vor.u32 v0, v3;
	v3 =	vshll.u32 v4, $0x1;
	v4 =	vld [tilespmem:$0xC0]  }
0x49: {  	[tilespmem:$0x60] =	vst v2;
	v2 =	vor.u32 v0, v3;
	v3 =	vshll.u32 v5, $0x1;
	v5 =	vld [tilespmem:$0xD0]  }
0x4a: {  	v55 =	vld [tilespmem:$0xE0];
	[tilespmem:$0x70] =	vst v2;
	v2 =	vor.u32 v0, v3;
	v3 =	vshll.u32 v52, $0x1  }
0x4b: {  	v56 =	vld [tilespmem:$0xF0];
	[tilespmem:$0x80] =	vst v2;
	v2 =	vor.u32 v0, v3;
	v3 =	vshll.u32 v53, $0x1  }
0x4c: {  	[tilespmem:$0x90] =	vst v2;
	v2 =	vor.u32 v0, v3;
	v3 =	vshll.u32 v54, $0x1  }
0x4d: {  	[tilespmem:$0xA0] =	vst v2;
	v2 =	vor.u32 v0, v3;
	v3 =	vshll.u32 v4, $0x1  }
0x4e: {  	[tilespmem:$0xB0] =	vst v2;
	v2 =	vor.u32 v0, v3;
	v3 =	vshll.u32 v5, $0x1  }
0x4f: {  	[tilespmem:$0xC0] =	vst v2;
	v2 =	vor.u32 v0, v3;
	v3 =	vshll.u32 v55, $0x1  }
0x50: {  	[tilespmem:$0xD0] =	vst v2;
	v2 =	vor.u32 v0, v3;
	v3 =	vshll.u32 v56, $0x1  }
0x51: {  	[tilespmem:$0xE0] =	vst v2;
	v2 =	vor.u32 v0, v3  }
0x52: {  	[tilespmem:$0xF0] =	vst v2  }
0x53: {  	[tilespmem:s18], [sflag:$0x1] =	stream.indirect.gather [hbm4b:s4+s21], $0x40, s26, s21, $0xb8;
	[tilespmem:$0x17F00] =	vst v63  }
0x54: {  	s28 =	simm.s32 $0x0;
	s29 =	simm.s32 $0x80  }
0x55: {  	[tilespmem:s22], [sflag:$0x2] =	stream.indirect.gather [hbm4b:s4+s21], $0x40, s29, s21, $0xb8;
	[tilespmem:$0x17F00] =	vst v63  }
0x56: {  	v2 =	vld [tilespmem:s28+$0x1F0]  }
0x57: {  	v3 =	vld [tilespmem:s28+$0x1B0]  }
0x58: {  	v4 =	vld [tilespmem:s28+$0x1D0]  }
0x59: {  	v5 =	vld [tilespmem:s28+$0x1E0]  }
0x5a: {  	v57 =	vld [tilespmem:s28+$0x1A0]  }
0x5b: {  	v58 =	vld [tilespmem:s28+$0x190];
	v2 =	vshll.u32 v2, $0x1  }
0x5c: {  	v59 =	vld [tilespmem:s28+$0x180];
	v3 =	vshll.u32 v3, $0x1;
	v2 =	vor.u32 v0, v2  }
0x5d: {  	v9 =	vld [tilespmem:s28+$0x170];
	v4 =	vshll.u32 v4, $0x1;
	[tilespmem:s28+$0x1F0] =	vst v2;
	v2 =	vor.u32 v0, v3  }
0x5e: {  	v5 =	vshll.u32 v5, $0x1;
	[tilespmem:s28+$0x1B0] =	vst v2;
	v2 =	vor.u32 v0, v4;
	v4 =	vld [tilespmem:s28+$0x150]  }
0x5f: {  	v6 =	vshll.u32 v57, $0x1;
	v3 =	vld [tilespmem:s28+$0x160];
	[tilespmem:s28+$0x1D0] =	vst v2;
	v2 =	vor.u32 v0, v5  }
0x60: {  	v7 =	vshll.u32 v58, $0x1;
	v5 =	vld [tilespmem:s28+$0x140];
	[tilespmem:s28+$0x1E0] =	vst v2;
	v2 =	vor.u32 v0, v6  }
0x61: {  	v61 =	vld [tilespmem:s28+$0x120];
	v8 =	vshll.u32 v59, $0x1;
	[tilespmem:s28+$0x1A0] =	vst v2;
	v2 =	vor.u32 v0, v7  }
0x62: {  	v60 =	vld [tilespmem:s28+$0x130];
	v8 =	vor.u32 v0, v8;
	[tilespmem:s28+$0x190] =	vst v2;
	v2 =	vshll.u32 v9, $0x1  }
0x63: {  	v62 =	vld [tilespmem:s28+$0x110];
	[tilespmem:s28+$0x180] =	vst v8;
	v2 =	vor.u32 v0, v2;
	v4 =	vshll.u32 v4, $0x1  }
0x64: {  	[tilespmem:s28+$0x170] =	vst v2;
	v2 =	vshll.u32 v3, $0x1;
	v3 =	vld [tilespmem:s28+$0x1C0];
	v4 =	vor.u32 v0, v4  }
0x65: {  	v63 =	vld [tilespmem:s28+$0x100];
	v5 =	vshll.u32 v5, $0x1;
	v2 =	vor.u32 v0, v2;
	[tilespmem:s28+$0x150] =	vst v4  }
0x66: {  	v5 =	vor.u32 v0, v5;
	v4 =	vshll.u32 v61, $0x1;
	[tilespmem:s28+$0x160] =	vst v2  }
0x67: {  	v2 =	vshll.u32 v60, $0x1;
	[tilespmem:s28+$0x140] =	vst v5;
	v4 =	vor.u32 v0, v4  }
0x68: {  	v5 =	vshll.u32 v62, $0x1;
	v2 =	vor.u32 v0, v2;
	[tilespmem:s28+$0x120] =	vst v4  }
0x69: {  	v5 =	vor.u32 v0, v5;
	[tilespmem:s28+$0x130] =	vst v2;
	v3 =	vshll.u32 v3, $0x1  }
0x6a: {  	s29 =	simm.s32 $0x400;
	v2 =	vshll.u32 v63, $0x1;
	[tilespmem:s28+$0x110] =	vst v5;
	v3 =	vor.u32 v0, v3  }
.LBB2_4:
0x6b: {  	v2 =	vor.u32 v0, v2;
	[tilespmem:s28+$0x1C0] =	vst v3;
	s30 =	smov.u32 s29;
	s29 =	sadd.s32 $0x400, s29  }
0x6c: {  	p0 =	sne.s32 s29, $0x13C00;
	[tilespmem:s28+$0x100] =	vst v2  }
0x6d: {  	_ =	swait.ge [sflag:s23], $0x2000  }
0x6e: {  	s31 =	sadd.s32 $0x5000, s28;
	[sflag:s23] =	ssyncset.done $0x0  }
0x6f: {  	[sflag:s23] =	ssyncadd.s32 $0xFFFFE000  }
0x70: {  	[spmem:s2] =	stream.indirect.scatter.add.f32 [tilespmem:s18], [sflag:$0x3], $0x40, s31, s21, $0xb8;
	[tilespmem:$0x17F00] =	vst v63  }
0x71: {  	p1 =	seq.s32 s26, $0x13800;
	s26 =	smov.u32 s30;
	_ =	swait.ge [sflag:s19], $0x2000  }
0x72: {  	s30 =	sadd.s32 $0x100, s28;
	s31 =	simm.s32 @!p1 $0x80;
	[sflag:s19] =	ssyncset.done $0x0  }
0x73: {  	s0 =	simm.s32 @!p1 $0x9F00;
	[sflag:s19] =	ssyncadd.s32 $0xFFFFE000  }
0x74: {  	[tilespmem:s0], [sflag:$0x1] =	stream.indirect.gather @!p1 [hbm4b:s4+s31], $0x40, s30, s31, $0xb8;
	[tilespmem:$0x17F00] =	vst v63  }
0x75: {  	_ =	swait.ge [sflag:s24], $0x2000  }
0x76: {  	s0 =	sadd.s32 $0x5080, s28;
	[sflag:s24] =	ssyncset.done $0x0  }
0x77: {  	[sflag:s24] =	ssyncadd.s32 $0xFFFFE000  }
0x78: {  	[spmem:s2] =	stream.indirect.scatter.add.f32 [tilespmem:s22], [sflag:$0x3], $0x40, s0, s21, $0xb8;
	[tilespmem:$0x17F00] =	vst v63  }
0x79: {  	s28 =	sshra.s32 s26, $0x2;
	_ =	swait.ge [sflag:s19], $0x2000  }
0x7a: {  	s0 =	sadd.s32 $0x80, s28;
	[sflag:s19] =	ssyncset.done $0x0  }
0x7b: {  	[sflag:s19] =	ssyncadd.s32 $0xFFFFE000  }
0x7c: {  	[tilespmem:s22], [sflag:$0x2] =	stream.indirect.gather [hbm4b:s4+s21], $0x40, s0, s21, $0xb8;
	[tilespmem:$0x17F00] =	vst v63  }
0x7d: {  	v2 =	vld [tilespmem:s28+$0x1F0]  }
0x7e: {  	v3 =	vld [tilespmem:s28+$0x1B0]  }
0x7f: {  	v4 =	vld [tilespmem:s28+$0x1D0]  }
0x80: {  	v5 =	vld [tilespmem:s28+$0x1E0]  }
0x81: {  	v6 =	vld [tilespmem:s28+$0x1A0]  }
0x82: {  	v7 =	vld [tilespmem:s28+$0x190];
	v2 =	vshll.u32 v2, $0x1  }
0x83: {  	v8 =	vld [tilespmem:s28+$0x180];
	v3 =	vshll.u32 v3, $0x1;
	v2 =	vor.u32 v0, v2  }
0x84: {  	v9 =	vld [tilespmem:s28+$0x170];
	v3 =	vor.u32 v0, v3;
	v4 =	vshll.u32 v4, $0x1;
	[tilespmem:s28+$0x1F0] =	vst v2  }
0x85: {  	v2 =	vld [tilespmem:s28+$0x160];
	[tilespmem:s28+$0x1B0] =	vst v3;
	v3 =	vor.u32 v0, v4;
	v4 =	vshll.u32 v5, $0x1  }
0x86: {  	v5 =	vld [tilespmem:s28+$0x150];
	v6 =	vshll.u32 v6, $0x1;
	[tilespmem:s28+$0x1D0] =	vst v3;
	v3 =	vor.u32 v0, v4  }
0x87: {  	v4 =	vld [tilespmem:s28+$0x140];
	v7 =	vshll.u32 v7, $0x1;
	v6 =	vor.u32 v0, v6;
	[tilespmem:s28+$0x1E0] =	vst v3  }
0x88: {  	v3 =	vld [tilespmem:s28+$0x130];
	v8 =	vshll.u32 v8, $0x1;
	v7 =	vor.u32 v0, v7;
	[tilespmem:s28+$0x1A0] =	vst v6  }
0x89: {  	v6 =	vld [tilespmem:s28+$0x120];
	v9 =	vshll.u32 v9, $0x1;
	v8 =	vor.u32 v0, v8;
	[tilespmem:s28+$0x190] =	vst v7  }
0x8a: {  	v7 =	vld [tilespmem:s28+$0x110];
	v2 =	vshll.u32 v2, $0x1;
	v9 =	vor.u32 v0, v9;
	[tilespmem:s28+$0x180] =	vst v8  }
0x8b: {  	v5 =	vshll.u32 v5, $0x1;
	v2 =	vor.u32 v0, v2;
	[tilespmem:s28+$0x170] =	vst v9;
	v8 =	vld [tilespmem:s28+$0x1C0]  }
0x8c: {  	v9 =	vld [tilespmem:s28+$0x100];
	v4 =	vshll.u32 v4, $0x1;
	v5 =	vor.u32 v0, v5;
	[tilespmem:s28+$0x160] =	vst v2  }
.Ltmp1:
0x8d: {  	v2 =	vshll.u32 v3, $0x1;
	v3 =	vor.u32 v0, v4;
	[tilespmem:s28+$0x150] =	vst v5;
	(pc) =	sbr.rel @p0 .LBB2_4-.Ltmp1, $4  }
0x8e: {  	v4 =	vshll.u32 v6, $0x1;
	v2 =	vor.u32 v0, v2;
	[tilespmem:s28+$0x140] =	vst v3  }
0x8f: {  	v3 =	vshll.u32 v7, $0x1;
	v4 =	vor.u32 v0, v4;
	[tilespmem:s28+$0x130] =	vst v2  }
0x90: {  	v3 =	vor.u32 v0, v3;
	[tilespmem:s28+$0x120] =	vst v4;
	v4 =	vshll.u32 v8, $0x1  }
0x91: {  	v2 =	vshll.u32 v9, $0x1;
	[tilespmem:s28+$0x110] =	vst v3;
	v3 =	vor.u32 v0, v4  }
0x92: {  	v2 =	vor.u32 v0, v2;
	[tilespmem:s28+$0x1C0] =	vst v3  }
0x93: {  	[tilespmem:s28+$0x100] =	vst v2  }
0x94: {  	_ =	swait.ge [sflag:s23], $0x2000  }
0x95: {  	[sflag:s23] =	ssyncset.done $0x0  }
0x96: {  	s0 =	sadd.s32 $0x5000, s28;
	[sflag:s23] =	ssyncadd.s32 $0xFFFFE000  }
0x97: {  	[spmem:s2] =	stream.indirect.scatter.add.f32 [tilespmem:s18], [sflag:$0x3], $0x40, s0, s21, $0xb8;
	[tilespmem:$0x17F00] =	vst v63  }
0x98: {  	p0 =	seq.s32 s26, $0x13800;
	_ =	swait.ge [sflag:s19], $0x2000  }
0x99: {  	s26 =	simm.s32 @!p0 $0x80;
	[sflag:s19] =	ssyncset.done $0x0  }
0x9a: {  	s29 =	simm.s32 @!p0 $0x9F00;
	s0 =	sadd.s32 $0x100, s28;
	[sflag:s19] =	ssyncadd.s32 $0xFFFFE000  }
0x9b: {  	[tilespmem:s29], [sflag:$0x1] =	stream.indirect.gather @!p0 [hbm4b:s4+s26], $0x40, s0, s26, $0xb8;
	[tilespmem:$0x17F00] =	vst v63  }
0x9c: {  	_ =	swait.ge [sflag:s24], $0x2000  }
0x9d: {  	[sflag:s24] =	ssyncset.done $0x0  }
0x9e: {  	s31 =	sadd.s32 $0x5080, s28;
	[sflag:s24] =	ssyncadd.s32 $0xFFFFE000  }
0x9f: {  	[spmem:s2] =	stream.indirect.scatter.add.f32 [tilespmem:s22], [sflag:$0x3], $0x40, s31, s21, $0xb8;
	[tilespmem:$0x17F00] =	vst v63  }
0xa0: {  	_ =	swait.ge [sflag:s19], $0x2000  }
0xa1: {  	[sflag:s19] =	ssyncset.done $0x0  }
0xa2: {  	[sflag:s19] =	ssyncadd.s32 $0xFFFFE000  }
0xa3: {  	[bflag:$0x0] =	sbarrier.arrive $0xFFFF  }
0xa4: {  	[tilespmem:s18], [sflag:$0x3] =	stream.linear.gather [spmem:s5], $0x2000, $0x38;
	[tilespmem:$0x17F00] =	vst v63  }
0xa5: {  	_ =	swait.ge [sflag:s19], $0x2000  }
0xa6: {  	[sflag:s19] =	ssyncset.done $0x0  }
0xa7: {  	[sflag:s19] =	ssyncadd.s32 $0xFFFFE000  }
0xa8: {  	[hbm4b:s12+s3] =	stream.linear.scatter [tilespmem:s18], [sflag:$0x3], $0x2000, $0x38;
	[tilespmem:$0x17F00] =	vst v63  }
0xa9: {  	_ =	swait.ge [sflag:s19], $0x2000  }
0xaa: {  	[sflag:s19] =	ssyncset.done $0x0  }
0xab: {  	[sflag:s19] =	ssyncadd.s32 $0xFFFFE000  }
0xac: {  	[tilespmem:s18], [sflag:$0x3] =	stream.linear.gather [spmem:s6], $0x2000, $0x38;
	[tilespmem:$0x17F00] =	vst v63  }
0xad: {  	_ =	swait.ge [sflag:s19], $0x2000  }
0xae: {  	[sflag:s19] =	ssyncset.done $0x0  }
0xaf: {  	[sflag:s19] =	ssyncadd.s32 $0xFFFFE000  }
0xb0: {  	[hbm4b:s13+s3] =	stream.linear.scatter [tilespmem:s18], [sflag:$0x3], $0x2000, $0x38;
	[tilespmem:$0x17F00] =	vst v63  }
0xb1: {  	_ =	swait.ge [sflag:s19], $0x2000  }
0xb2: {  	[sflag:s19] =	ssyncset.done $0x0  }
0xb3: {  	[sflag:s19] =	ssyncadd.s32 $0xFFFFE000  }
0xb4: {  	[tilespmem:s18], [sflag:$0x3] =	stream.linear.gather [spmem:s7], $0x2000, $0x38;
	[tilespmem:$0x17F00] =	vst v63  }
0xb5: {  	_ =	swait.ge [sflag:s19], $0x2000  }
0xb6: {  	[sflag:s19] =	ssyncset.done $0x0  }
0xb7: {  	[sflag:s19] =	ssyncadd.s32 $0xFFFFE000  }
0xb8: {  	[hbm4b:s14+s3] =	stream.linear.scatter [tilespmem:s18], [sflag:$0x3], $0x2000, $0x38;
	[tilespmem:$0x17F00] =	vst v63  }
0xb9: {  	_ =	swait.ge [sflag:s19], $0x2000  }
0xba: {  	[sflag:s19] =	ssyncset.done $0x0  }
0xbb: {  	[sflag:s19] =	ssyncadd.s32 $0xFFFFE000  }
0xbc: {  	[tilespmem:s18], [sflag:$0x3] =	stream.linear.gather [spmem:s8], $0x2000, $0x38;
	[tilespmem:$0x17F00] =	vst v63  }
0xbd: {  	_ =	swait.ge [sflag:s19], $0x2000  }
0xbe: {  	[sflag:s19] =	ssyncset.done $0x0  }
0xbf: {  	[sflag:s19] =	ssyncadd.s32 $0xFFFFE000  }
0xc0: {  	[hbm4b:s15+s3] =	stream.linear.scatter [tilespmem:s18], [sflag:$0x3], $0x2000, $0x38;
	[tilespmem:$0x17F00] =	vst v63  }
0xc1: {  	_ =	swait.ge [sflag:s19], $0x2000  }
0xc2: {  	[sflag:s19] =	ssyncset.done $0x0  }
0xc3: {  	[sflag:s19] =	ssyncadd.s32 $0xFFFFE000  }
0xc4: {  	[tilespmem:s18], [sflag:$0x3] =	stream.linear.gather [spmem:s9], $0x2000, $0x38;
	[tilespmem:$0x17F00] =	vst v63  }
0xc5: {  	s25 =	sadd.s32 $0x1, s25;
	_ =	swait.ge [sflag:s19], $0x2000  }
0xc6: {  	p0 =	sne.s32 s25, s17;
	[sflag:s19] =	ssyncset.done $0x0  }
.Ltmp2:
0xc7: {  	[sflag:s19] =	ssyncadd.s32 $0xFFFFE000;
	(pc) =	sbr.rel @p0 .LBB2_1-.Ltmp2, $4  }
0xc8: {  	[hbm4b:s16+s3] =	stream.linear.scatter [tilespmem:s18], [sflag:$0x3], $0x2000, $0x38;
	[tilespmem:$0x17F00] =	vst v63  }
0xc9: {  	_ =	swait.ge [sflag:s19], $0x2000  }
0xca: {  	[sflag:s19] =	ssyncset.done $0x0  }
0xcb: {  	[sflag:s19] =	ssyncadd.s32 $0xFFFFE000  }
0xcc: {  	_ =	sfence.sel $0x180000  }
0xcd: {  	[bflag:$0x0] =	sbarrier.arrive $0xFFFF  }
0xce: {  	_ =	strace $0x9000004A  }
0xcf: {  	[bflag:$0x2] =	sbarrier.arrive $0xFFFF  }
0xd0: {  	p0 =	sne.s32 s1, $0x0;
	s0 =	rddreg [dreg:$0x3]  }
0xd1: {  	s0 =	sadd.s32 @!p0 $0x100000, s0  }
0xd2: {  	[sflag:s0] =	ssyncadd.tile.s32 @!p0 $0x1;
	_ =	shalt  }
.Lfunc_end2:
_tile_overlayer_lowered:
.L_overlay_start_2:
0xd3: {  	(tag) =	ssettag $0x2  }
0xd4: {  	s0 =	rddreg [dreg:$0x0];
	s2 =	stileid.u32  }
0xd5: {  	s1 =	rddreg [dreg:$0x1];
	p0 =	sne.s32 s2, $0x0  }
0xd6: {  	s3 =	rddreg [dreg:$0x2];
	[bflag:$0x3] =	sbarrier.arrive $0xFFFF;
	s2 =	simm.s32 @!p0 $0x1C03  }
0xd7: {  	[timem:s3], [sflag:s2] =	dma.local @!p0 [hbm:s0], s1  }
0xd8: {  	s0 =	simm.s32 @!p0 $0x3  }
0xd9: {  	_ =	swait.ge @!p0 [sflag:s0], s1  }
0xda: {  	s1 =	ssub.s32 @!p0 $0x0, s1;
	[sflag:s0] =	ssyncset.done @!p0 $0x0  }
0xdb: {  	[sflag:s0] =	ssyncadd.s32 @!p0 s1  }
0xdc: {  	[bflag:$0x3] =	sbarrier.arrive $0xFFFF  }
0xdd: {  	_ =	shalt  }

// kernel: kernel.7.cloned.1.call-start
scs
__scs_entry_jumppad:
0x0: {  	(pc) =	sbr.rel $0x88, $3  }
0x1: {  	(tag) =	ssettag $0x0;
	lr =	simm.s32 $0x1  }
0x2: {  	[smem:$0x3F98] =	sst lr;
	_ =	strace $0xD0000000  }
0x3: {  	_ = 	snop  }
0x4: {  	_ = 	snop  }
0x5: {  	_ = 	snop  }
0x6: {  	_ = 	snop  }
0x7: {  	_ = 	snop  }
__scs_overlays_trampoline_lowered:
0x8: {  	[smem:$0x3FA7] =	sst s0  }
0x9: {  	[smem:$0x3FA8] =	sst s1  }
0xa: {  	[smem:$0x3FA9] =	sst s2  }
0xb: {  	[smem:$0x3FAA] =	sst s3  }
0xc: {  	[smem:$0x3FAB] =	sst s4  }
0xd: {  	[smem:$0x3FAC] =	sst s5  }
0xe: {  	[smem:$0x3FAD] =	sst s6  }
0xf: {  	[smem:$0x3FAE] =	sst s7  }
0x10: {  	[smem:$0x3FAF] =	sst s8  }
0x11: {  	[smem:$0x3FB0] =	sst s9;
	s0 =	simm.s32 @!p0 $0x0  }
0x12: {  	s1 =	sld [smem:$0x3F96];
	s0 =	simm.s32 @p0 $0x1  }
0x13: {  	[smem:$0x3FB1] =	sst s0;
	s0 =	simm.s32 @!p1 $0x0  }
0x14: {  	s2 =	sld [smem:$0x3F95];
	s0 =	simm.s32 @p1 $0x1  }
0x15: {  	[smem:$0x3FB2] =	sst s0;
	s0 =	simm.s32 @!p2 $0x0  }
0x16: {  	s3 =	sld [smem:$0x3FDB];
	s0 =	simm.s32 @p2 $0x1  }
0x17: {  	s4 =	simm.s32 $0x1BF5;
	[smem:$0x3FB4] =	sst s0  }
0x18: {  	s0 =	sld [smem:$0x3F97];
	_ =	swait.ge [sflag:s4], $0x0  }
0x19: {  	s7 =	sld [smem:$0x3F98]  }
0x1a: {  	s8 =	sadd.s32 $0xFFFFE003, lr  }
0x1b: {  	s9 =	sadd.s32 $0xFFFFFEF7, lr;
	s5 =	simm.s32 $0xFFFFFFFF;
	p2 =	slt.u32 s8, $0xFFFFF086  }
0x1c: {  	p1 =	slt.u32 s9, $0xF7A;
	s5 =	simm.s32 @!p2 $0x0  }
0x1d: {  	s5 =	simm.s32 @p1 $0x1;
	p0 =	seq.s32 s7, s2  }
0x1e: {  	s7 =	smul.u32 @!p0 $0xF7A, s2;
	p2 =	seq.s32 @!p0 s5, $0x0  }
0x1f: {  	s9 =	smul.u32 $0xF7A, s1;
	s8 =	simm.s32 @!p0 $0x1BF5;
	p2 =	por !p2, p0  }
0x20: {  	[sflag:s8] =	ssyncset.s32 @!p0 $0xFFFFF086;
	s6 =	sadd.s32 @!p0 s3, s7;
	s7 =	simm.s32 @!p0 $0x108  }
0x21: {  	s3 =	sadd.s32 s3, s9;
	s6 =	sadd.s32 @!p0 $0x88, s6;
	s7 =	simm.s32 @p2 $0x1082  }
0x22: {  	[simem:s7], [sflag:s8] =	dma.local @!p0 [hbm:s6], $0xF7A  }
0x23: {  	s9 =	sor.u32 $0xD0000000, s2;
	s6 =	simm.s32 $0x108;
	_ =	swait.ge @!p0 [sflag:s8], $0x0  }
0x24: {  	s3 =	sadd.s32 $0x88, s3;
	s6 =	simm.s32 @!p1 $0x1082;
	[sflag:s4] =	ssyncset.s32 $0xFFFFF086  }
0x25: {  	[simem:s6], [sflag:s4] =	dma.local [hbm:s3], $0xF7A  }
0x26: {  	[smem:$0x3F98] =	sst s1;
	(tag) =	ssettag s2;
	_ =	strace s9  }
0x27: {  	s1 =	sld [smem:$0x3FA8]  }
0x28: {  	s2 =	sld [smem:$0x3FA9]  }
0x29: {  	s4 =	sld [smem:$0x3FAB]  }
0x2a: {  	p0 =	seq.s32 s5, $0x0;
	s5 =	sld [smem:$0x3FAC]  }
0x2b: {  	s6 =	sld [smem:$0x3FAD]  }
0x2c: {  	s7 =	sld [smem:$0x3FAE]  }
0x2d: {  	s3 =	simm.s32 $0x108;
	s8 =	sld [smem:$0x3FAF]  }
0x2e: {  	s3 =	simm.s32 @!p0 $0x1082;
	s9 =	sld [smem:$0x3FB0]  }
0x2f: {  	lr =	sadd.s32 s0, s3;
	s0 =	sld [smem:$0x3FA7]  }
0x30: {  	s3 =	sld [smem:$0x3FAA]  }
0x31: {  	[smem:$0x3FB3] =	sst s10  }
0x32: {  	s10 =	sld [smem:$0x3FB1];
	_ =	sdelay $0x3  }
0x33: {  	p0 =	seq.s32 s10, $0x1;
	s10 =	sld [smem:$0x3FB3];
	_ =	sdelay $0x3  }
0x34: {  	[smem:$0x3FB3] =	sst s10  }
0x35: {  	s10 =	sld [smem:$0x3FB2];
	_ =	sdelay $0x3  }
0x36: {  	p1 =	seq.s32 s10, $0x1;
	s10 =	sld [smem:$0x3FB3];
	_ =	sdelay $0x3  }
0x37: {  	[smem:$0x3FB3] =	sst s10  }
0x38: {  	s10 =	sld [smem:$0x3FB4]  }
0x39: {  	_ = 	snop;
	(pc) =	sbr.ind lr, $3  }
0x3a: {  	_ = 	snop  }
0x3b: {  	_ = 	snop  }
0x3c: {  	p2 =	seq.s32 s10, $0x1;
	s10 =	sld [smem:$0x3FB3]  }
0x3d: {  	_ =	shalt  }
0x3e: {  	_ =	shalt  }
0x3f: {  	_ =	shalt  }
0x40: {  	_ =	shalt  }
0x41: {  	_ =	shalt  }
0x42: {  	_ =	shalt  }
0x43: {  	_ =	shalt  }
0x44: {  	_ =	shalt  }
0x45: {  	_ =	shalt  }
0x46: {  	_ =	shalt  }
0x47: {  	_ =	shalt  }
0x48: {  	_ =	shalt  }
0x49: {  	_ =	shalt  }
0x4a: {  	_ =	shalt  }
0x4b: {  	_ =	shalt  }
0x4c: {  	_ =	shalt  }
0x4d: {  	_ =	shalt  }
0x4e: {  	_ =	shalt  }
0x4f: {  	_ =	shalt  }
0x50: {  	_ =	shalt  }
0x51: {  	_ =	shalt  }
0x52: {  	_ =	shalt  }
0x53: {  	_ =	shalt  }
0x54: {  	_ =	shalt  }
0x55: {  	_ =	shalt  }
0x56: {  	_ =	shalt  }
0x57: {  	_ =	shalt  }
0x58: {  	_ =	shalt  }
0x59: {  	_ =	shalt  }
0x5a: {  	_ =	shalt  }
0x5b: {  	_ =	shalt  }
0x5c: {  	_ =	shalt  }
0x5d: {  	_ =	shalt  }
0x5e: {  	_ =	shalt  }
0x5f: {  	_ =	shalt  }
0x60: {  	_ =	shalt  }
0x61: {  	_ =	shalt  }
0x62: {  	_ =	shalt  }
0x63: {  	_ =	shalt  }
0x64: {  	_ =	shalt  }
0x65: {  	_ =	shalt  }
0x66: {  	_ =	shalt  }
0x67: {  	_ =	shalt  }
0x68: {  	_ =	shalt  }
0x69: {  	_ =	shalt  }
0x6a: {  	_ =	shalt  }
0x6b: {  	_ =	shalt  }
0x6c: {  	_ =	shalt  }
0x6d: {  	_ =	shalt  }
0x6e: {  	_ =	shalt  }
0x6f: {  	_ =	shalt  }
0x70: {  	_ =	shalt  }
0x71: {  	_ =	shalt  }
0x72: {  	_ =	shalt  }
0x73: {  	_ =	shalt  }
0x74: {  	_ =	shalt  }
0x75: {  	_ =	shalt  }
0x76: {  	_ =	shalt  }
0x77: {  	_ =	shalt  }
0x78: {  	_ =	shalt  }
0x79: {  	_ =	shalt  }
0x7a: {  	_ =	shalt  }
0x7b: {  	_ =	shalt  }
0x7c: {  	_ =	shalt  }
0x7d: {  	_ =	shalt  }
0x7e: {  	_ =	shalt  }
0x7f: {  	_ =	shalt  }
0x80: {  	_ =	shalt  }
0x81: {  	_ =	shalt  }
0x82: {  	_ =	shalt  }
0x83: {  	_ =	shalt  }
0x84: {  	_ =	shalt  }
0x85: {  	_ =	shalt  }
0x86: {  	_ =	shalt  }
0x87: {  	_ =	shalt  }
.Lfunc_end0:
.L_simem_size_0:
called_computation_lowered:
.L_overlay_start_0:
0x88: {  	s2 =	sld [smem:$0x3FD9]  }
0x89: {  	s3 =	sld [smem:$0x3FFE];
	_ =	sdelay $0x1  }
0x8a: {  	s1 =	srdreg.scid  }
0x8b: {  	s0 =	sand.u32 $0x1, s1  }
0x8c: {  	s17 =	sshll.u32 s0, $0xA;
	s2 =	sadd.s32 s3, s2  }
0x8d: {  	s2 =	sadd.s32 s2, s17  }
0x8e: {  	[smem:$0x3FBF] =	sst s2  }
0x8f: {  	_ = 	snop  }
0x90: {  	s2 =	sld [smem:$0x3FD0];
	(tm) =	ssettm $0x1  }
0x91: {  	s18 =	sld [smem:$0x3FFB];
	_ =	sdelay $0x3  }
0x92: {  	_ =	strace s18  }
0x93: {  	s3 =	sld [smem:$0x3FFC];
	_ =	sdelay $0x3  }
0x94: {  	_ =	strace s3  }
0x95: {  	s3 =	sld [smem:$0x3FFD];
	_ =	sdelay $0x3  }
0x96: {  	_ =	strace s3  }
0x97: {  	_ =	strace $0x8FFFFFFF  }
0x98: {  	s19 =	sld [smem:$0x3FDB];
	_ =	sdelay $0x1  }
0x99: {  	s4 =	simm.s32 $_scs_section_size  }
0x9a: {  	s5 =	simm.s32 $_size__tile_overlayer_lowered;
	s6 =	simm.s32 $_tile_overlayer_lowered  }
0x9b: {  	s22 =	simm.s32 $0x1BFF;
	s21 =	sshll.u32 s6, $0x1;
	s3 =	sadd.s32 s4, s19  }
0x9c: {  	s7 =	simm.s32 $0x0;
	s20 =	sshll.u32 s5, $0x1;
	s5 =	sadd.s32 s21, s3  }
0x9d: {  	[timem:s7], [sflag:s22] =	dma.local [hbm:s5], s20  }
0x9e: {  	_ =	swait.ge [sflag:s22], s20  }
0x9f: {  	s4 =	ssub.s32 $0x0, s20;
	[sflag:s22] =	ssyncset.done $0x0  }
0xa0: {  	[sflag:s22] =	ssyncadd.s32 s4;
	_ =	sdelay $0x1  }
0xa1: {  	s23 =	simm.s32 $0x1B8B  }
0xa2: {  	_ =	swait.ge [sflag:s23], $0x1  }
0xa3: {  	[sflag:s23] =	ssyncset.done $0x0  }
0xa4: {  	s25 =	simm.s32 $0x1B8E;
	s24 =	sld [smem:$0x3FFE];
	[sflag:s23] =	ssyncadd.s32 $0xFFFFFFFF  }
0xa5: {  	s26 =	simm.s32 $execute0_lowered;
	[smem:$0x3FD2] =	sst s25  }
0xa6: {  	s5 =	sshll.u32 s26, $0x1;
	_ =	strace $0x80000046;
	[dreg:$0x1] =	wrdreg $0xFFFFFFFF  }
0xa7: {  	s28 =	simm.s32 $_size_execute0_lowered;
	s3 =	sadd.s32 s3, s5;
	[dreg:$0x0] =	wrdreg $0x0  }
0xa8: {  	s5 =	sshll.u32 s28, $0x1;
	[dreg:$0x2] =	wrdreg s3  }
0xa9: {  	[dreg:$0x3] =	wrdreg s5  }
0xaa: {  	[dreg:$0x4] =	wrdreg $0xC0  }
0xab: {  	_ =	task [dreg:s7], $0x5FFFF  }
0xac: {  	[dreg:$0x1] =	wrdreg $0xFFFFFFFF  }
0xad: {  	[dreg:$0x0] =	wrdreg $0x60  }
0xae: {  	[dreg:$0x2] =	wrdreg s2  }
0xaf: {  	[dreg:$0x3] =	wrdreg s24  }
0xb0: {  	[dreg:$0x4] =	wrdreg $0xDF000  }
0xb1: {  	[dreg:$0x5] =	wrdreg $0x9  }
0xb2: {  	_ =	task.clear_ibuf [dreg:s7], $0x6FFFF;
	_ =	strace $0x90000046  }
0xb3: {  	s29 =	simm.s32 $0x9;
	_ =	strace $0x80000048  }
0xb4: {  	_ =	swait.ge [sflag:s29], $0x1  }
0xb5: {  	[sflag:s29] =	ssyncadd.s32 $0xFFFFFFFF  }
0xb6: {  	_ =	strace $0x90000048  }
0xb7: {  	_ =	sfence  }
0xb8: {  	s30 =	sld [smem:$0x0];
	_ =	sdelay $0x2  }
0xb9: {  	s31 =	sshll.u32 s1, $0xD;
	s1 =	sshrl.u32 s1, $0x2  }
0xba: {  	s3 =	sand.u32 $0x4000, s31;
	s1 =	sadd.s32 s1, s30  }
0xbb: {  	s0 =	sor.u32 s3, s0;
	s1 =	sshll.u32 s1, $0x11  }
0xbc: {  	s0 =	sor.u32 s1, s0  }
0xbd: {  	s0 =	sadd.s32 $0x8F2B, s0  }
0xbe: {  	[sflag:s0] =	ssyncadd.remote.s32 $0x1  }
0xbf: {  	_ =	sfence.sel $0xFFFF  }
0xc0: {  	[dreg:$0x0] =	wrdreg $0xFFFFFFFF;
	(pc) =	sbr.abs _section_cstart, $3  }
0xc1: {  	[dreg:$0x1] =	wrdreg $0xFFFFFFFF  }
0xc2: {  	_ =	task.clear_ibuf [dreg:s7], $0x2FFFF;
	_ =	strace $0x9FFFFFFF  }
0xc3: {  	(tm) =	ssettm $0x7FFFFFFF  }
tec
execute0_lowered:
.L_overlay_start_1:
0x0: {  	(tag) =	ssettag $0x1  }
0x1: {  	s10 =	rddreg [dreg:$0x0]  }
0x2: {  	s5 =	rddreg [dreg:$0x1]  }
0x3: {  	s2 =	rddreg [dreg:$0x2];
	s3 =	simm.s32 $0x0;
	s1 =	stileid.u32  }
0x4: {  	s4 =	srdreg.scid;
	s21 =	simm.s32 $0x80;
	s22 =	simm.s32 $0xBF00  }
0x5: {  	s24 =	simm.s32 $0x2;
	s25 =	simm.s32 $0x0;
	s11 =	smul.u32 $0x9E0, s1  }
0x6: {  	[smem:$0x7FF] =	sst s3;
	s23 =	sand.u32 $0x1, s4;
	s12 =	smul.u32 $0xA000, s1  }
0x7: {  	s4 =	sadd.s32 $0xB800, s5;
	s16 =	sadd.s32 $0x144000, s5;
	_ =	strace $0x80000047  }
0x8: {  	s6 =	ssub.s32 $0x2, s23;
	s19 =	smul.u32 $0xA0000, s23;
	v0 =	vmov s23;
	s23 =	simm.s32 $0x1  }
0x9: {  	s13 =	sadd.s32 s11, s5;
	s28 =	sshrl.u32 s6, $0x1;
	s14 =	sadd.s32 $0x2000, s12  }
0xa: {  	s5 =	sadd.s32 s12, s2;
	s15 =	sadd.s32 $0x4000, s12;
	s18 =	sadd.s32 $0x6000, s12  }
0xb: {  	s20 =	sadd.s32 $0x8000, s12;
	s10 =	sadd.s32 s10, s11;
	s17 =	ssub.s32 s6, s28  }
0xc: {  	s6 =	sadd.s32 s14, s2;
	s7 =	sadd.s32 s15, s2;
	s8 =	sadd.s32 s18, s2  }
0xd: {  	s9 =	sadd.s32 s20, s2;
	s12 =	sadd.s32 s12, s19;
	s14 =	sadd.s32 s19, s14  }
0xe: {  	s11 =	sadd.s32 $0x1A00, s13;
	s29 =	sadd.s32 s19, s15;
	s30 =	sadd.s32 s19, s18  }
0xf: {  	s31 =	sadd.s32 s19, s20;
	s19 =	simm.s32 $0x3;
	s20 =	simm.s32 $0x5000  }
0x10: {  	s12 =	sshrl.u32 s12, $0x3;
	s14 =	sshrl.u32 s14, $0x3;
	s15 =	sshrl.u32 s30, $0x3  }
0x11: {  	s18 =	sshrl.u32 s31, $0x3;
	s17 =	smax.u32 s17, $0x1;
	s12 =	sadd.s32 s16, s12  }
0x12: {  	s13 =	sadd.s32 s16, s14;
	s14 =	sshrl.u32 s29, $0x3;
	s15 =	sadd.s32 s16, s15  }
0x13: {  	v1 =	vimm.f32 $0.0e+00;
	s14 =	sadd.s32 s16, s14;
	s16 =	sadd.s32 s16, s18;
	s18 =	simm.s32 $0x9F00  }
.LBB2_1:
0x14: {  	s26 =	sand.u32 $0x7F00, s3  }
0x15: {  	s28 =	sand.u32 $0x30, s3;
	s29 =	sshrl.u32 s26, $0x2  }
0x16: {  	s26 =	simm.s32 $0x40;
	s29 =	sor.u32 s28, s29;
	s28 =	simm.s32 $0x0  }
.LBB2_2:
0x17: {  	p0 =	sne.s32 s26, $0x7FC0  }
0x18: {  	[tilespmem:s29+$0x9F00] =	vst v1;
	s28 =	sadd.s32 $0x10, s28;
	s29 =	smov.u32 s26;
	s26 =	sadd.s32 $0x40, s26  }
.Ltmp0:
0x19: {  	(pc) =	sbr.rel @p0 .LBB2_2-.Ltmp0, $4  }
0x1a: {  	_ = 	snop  }
0x1b: {  	s29 =	sand.u32 $0x7F00, s29  }
0x1c: {  	s30 =	sand.u32 $0x30, s28;
	s29 =	sshrl.u32 s29, $0x2  }
0x1d: {  	s29 =	sor.u32 s30, s29  }
0x1e: {  	[tilespmem:s29+$0x9F00] =	vst v1  }
0x1f: {  	[spmem:s5] =	stream.linear.scatter [tilespmem:s18], [sflag:$0x3], $0x2000, $0x38;
	[tilespmem:$0x17F00] =	vst v63  }
0x20: {  	_ =	swait.ge [sflag:s19], $0x2000  }
0x21: {  	[sflag:s19] =	ssyncset.done $0x0  }
0x22: {  	[sflag:s19] =	ssyncadd.s32 $0xFFFFE000  }
0x23: {  	[spmem:s6] =	stream.linear.scatter [tilespmem:s18], [sflag:$0x3], $0x2000, $0x38;
	[tilespmem:$0x17F00] =	vst v63  }
0x24: {  	_ =	swait.ge [sflag:s19], $0x2000  }
0x25: {  	[sflag:s19] =	ssyncset.done $0x0  }
0x26: {  	[sflag:s19] =	ssyncadd.s32 $0xFFFFE000  }
0x27: {  	[spmem:s7] =	stream.linear.scatter [tilespmem:s18], [sflag:$0x3], $0x2000, $0x38;
	[tilespmem:$0x17F00] =	vst v63  }
0x28: {  	_ =	swait.ge [sflag:s19], $0x2000  }
0x29: {  	[sflag:s19] =	ssyncset.done $0x0  }
0x2a: {  	[sflag:s19] =	ssyncadd.s32 $0xFFFFE000  }
0x2b: {  	[spmem:s8] =	stream.linear.scatter [tilespmem:s18], [sflag:$0x3], $0x2000, $0x38;
	[tilespmem:$0x17F00] =	vst v63  }
0x2c: {  	_ =	swait.ge [sflag:s19], $0x2000  }
0x2d: {  	[sflag:s19] =	ssyncset.done $0x0  }
0x2e: {  	[sflag:s19] =	ssyncadd.s32 $0xFFFFE000  }
0x2f: {  	[spmem:s9] =	stream.linear.scatter [tilespmem:s18], [sflag:$0x3], $0x2000, $0x38;
	[tilespmem:$0x17F00] =	vst v63  }
0x30: {  	_ =	swait.ge [sflag:s19], $0x2000  }
0x31: {  	[sflag:s19] =	ssyncset.done $0x0  }
0x32: {  	[sflag:s19] =	ssyncadd.s32 $0xFFFFE000  }
0x33: {  	s26 =	simm.s32 $0x0;
	[bflag:$0x0] =	sbarrier.arrive $0xFFFF  }
0x34: {  	[tilespmem:s26], [sflag:$0x3] =	stream.linear.gather [hbm4b:s10+s26], $0x4F00, $0x38;
	[tilespmem:$0x17F00] =	vst v63  }
0x35: {  	_ =	swait.ge [sflag:s19], $0x4F00  }
0x36: {  	[sflag:s19] =	ssyncset.done $0x0  }
0x37: {  	[sflag:s19] =	ssyncadd.s32 $0xFFFFB100  }
0x38: {  	[tilespmem:s20], [sflag:$0x3] =	stream.linear.gather [hbm4b:s11+s26], $0x4F00, $0x38;
	[tilespmem:$0x17F00] =	vst v63  }
0x39: {  	_ =	swait.ge [sflag:s19], $0x4F00  }
0x3a: {  	[sflag:s19] =	ssyncset.done $0x0  }
0x3b: {  	[sflag:s19] =	ssyncadd.s32 $0xFFFFB100  }
0x3c: {  	v2 =	vld [tilespmem:$0x0]  }
0x3d: {  	v3 =	vld [tilespmem:$0x10]  }
0x3e: {  	v4 =	vld [tilespmem:$0x20]  }
0x3f: {  	v5 =	vld [tilespmem:$0x30]  }
0x40: {  	v6 =	vld [tilespmem:$0x40]  }
0x41: {  	v7 =	vld [tilespmem:$0x50];
	v2 =	vshll.u32 v2, $0x1  }
0x42: {  	v8 =	vld [tilespmem:$0x60];
	v3 =	vshll.u32 v3, $0x1;
	v2 =	vor.u32 v0, v2  }
0x43: {  	[tilespmem:$0x0] =	vst v2;
	v2 =	vor.u32 v0, v3;
	v3 =	vshll.u32 v4, $0x1;
	v4 =	vld [tilespmem:$0x70]  }
0x44: {  	[tilespmem:$0x10] =	vst v2;
	v2 =	vor.u32 v0, v3;
	v3 =	vshll.u32 v5, $0x1;
	v5 =	vld [tilespmem:$0x80]  }
0x45: {  	v52 =	vld [tilespmem:$0x90];
	[tilespmem:$0x20] =	vst v2;
	v2 =	vor.u32 v0, v3;
	v3 =	vshll.u32 v6, $0x1  }
0x46: {  	v53 =	vld [tilespmem:$0xA0];
	[tilespmem:$0x30] =	vst v2;
	v2 =	vor.u32 v0, v3;
	v3 =	vshll.u32 v7, $0x1  }
0x47: {  	v54 =	vld [tilespmem:$0xB0];
	[tilespmem:$0x40] =	vst v2;
	v2 =	vor.u32 v0, v3;
	v3 =	vshll.u32 v8, $0x1  }
0x48: {  	[tilespmem:$0x50] =	vst v2;
	v2 =	vor.u32 v0, v3;
	v3 =	vshll.u32 v4, $0x1;
	v4 =	vld [tilespmem:$0xC0]  }
0x49: {  	[tilespmem:$0x60] =	vst v2;
	v2 =	vor.u32 v0, v3;
	v3 =	vshll.u32 v5, $0x1;
	v5 =	vld [tilespmem:$0xD0]  }
0x4a: {  	v55 =	vld [tilespmem:$0xE0];
	[tilespmem:$0x70] =	vst v2;
	v2 =	vor.u32 v0, v3;
	v3 =	vshll.u32 v52, $0x1  }
0x4b: {  	v56 =	vld [tilespmem:$0xF0];
	[tilespmem:$0x80] =	vst v2;
	v2 =	vor.u32 v0, v3;
	v3 =	vshll.u32 v53, $0x1  }
0x4c: {  	[tilespmem:$0x90] =	vst v2;
	v2 =	vor.u32 v0, v3;
	v3 =	vshll.u32 v54, $0x1  }
0x4d: {  	[tilespmem:$0xA0] =	vst v2;
	v2 =	vor.u32 v0, v3;
	v3 =	vshll.u32 v4, $0x1  }
0x4e: {  	[tilespmem:$0xB0] =	vst v2;
	v2 =	vor.u32 v0, v3;
	v3 =	vshll.u32 v5, $0x1  }
0x4f: {  	[tilespmem:$0xC0] =	vst v2;
	v2 =	vor.u32 v0, v3;
	v3 =	vshll.u32 v55, $0x1  }
0x50: {  	[tilespmem:$0xD0] =	vst v2;
	v2 =	vor.u32 v0, v3;
	v3 =	vshll.u32 v56, $0x1  }
0x51: {  	[tilespmem:$0xE0] =	vst v2;
	v2 =	vor.u32 v0, v3  }
0x52: {  	[tilespmem:$0xF0] =	vst v2  }
0x53: {  	[tilespmem:s18], [sflag:$0x1] =	stream.indirect.gather [hbm4b:s4+s21], $0x40, s26, s21, $0xb8;
	[tilespmem:$0x17F00] =	vst v63  }
0x54: {  	s28 =	simm.s32 $0x0;
	s29 =	simm.s32 $0x80  }
0x55: {  	[tilespmem:s22], [sflag:$0x2] =	stream.indirect.gather [hbm4b:s4+s21], $0x40, s29, s21, $0xb8;
	[tilespmem:$0x17F00] =	vst v63  }
0x56: {  	v2 =	vld [tilespmem:s28+$0x1F0]  }
0x57: {  	v3 =	vld [tilespmem:s28+$0x1B0]  }
0x58: {  	v4 =	vld [tilespmem:s28+$0x1D0]  }
0x59: {  	v5 =	vld [tilespmem:s28+$0x1E0]  }
0x5a: {  	v57 =	vld [tilespmem:s28+$0x1A0]  }
0x5b: {  	v58 =	vld [tilespmem:s28+$0x190];
	v2 =	vshll.u32 v2, $0x1  }
0x5c: {  	v59 =	vld [tilespmem:s28+$0x180];
	v3 =	vshll.u32 v3, $0x1;
	v2 =	vor.u32 v0, v2  }
0x5d: {  	v9 =	vld [tilespmem:s28+$0x170];
	v4 =	vshll.u32 v4, $0x1;
	[tilespmem:s28+$0x1F0] =	vst v2;
	v2 =	vor.u32 v0, v3  }
0x5e: {  	v5 =	vshll.u32 v5, $0x1;
	[tilespmem:s28+$0x1B0] =	vst v2;
	v2 =	vor.u32 v0, v4;
	v4 =	vld [tilespmem:s28+$0x150]  }
0x5f: {  	v6 =	vshll.u32 v57, $0x1;
	v3 =	vld [tilespmem:s28+$0x160];
	[tilespmem:s28+$0x1D0] =	vst v2;
	v2 =	vor.u32 v0, v5  }
0x60: {  	v7 =	vshll.u32 v58, $0x1;
	v5 =	vld [tilespmem:s28+$0x140];
	[tilespmem:s28+$0x1E0] =	vst v2;
	v2 =	vor.u32 v0, v6  }
0x61: {  	v61 =	vld [tilespmem:s28+$0x120];
	v8 =	vshll.u32 v59, $0x1;
	[tilespmem:s28+$0x1A0] =	vst v2;
	v2 =	vor.u32 v0, v7  }
0x62: {  	v60 =	vld [tilespmem:s28+$0x130];
	v8 =	vor.u32 v0, v8;
	[tilespmem:s28+$0x190] =	vst v2;
	v2 =	vshll.u32 v9, $0x1  }
0x63: {  	v62 =	vld [tilespmem:s28+$0x110];
	[tilespmem:s28+$0x180] =	vst v8;
	v2 =	vor.u32 v0, v2;
	v4 =	vshll.u32 v4, $0x1  }
0x64: {  	[tilespmem:s28+$0x170] =	vst v2;
	v2 =	vshll.u32 v3, $0x1;
	v3 =	vld [tilespmem:s28+$0x1C0];
	v4 =	vor.u32 v0, v4  }
0x65: {  	v63 =	vld [tilespmem:s28+$0x100];
	v5 =	vshll.u32 v5, $0x1;
	v2 =	vor.u32 v0, v2;
	[tilespmem:s28+$0x150] =	vst v4  }
0x66: {  	v5 =	vor.u32 v0, v5;
	v4 =	vshll.u32 v61, $0x1;
	[tilespmem:s28+$0x160] =	vst v2  }
0x67: {  	v2 =	vshll.u32 v60, $0x1;
	[tilespmem:s28+$0x140] =	vst v5;
	v4 =	vor.u32 v0, v4  }
0x68: {  	v5 =	vshll.u32 v62, $0x1;
	v2 =	vor.u32 v0, v2;
	[tilespmem:s28+$0x120] =	vst v4  }
0x69: {  	v5 =	vor.u32 v0, v5;
	[tilespmem:s28+$0x130] =	vst v2;
	v3 =	vshll.u32 v3, $0x1  }
0x6a: {  	s29 =	simm.s32 $0x400;
	v2 =	vshll.u32 v63, $0x1;
	[tilespmem:s28+$0x110] =	vst v5;
	v3 =	vor.u32 v0, v3  }
.LBB2_4:
0x6b: {  	v2 =	vor.u32 v0, v2;
	[tilespmem:s28+$0x1C0] =	vst v3;
	s30 =	smov.u32 s29;
	s29 =	sadd.s32 $0x400, s29  }
0x6c: {  	p0 =	sne.s32 s29, $0x13C00;
	[tilespmem:s28+$0x100] =	vst v2  }
0x6d: {  	_ =	swait.ge [sflag:s23], $0x2000  }
0x6e: {  	s31 =	sadd.s32 $0x5000, s28;
	[sflag:s23] =	ssyncset.done $0x0  }
0x6f: {  	[sflag:s23] =	ssyncadd.s32 $0xFFFFE000  }
0x70: {  	[spmem:s2] =	stream.indirect.scatter.add.f32 [tilespmem:s18], [sflag:$0x3], $0x40, s31, s21, $0xb8;
	[tilespmem:$0x17F00] =	vst v63  }
0x71: {  	p1 =	seq.s32 s26, $0x13800;
	s26 =	smov.u32 s30;
	_ =	swait.ge [sflag:s19], $0x2000  }
0x72: {  	s30 =	sadd.s32 $0x100, s28;
	s31 =	simm.s32 @!p1 $0x80;
	[sflag:s19] =	ssyncset.done $0x0  }
0x73: {  	s0 =	simm.s32 @!p1 $0x9F00;
	[sflag:s19] =	ssyncadd.s32 $0xFFFFE000  }
0x74: {  	[tilespmem:s0], [sflag:$0x1] =	stream.indirect.gather @!p1 [hbm4b:s4+s31], $0x40, s30, s31, $0xb8;
	[tilespmem:$0x17F00] =	vst v63  }
0x75: {  	_ =	swait.ge [sflag:s24], $0x2000  }
0x76: {  	s0 =	sadd.s32 $0x5080, s28;
	[sflag:s24] =	ssyncset.done $0x0  }
0x77: {  	[sflag:s24] =	ssyncadd.s32 $0xFFFFE000  }
0x78: {  	[spmem:s2] =	stream.indirect.scatter.add.f32 [tilespmem:s22], [sflag:$0x3], $0x40, s0, s21, $0xb8;
	[tilespmem:$0x17F00] =	vst v63  }
0x79: {  	s28 =	sshra.s32 s26, $0x2;
	_ =	swait.ge [sflag:s19], $0x2000  }
0x7a: {  	s0 =	sadd.s32 $0x80, s28;
	[sflag:s19] =	ssyncset.done $0x0  }
0x7b: {  	[sflag:s19] =	ssyncadd.s32 $0xFFFFE000  }
0x7c: {  	[tilespmem:s22], [sflag:$0x2] =	stream.indirect.gather [hbm4b:s4+s21], $0x40, s0, s21, $0xb8;
	[tilespmem:$0x17F00] =	vst v63  }
0x7d: {  	v2 =	vld [tilespmem:s28+$0x1F0]  }
0x7e: {  	v3 =	vld [tilespmem:s28+$0x1B0]  }
0x7f: {  	v4 =	vld [tilespmem:s28+$0x1D0]  }
0x80: {  	v5 =	vld [tilespmem:s28+$0x1E0]  }
0x81: {  	v6 =	vld [tilespmem:s28+$0x1A0]  }
0x82: {  	v7 =	vld [tilespmem:s28+$0x190];
	v2 =	vshll.u32 v2, $0x1  }
0x83: {  	v8 =	vld [tilespmem:s28+$0x180];
	v3 =	vshll.u32 v3, $0x1;
	v2 =	vor.u32 v0, v2  }
0x84: {  	v9 =	vld [tilespmem:s28+$0x170];
	v3 =	vor.u32 v0, v3;
	v4 =	vshll.u32 v4, $0x1;
	[tilespmem:s28+$0x1F0] =	vst v2  }
0x85: {  	v2 =	vld [tilespmem:s28+$0x160];
	[tilespmem:s28+$0x1B0] =	vst v3;
	v3 =	vor.u32 v0, v4;
	v4 =	vshll.u32 v5, $0x1  }
0x86: {  	v5 =	vld [tilespmem:s28+$0x150];
	v6 =	vshll.u32 v6, $0x1;
	[tilespmem:s28+$0x1D0] =	vst v3;
	v3 =	vor.u32 v0, v4  }
0x87: {  	v4 =	vld [tilespmem:s28+$0x140];
	v7 =	vshll.u32 v7, $0x1;
	v6 =	vor.u32 v0, v6;
	[tilespmem:s28+$0x1E0] =	vst v3  }
0x88: {  	v3 =	vld [tilespmem:s28+$0x130];
	v8 =	vshll.u32 v8, $0x1;
	v7 =	vor.u32 v0, v7;
	[tilespmem:s28+$0x1A0] =	vst v6  }
0x89: {  	v6 =	vld [tilespmem:s28+$0x120];
	v9 =	vshll.u32 v9, $0x1;
	v8 =	vor.u32 v0, v8;
	[tilespmem:s28+$0x190] =	vst v7  }
0x8a: {  	v7 =	vld [tilespmem:s28+$0x110];
	v2 =	vshll.u32 v2, $0x1;
	v9 =	vor.u32 v0, v9;
	[tilespmem:s28+$0x180] =	vst v8  }
0x8b: {  	v5 =	vshll.u32 v5, $0x1;
	v2 =	vor.u32 v0, v2;
	[tilespmem:s28+$0x170] =	vst v9;
	v8 =	vld [tilespmem:s28+$0x1C0]  }
0x8c: {  	v9 =	vld [tilespmem:s28+$0x100];
	v4 =	vshll.u32 v4, $0x1;
	v5 =	vor.u32 v0, v5;
	[tilespmem:s28+$0x160] =	vst v2  }
.Ltmp1:
0x8d: {  	v2 =	vshll.u32 v3, $0x1;
	v3 =	vor.u32 v0, v4;
	[tilespmem:s28+$0x150] =	vst v5;
	(pc) =	sbr.rel @p0 .LBB2_4-.Ltmp1, $4  }
0x8e: {  	v4 =	vshll.u32 v6, $0x1;
	v2 =	vor.u32 v0, v2;
	[tilespmem:s28+$0x140] =	vst v3  }
0x8f: {  	v3 =	vshll.u32 v7, $0x1;
	v4 =	vor.u32 v0, v4;
	[tilespmem:s28+$0x130] =	vst v2  }
0x90: {  	v3 =	vor.u32 v0, v3;
	[tilespmem:s28+$0x120] =	vst v4;
	v4 =	vshll.u32 v8, $0x1  }
0x91: {  	v2 =	vshll.u32 v9, $0x1;
	[tilespmem:s28+$0x110] =	vst v3;
	v3 =	vor.u32 v0, v4  }
0x92: {  	v2 =	vor.u32 v0, v2;
	[tilespmem:s28+$0x1C0] =	vst v3  }
0x93: {  	[tilespmem:s28+$0x100] =	vst v2  }
0x94: {  	_ =	swait.ge [sflag:s23], $0x2000  }
0x95: {  	[sflag:s23] =	ssyncset.done $0x0  }
0x96: {  	s0 =	sadd.s32 $0x5000, s28;
	[sflag:s23] =	ssyncadd.s32 $0xFFFFE000  }
0x97: {  	[spmem:s2] =	stream.indirect.scatter.add.f32 [tilespmem:s18], [sflag:$0x3], $0x40, s0, s21, $0xb8;
	[tilespmem:$0x17F00] =	vst v63  }
0x98: {  	p0 =	seq.s32 s26, $0x13800;
	_ =	swait.ge [sflag:s19], $0x2000  }
0x99: {  	s26 =	simm.s32 @!p0 $0x80;
	[sflag:s19] =	ssyncset.done $0x0  }
0x9a: {  	s29 =	simm.s32 @!p0 $0x9F00;
	s0 =	sadd.s32 $0x100, s28;
	[sflag:s19] =	ssyncadd.s32 $0xFFFFE000  }
0x9b: {  	[tilespmem:s29], [sflag:$0x1] =	stream.indirect.gather @!p0 [hbm4b:s4+s26], $0x40, s0, s26, $0xb8;
	[tilespmem:$0x17F00] =	vst v63  }
0x9c: {  	_ =	swait.ge [sflag:s24], $0x2000  }
0x9d: {  	[sflag:s24] =	ssyncset.done $0x0  }
0x9e: {  	s31 =	sadd.s32 $0x5080, s28;
	[sflag:s24] =	ssyncadd.s32 $0xFFFFE000  }
0x9f: {  	[spmem:s2] =	stream.indirect.scatter.add.f32 [tilespmem:s22], [sflag:$0x3], $0x40, s31, s21, $0xb8;
	[tilespmem:$0x17F00] =	vst v63  }
0xa0: {  	_ =	swait.ge [sflag:s19], $0x2000  }
0xa1: {  	[sflag:s19] =	ssyncset.done $0x0  }
0xa2: {  	[sflag:s19] =	ssyncadd.s32 $0xFFFFE000  }
0xa3: {  	[bflag:$0x0] =	sbarrier.arrive $0xFFFF  }
0xa4: {  	[tilespmem:s18], [sflag:$0x3] =	stream.linear.gather [spmem:s5], $0x2000, $0x38;
	[tilespmem:$0x17F00] =	vst v63  }
0xa5: {  	_ =	swait.ge [sflag:s19], $0x2000  }
0xa6: {  	[sflag:s19] =	ssyncset.done $0x0  }
0xa7: {  	[sflag:s19] =	ssyncadd.s32 $0xFFFFE000  }
0xa8: {  	[hbm4b:s12+s3] =	stream.linear.scatter [tilespmem:s18], [sflag:$0x3], $0x2000, $0x38;
	[tilespmem:$0x17F00] =	vst v63  }
0xa9: {  	_ =	swait.ge [sflag:s19], $0x2000  }
0xaa: {  	[sflag:s19] =	ssyncset.done $0x0  }
0xab: {  	[sflag:s19] =	ssyncadd.s32 $0xFFFFE000  }
0xac: {  	[tilespmem:s18], [sflag:$0x3] =	stream.linear.gather [spmem:s6], $0x2000, $0x38;
	[tilespmem:$0x17F00] =	vst v63  }
0xad: {  	_ =	swait.ge [sflag:s19], $0x2000  }
0xae: {  	[sflag:s19] =	ssyncset.done $0x0  }
0xaf: {  	[sflag:s19] =	ssyncadd.s32 $0xFFFFE000  }
0xb0: {  	[hbm4b:s13+s3] =	stream.linear.scatter [tilespmem:s18], [sflag:$0x3], $0x2000, $0x38;
	[tilespmem:$0x17F00] =	vst v63  }
0xb1: {  	_ =	swait.ge [sflag:s19], $0x2000  }
0xb2: {  	[sflag:s19] =	ssyncset.done $0x0  }
0xb3: {  	[sflag:s19] =	ssyncadd.s32 $0xFFFFE000  }
0xb4: {  	[tilespmem:s18], [sflag:$0x3] =	stream.linear.gather [spmem:s7], $0x2000, $0x38;
	[tilespmem:$0x17F00] =	vst v63  }
0xb5: {  	_ =	swait.ge [sflag:s19], $0x2000  }
0xb6: {  	[sflag:s19] =	ssyncset.done $0x0  }
0xb7: {  	[sflag:s19] =	ssyncadd.s32 $0xFFFFE000  }
0xb8: {  	[hbm4b:s14+s3] =	stream.linear.scatter [tilespmem:s18], [sflag:$0x3], $0x2000, $0x38;
	[tilespmem:$0x17F00] =	vst v63  }
0xb9: {  	_ =	swait.ge [sflag:s19], $0x2000  }
0xba: {  	[sflag:s19] =	ssyncset.done $0x0  }
0xbb: {  	[sflag:s19] =	ssyncadd.s32 $0xFFFFE000  }
0xbc: {  	[tilespmem:s18], [sflag:$0x3] =	stream.linear.gather [spmem:s8], $0x2000, $0x38;
	[tilespmem:$0x17F00] =	vst v63  }
0xbd: {  	_ =	swait.ge [sflag:s19], $0x2000  }
0xbe: {  	[sflag:s19] =	ssyncset.done $0x0  }
0xbf: {  	[sflag:s19] =	ssyncadd.s32 $0xFFFFE000  }
0xc0: {  	[hbm4b:s15+s3] =	stream.linear.scatter [tilespmem:s18], [sflag:$0x3], $0x2000, $0x38;
	[tilespmem:$0x17F00] =	vst v63  }
0xc1: {  	_ =	swait.ge [sflag:s19], $0x2000  }
0xc2: {  	[sflag:s19] =	ssyncset.done $0x0  }
0xc3: {  	[sflag:s19] =	ssyncadd.s32 $0xFFFFE000  }
0xc4: {  	[tilespmem:s18], [sflag:$0x3] =	stream.linear.gather [spmem:s9], $0x2000, $0x38;
	[tilespmem:$0x17F00] =	vst v63  }
0xc5: {  	s25 =	sadd.s32 $0x1, s25;
	_ =	swait.ge [sflag:s19], $0x2000  }
0xc6: {  	p0 =	sne.s32 s25, s17;
	[sflag:s19] =	ssyncset.done $0x0  }
.Ltmp2:
0xc7: {  	[sflag:s19] =	ssyncadd.s32 $0xFFFFE000;
	(pc) =	sbr.rel @p0 .LBB2_1-.Ltmp2, $4  }
0xc8: {  	[hbm4b:s16+s3] =	stream.linear.scatter [tilespmem:s18], [sflag:$0x3], $0x2000, $0x38;
	[tilespmem:$0x17F00] =	vst v63  }
0xc9: {  	_ =	swait.ge [sflag:s19], $0x2000  }
0xca: {  	[sflag:s19] =	ssyncset.done $0x0  }
0xcb: {  	[sflag:s19] =	ssyncadd.s32 $0xFFFFE000  }
0xcc: {  	_ =	sfence.sel $0x180000  }
0xcd: {  	[bflag:$0x0] =	sbarrier.arrive $0xFFFF  }
0xce: {  	_ =	strace $0x90000047  }
0xcf: {  	[bflag:$0x2] =	sbarrier.arrive $0xFFFF  }
0xd0: {  	p0 =	sne.s32 s1, $0x0;
	s0 =	rddreg [dreg:$0x3]  }
0xd1: {  	s0 =	sadd.s32 @!p0 $0x100000, s0  }
0xd2: {  	[sflag:s0] =	ssyncadd.tile.s32 @!p0 $0x1;
	_ =	shalt  }
.Lfunc_end2:
_tile_overlayer_lowered:
.L_overlay_start_2:
0xd3: {  	(tag) =	ssettag $0x2  }
0xd4: {  	s0 =	rddreg [dreg:$0x0];
	s2 =	stileid.u32  }
0xd5: {  	s1 =	rddreg [dreg:$0x1];
	p0 =	sne.s32 s2, $0x0  }
0xd6: {  	s3 =	rddreg [dreg:$0x2];
	[bflag:$0x3] =	sbarrier.arrive $0xFFFF;
	s2 =	simm.s32 @!p0 $0x1C03  }
0xd7: {  	[timem:s3], [sflag:s2] =	dma.local @!p0 [hbm:s0], s1  }
0xd8: {  	s0 =	simm.s32 @!p0 $0x3  }
0xd9: {  	_ =	swait.ge @!p0 [sflag:s0], s1  }
0xda: {  	s1 =	ssub.s32 @!p0 $0x0, s1;
	[sflag:s0] =	ssyncset.done @!p0 $0x0  }
0xdb: {  	[sflag:s0] =	ssyncadd.s32 @!p0 s1  }
0xdc: {  	[bflag:$0x3] =	sbarrier.arrive $0xFFFF  }
0xdd: {  	_ =	shalt  }

</sc_bundles>
